<compile_context>
chip_gen: v7x
topology: tpu7x:2x2x1
jax: 0.10.2.dev20260603
libtpu: 0.0.44.dev20260713+nightly
codegen_flags: <defaults>
</compile_context>

<pallas_src>
import functools

import numpy as np
import jax
import jax.numpy as jnp
from jax import lax
from jax.experimental import pallas as pl
from jax.experimental.pallas import tpu as pltpu
from jax.experimental.pallas import tpu_sc as plsc

N = 10000
E = 160000
D = 16
H = 4
DH = D // H
NB = 16
HID = 64

NW = 32
CHUNK = 128
EPAD = 163840
EPW = EPAD // NW
NITER = EPW // CHUNK
SLAB = 8
NPAD = 10240
NPS = NPAD // 16
PW = 32

TE = 4096
TN = 1024

@functools.lru_cache(maxsize=None)
def _build_sc_kernels(row0, nc):
    epadh = NW * nc * CHUNK
    epwh = nc * CHUNK
    mesh = plsc.VectorSubcoreMesh(core_axis_name="c", subcore_axis_name="s")

    @functools.partial(
        pl.kernel,
        out_type=(jax.ShapeDtypeStruct((epadh, D), jnp.float32),
                  jax.ShapeDtypeStruct((epadh, D), jnp.float32)),
        mesh=mesh,
        scratch_types=[
            pltpu.VMEM((nc, CHUNK), jnp.int32),
            pltpu.VMEM((nc, CHUNK), jnp.int32),
            pltpu.VMEM((epwh, D), jnp.float32),
            pltpu.SemaphoreType.DMA,
        ],
        compiler_params=pltpu.CompilerParams(use_tc_tiling_on_sc=False),
    )
    def sc_gather(nf_hbm, src2_hbm, dst2_hbm, xs_hbm, xd_hbm,
                  idxs2, idxd2, rows, sem):
        c = lax.axis_index("c")
        s = lax.axis_index("s")
        wid = s * 2 + c
        pltpu.sync_copy(src2_hbm.at[pl.ds(row0 + wid * nc, nc)], idxs2)
        pltpu.sync_copy(dst2_hbm.at[pl.ds(row0 + wid * nc, nc)], idxd2)
        ebase = wid * epwh

        def one_pass(idx2, out_hbm):
            def body(b, carry):
                cps = []
                for j in range(SLAB):
                    k = b * SLAB + j
                    cps.append(pltpu.async_copy(
                        nf_hbm.at[idx2.at[k]],
                        rows.at[pl.ds(k * CHUNK, CHUNK)], sem))
                for cp in cps:
                    cp.wait()
                return carry

            lax.fori_loop(0, nc // SLAB, body, 0)
            pltpu.sync_copy(rows, out_hbm.at[pl.ds(ebase, epwh)])

        one_pass(idxs2, xs_hbm)
        one_pass(idxd2, xd_hbm)

    @functools.partial(
        pl.kernel,
        out_type=jax.ShapeDtypeStruct((2 * NPAD, PW), jnp.float32),
        mesh=mesh,
        scratch_types=[
            pltpu.VMEM((nc, CHUNK), jnp.int32),
            pltpu.VMEM((SLAB * CHUNK, PW), jnp.float32),
            pltpu.VMEM((NPS, PW), jnp.float32),
            pltpu.VMEM_SHARED((NPAD, PW), jnp.float32),
            pltpu.SemaphoreType.DMA,
        ],
        compiler_params=pltpu.CompilerParams(use_tc_tiling_on_sc=False),
    )
    def sc_aggregate(payload_hbm, dst2_hbm, zeros_hbm, out_hbm,
                     idxd2, pbuf, outv, acc_sh, sem):
        c = lax.axis_index("c")
        s = lax.axis_index("s")
        pltpu.sync_copy(zeros_hbm.at[pl.ds(s * NPS, NPS)],
                        acc_sh.at[pl.ds(s * NPS, NPS)])
        plsc.subcore_barrier()
        wid = s * 2 + c
        pltpu.sync_copy(dst2_hbm.at[pl.ds(row0 + wid * nc, nc)], idxd2)
        ebase = wid * epwh

        def body(b, carry):
            pltpu.sync_copy(
                payload_hbm.at[pl.ds(ebase + b * SLAB * CHUNK, SLAB * CHUNK)],
                pbuf)
            cps = []
            for j in range(SLAB):
                k = b * SLAB + j
                cps.append(pltpu.async_copy(
                    pbuf.at[pl.ds(j * CHUNK, CHUNK)],
                    acc_sh.at[idxd2.at[k]], sem, add=True))
            for cp in cps:
                cp.wait()
            return carry

        lax.fori_loop(0, nc // SLAB, body, 0)
        plsc.subcore_barrier()
        pltpu.sync_copy(acc_sh.at[pl.ds(s * NPS, NPS)], outv)
        pltpu.sync_copy(outv, out_hbm.at[pl.ds(c * NPAD + s * NPS, NPS)])

    return sc_gather, sc_aggregate


def _silu(x):
    return x * (1.0 / (1.0 + jnp.exp(-x)))


def _edge_body(r_ref, xs_ref, xd_ref, sh_ref,
               w1_ref, b1_ref, wk2_ref, bk2_ref, bv2_ref, wv2_ref,
               wqd_ref, rrep_ref, ssum_ref, shf_ref, out_ref):
    r = r_ref[...]
    h1 = _silu(r @ w1_ref[...] + b1_ref[...])
    hk = h1[:, :HID]
    hv = h1[:, HID:]
    kw = hk @ wk2_ref[...] + bk2_ref[...]
    vw = hv @ wv2_ref[...] + bv2_ref[...]
    xr = xs_ref[...] @ rrep_ref[...]
    kraw = (xr * kw) @ ssum_ref[...]
    vraw = (xr * vw) @ ssum_ref[...]
    qw = xd_ref[...] @ wqd_ref[...]
    sh = sh_ref[...]
    lg = ((qw * kraw) @ shf_ref[...]) * sh
    ex = jnp.exp(lg)
    vact = vraw * (sh * 0.25)
    exv = ex * vact
    out_ref[...] = jnp.concatenate([exv, ex], axis=1)


def _edge_stage(r, xs, xd, sh, w1, b1, wk2, bk2, bv2, wv2,
                wqd, rrep, ssum, shf, ntiles, tile0):
    off_spec = lambda w: pl.BlockSpec((TE, w), lambda i: (i + tile0, 0))
    edge_spec = lambda w: pl.BlockSpec((TE, w), lambda i: (i, 0))
    full_spec = lambda a, b: pl.BlockSpec((a, b), lambda i: (0, 0))
    return pl.pallas_call(
        _edge_body,
        grid=(ntiles,),
        in_specs=[
            off_spec(NB), edge_spec(D), edge_spec(D), off_spec(1),
            full_spec(NB, 2 * HID), full_spec(1, 2 * HID),
            full_spec(HID, D * D), full_spec(1, D * D),
            full_spec(1, D * D), full_spec(HID, D * D),
            full_spec(D, D), full_spec(D, D * D),
            full_spec(D * D, D), full_spec(D, D),
        ],
        out_specs=pl.BlockSpec((TE, PW), lambda i: (i, 0)),
        out_shape=jax.ShapeDtypeStruct((ntiles * TE, PW), jnp.float32),
    )(r, xs, xd, sh, w1, b1, wk2, bk2, bv2, wv2,
      wqd, rrep, ssum, shf)


def _final_body(nf_ref, p0_ref, p1_ref, wout_ref, wf1_ref, wf2_ref, out_ref):
    acc = p0_ref[...] + p1_ref[...]
    num = acc[:, :D]
    den = acc[:, D:]
    out_h = num / (den + 1e-9)
    node = nf_ref[...] + out_h @ wout_ref[...]
    hq = _silu(node @ wf1_ref[...])
    out_ref[...] = node + hq @ wf2_ref[...]


def _final_stage(nf_pad, parts, wout4, wf1s, wf2s):
    nb = NPAD // TN
    return pl.pallas_call(
        _final_body,
        grid=(nb,),
        in_specs=[
            pl.BlockSpec((TN, D), lambda i: (i, 0)),
            pl.BlockSpec((TN, PW), lambda i: (i, 0)),
            pl.BlockSpec((TN, PW), lambda i: (i + nb, 0)),
            pl.BlockSpec((D, D), lambda i: (0, 0)),
            pl.BlockSpec((D, 2 * D), lambda i: (0, 0)),
            pl.BlockSpec((2 * D, D), lambda i: (0, 0)),
        ],
        out_specs=pl.BlockSpec((TN, D), lambda i: (i, 0)),
        out_shape=jax.ShapeDtypeStruct((NPAD, D), jnp.float32),
    )(nf_pad, parts, parts, wout4, wf1s, wf2s)


_RREP = np.kron(np.eye(D), np.ones((1, D))).astype(np.float32)
_SSUM = np.kron(np.ones((D, 1)), np.eye(D)).astype(np.float32)
_SHF = np.kron(np.eye(H), np.ones((DH, DH))).astype(np.float32)


def kernel(node_features, edge_index, edge_sh, edge_radial_emb,
           Wq, Wk1, bk1, Wk2, bk2, Wv1, bv1, Wv2, bv2, Wdot, Wout, Wf1, Wf2):
    f32 = jnp.float32
    src = jnp.concatenate(
        [edge_index[0].astype(jnp.int32),
         jnp.zeros((EPAD - E,), jnp.int32)])
    dst = jnp.concatenate(
        [edge_index[1].astype(jnp.int32),
         jnp.full((EPAD - E,), NPAD - 1, jnp.int32)])
    r = jnp.concatenate(
        [edge_radial_emb.astype(f32), jnp.zeros((EPAD - E, NB), f32)])
    sh = jnp.concatenate(
        [edge_sh.astype(f32), jnp.zeros((EPAD - E, 1), f32)])
    nf_pad = jnp.concatenate(
        [node_features.astype(f32), jnp.zeros((NPAD - N, D), f32)])

    wdot_bd = jnp.kron(jnp.eye(H, dtype=f32), Wdot.astype(f32))
    wqd = (Wq.astype(f32) @ wdot_bd) * (1.0 / 128.0)
    wout4 = Wout.astype(f32) * 0.25
    wf1s = Wf1.astype(f32) * 0.25
    wf2s = Wf2.astype(f32) * (1.0 / np.sqrt(2 * D))

    sc_gather, sc_aggregate = _build_sc_kernels(0, NITER)
    src2 = src.reshape(EPAD // CHUNK, CHUNK)
    dst2 = dst.reshape(EPAD // CHUNK, CHUNK)
    w1 = jnp.concatenate([Wk1.astype(f32), Wv1.astype(f32)], axis=1)
    b1 = jnp.concatenate([bk1.astype(f32), bv1.astype(f32)]).reshape(1, 2 * HID)
    edge_weights = (
        w1, b1,
        Wk2.astype(f32), bk2.astype(f32).reshape(1, D * D),
        bv2.astype(f32).reshape(1, D * D), Wv2.astype(f32),
        wqd, jnp.asarray(_RREP), jnp.asarray(_SSUM), jnp.asarray(_SHF))
    zeros = jnp.zeros((NPAD, PW), f32)

    xs, xd = sc_gather(nf_pad, src2, dst2)
    payload = _edge_stage(r, xs, xd, sh, *edge_weights,
                          ntiles=EPAD // TE, tile0=0)
    parts = sc_aggregate(payload, dst2, zeros)
    out = _final_stage(nf_pad, parts, wout4, wf1s, wf2s)
    return out[:N]

# --- scband reference (transcript-rebuilt; emitter-appended) ---
"""Pipeline reference for scband-se3-transformer-interaction-block-47571057770949 (READ-ONLY COPY).

The authoritative reference and input builder live on the scoring server;
editing this copy changes nothing except your own understanding.
"""

import jax, jax.numpy as jnp
import numpy as np

N = 10000
E = 160000
D = 16
H = 4
DH = D // H
SH = 1
NB = 16
HID = 64

def _radial_mlp(x, W1, b1, W2, b2):
    h = jax.nn.silu(x @ W1 + b1)
    return h @ W2 + b2

def _tp_fc(x, sh, w):
    # FullyConnectedTensorProduct over scalar (0e) irreps with per-edge weights,
    # path-normalized by sqrt(num_input_paths) = sqrt(D*SH)
    w = w.reshape(-1, D, SH, D)
    return jnp.einsum('ei,ej,eijo->eo', x, sh, w) / np.sqrt(D * SH)

def setup_inputs(seed: int = 0):
    key = jax.random.key(seed)
    ks = jax.random.split(key, 18)
    inp = {}
    inp['node_features'] = jax.random.normal(ks[0], (N, D), dtype=jnp.float32)
    inp['edge_index'] = jax.random.randint(ks[1], (2, E), 0, N)
    inp['edge_sh'] = jax.random.normal(ks[2], (E, SH), dtype=jnp.float32)
    inp['edge_radial_emb'] = jax.random.uniform(ks[3], (E, NB), dtype=jnp.float32)
    inp['Wq'] = jax.random.normal(ks[4], (D, D), dtype=jnp.float32)
    inp['Wk1'] = jax.random.normal(ks[5], (NB, HID), dtype=jnp.float32) / np.sqrt(NB)
    inp['bk1'] = jnp.zeros((HID,), dtype=jnp.float32)
    inp['Wk2'] = jax.random.normal(ks[6], (HID, D * SH * D), dtype=jnp.float32) / np.sqrt(HID)
    inp['bk2'] = jnp.zeros((D * SH * D,), dtype=jnp.float32)
    inp['Wv1'] = jax.random.normal(ks[7], (NB, HID), dtype=jnp.float32) / np.sqrt(NB)
    inp['bv1'] = jnp.zeros((HID,), dtype=jnp.float32)
    inp['Wv2'] = jax.random.normal(ks[8], (HID, D * SH * D), dtype=jnp.float32) / np.sqrt(HID)
    inp['bv2'] = jnp.zeros((D * SH * D,), dtype=jnp.float32)
    inp['Wdot'] = jax.random.normal(ks[9], (DH, DH), dtype=jnp.float32)
    inp['Wout'] = jax.random.normal(ks[10], (D, D), dtype=jnp.float32)
    inp['Wf1'] = jax.random.normal(ks[11], (D, 2 * D), dtype=jnp.float32)
    inp['Wf2'] = jax.random.normal(ks[12], (2 * D, D), dtype=jnp.float32)
    return inp

def reference(node_features, edge_index, edge_sh, edge_radial_emb, Wq, Wk1, bk1, Wk2, bk2, Wv1, bv1, Wv2, bv2, Wdot, Wout, Wf1, Wf2):
    src = edge_index[0]
    dst = edge_index[1]
    # query network (e3nn Linear on scalars, path-normalized)
    q = node_features @ Wq / np.sqrt(D)
    # edge key/value network: radial MLP emits per-edge TP weights
    x_src = node_features[src]
    kw = _radial_mlp(edge_radial_emb, Wk1, bk1, Wk2, bk2)
    k = _tp_fc(x_src, edge_sh, kw)
    vw = _radial_mlp(edge_radial_emb, Wv1, bv1, Wv2, bv2)
    v = _tp_fc(x_src, edge_sh, vw)
    # multi-head attention over edges
    qh = q[dst].reshape(E, H, DH)
    kh = k.reshape(E, H, DH)
    vh = v.reshape(E, H, DH)
    logits = jnp.einsum('ehi,ij,ehj->eh', qh, Wdot, kh) / np.sqrt(DH * DH)
    logits = logits * (1.0 / np.sqrt(DH))
    # segment softmax over incoming edges of each dst node
    m = jax.ops.segment_max(logits, dst, num_segments=N)
    m = jnp.where(jnp.isfinite(m), m, 0.0)
    logits = logits - jax.lax.stop_gradient(m)[dst]
    ex = jnp.exp(logits)
    denom = jax.ops.segment_sum(ex, dst, num_segments=N)[dst]
    alpha = ex / (denom + 1e-9)
    out_h = jax.ops.segment_sum(alpha[:, :, None] * vh, dst, num_segments=N)
    attn = out_h.reshape(N, D) @ Wout / np.sqrt(D)
    # residual + FFN (SafeNormActivation on scalars == silu)
    node = node_features + attn
    h = jax.nn.silu(node @ Wf1 / np.sqrt(D))
    ffn = h @ Wf2 / np.sqrt(2 * D)
    return node + ffn

if __name__ == "__main__":
    import jax
    _d = setup_inputs()
    print(jax.jit(kernel)(*tuple(_d.values())))

</pallas_src>

<mosaic_0001>
#map = affine_map<(d0, d1) -> (0, 0)>
module attributes {stable_mosaic.version = 14 : i64} {
  func.func @sc_gather(%arg0: i32, %arg1: i32, %arg2: memref<10240x16xf32, #tpu.memory_space<hbm>>, %arg3: memref<1280x128xi32, #tpu.memory_space<hbm>>, %arg4: memref<1280x128xi32, #tpu.memory_space<hbm>>, %arg5: memref<163840x16xf32, #tpu.memory_space<hbm>>, %arg6: memref<163840x16xf32, #tpu.memory_space<hbm>>, %arg7: memref<40x128xi32, #tpu.memory_space<vmem>>, %arg8: memref<40x128xi32, #tpu.memory_space<vmem>>, %arg9: memref<5120x16xf32, #tpu.memory_space<vmem>>, %arg10: memref<!tpu.dma_semaphore, #tpu.memory_space<semaphore_mem>>) attributes {dimension_semantics = [#tpu.dimension_semantics<core_parallel>, #tpu.dimension_semantics<subcore_parallel>], iteration_bounds = array<i64: 2, 16>, scalar_prefetch = 0 : i64, scratch_operands = 4 : i64, tpu.core_type = #tpu.core_type<sc_vector_subcore>, window_params = [{transform_indices = #map}, {transform_indices = #map}, {transform_indices = #map}, {transform_indices = #map}, {transform_indices = #map}]} {
    %mul3A = arith.constant 2 : i32
    %mul3A_0 = arith.muli %arg1, %mul3A : i32
    %add3A = arith.addi %mul3A_0, %arg0 : i32
    %mul3A_1 = arith.constant 40 : i32
    %mul3A_2 = arith.muli %add3A, %mul3A_1 : i32
    %add3A_3 = arith.constant 0 : i32
    %add3A_4 = arith.addi %add3A_3, %mul3A_2 : i32
    "tpu.region"() ({
      %run_scoped3A = tpu.sem_alloc : memref<!tpu.dma_semaphore, #tpu.memory_space<semaphore_mem>>
      %dma_start3A = arith.constant 0 : i32
      %dma_start3A_22 = tpu.memref_slice %arg3[%add3A_4, %dma_start3A] : memref<1280x128xi32, #tpu.memory_space<hbm>> -> memref<40x128xi32, #tpu.memory_space<hbm>>
      %dma_start3A_23 = arith.constant 0 : i32
      %dma_start3A_24 = tpu.memref_slice %arg3[%add3A_4, %dma_start3A_23] : memref<1280x128xi32, #tpu.memory_space<hbm>> -> memref<40x128xi32, #tpu.memory_space<hbm>>
      tpu.enqueue_dma source(%dma_start3A_24 : memref<40x128xi32, #tpu.memory_space<hbm>>) target(%arg7 : memref<40x128xi32, #tpu.memory_space<vmem>>) target_semaphore(%run_scoped3A : memref<!tpu.dma_semaphore, #tpu.memory_space<semaphore_mem>>)
      %dma_wait3A = arith.constant 0 : i32
      %dma_wait3A_25 = tpu.memref_slice %arg3[%add3A_4, %dma_wait3A] : memref<1280x128xi32, #tpu.memory_space<hbm>> -> memref<40x128xi32, #tpu.memory_space<hbm>>
      %dma_wait3A_26 = arith.constant 0 : i32
      %dma_wait3A_27 = tpu.memref_slice %arg3[%add3A_4, %dma_wait3A_26] : memref<1280x128xi32, #tpu.memory_space<hbm>> -> memref<40x128xi32, #tpu.memory_space<hbm>>
      tpu.wait_dma2 semaphore(%run_scoped3A : memref<!tpu.dma_semaphore, #tpu.memory_space<semaphore_mem>>) src(%dma_wait3A_27 : memref<40x128xi32, #tpu.memory_space<hbm>>) dst(%arg7 : memref<40x128xi32, #tpu.memory_space<vmem>>)
      tpu.yield
    }) : () -> ()
    %mul3A_5 = arith.constant 40 : i32
    %mul3A_6 = arith.muli %add3A, %mul3A_5 : i32
    %add3A_7 = arith.constant 0 : i32
    %add3A_8 = arith.addi %add3A_7, %mul3A_6 : i32
    "tpu.region"() ({
      %run_scoped3A = tpu.sem_alloc : memref<!tpu.dma_semaphore, #tpu.memory_space<semaphore_mem>>
      %dma_start3A = arith.constant 0 : i32
      %dma_start3A_22 = tpu.memref_slice %arg4[%add3A_8, %dma_start3A] : memref<1280x128xi32, #tpu.memory_space<hbm>> -> memref<40x128xi32, #tpu.memory_space<hbm>>
      %dma_start3A_23 = arith.constant 0 : i32
      %dma_start3A_24 = tpu.memref_slice %arg4[%add3A_8, %dma_start3A_23] : memref<1280x128xi32, #tpu.memory_space<hbm>> -> memref<40x128xi32, #tpu.memory_space<hbm>>
      tpu.enqueue_dma source(%dma_start3A_24 : memref<40x128xi32, #tpu.memory_space<hbm>>) target(%arg8 : memref<40x128xi32, #tpu.memory_space<vmem>>) target_semaphore(%run_scoped3A : memref<!tpu.dma_semaphore, #tpu.memory_space<semaphore_mem>>)
      %dma_wait3A = arith.constant 0 : i32
      %dma_wait3A_25 = tpu.memref_slice %arg4[%add3A_8, %dma_wait3A] : memref<1280x128xi32, #tpu.memory_space<hbm>> -> memref<40x128xi32, #tpu.memory_space<hbm>>
      %dma_wait3A_26 = arith.constant 0 : i32
      %dma_wait3A_27 = tpu.memref_slice %arg4[%add3A_8, %dma_wait3A_26] : memref<1280x128xi32, #tpu.memory_space<hbm>> -> memref<40x128xi32, #tpu.memory_space<hbm>>
      tpu.wait_dma2 semaphore(%run_scoped3A : memref<!tpu.dma_semaphore, #tpu.memory_space<semaphore_mem>>) src(%dma_wait3A_27 : memref<40x128xi32, #tpu.memory_space<hbm>>) dst(%arg8 : memref<40x128xi32, #tpu.memory_space<vmem>>)
      tpu.yield
    }) : () -> ()
    %mul3A_9 = arith.constant 5120 : i32
    %mul3A_10 = arith.muli %add3A, %mul3A_9 : i32
    %scan3A = arith.constant 0 : i32
    %scan3A_11 = arith.constant 0 : i32
    %scan3A_12 = arith.constant 5 : i32
    %scan3A_13 = arith.addi %scan3A_11, %scan3A_12 : i32
    %scan3A_14 = arith.constant 1 : i32
    scf.for %scan3A_22 = %scan3A_11 to %scan3A_13 step %scan3A_14  : i32 {
      %mul3A_23 = arith.constant 8 : i32
      %mul3A_24 = arith.muli %scan3A_22, %mul3A_23 : i32
      %add3A_25 = arith.constant 0 : i32
      %add3A_26 = arith.addi %mul3A_24, %add3A_25 : i32
      %mul3A_27 = arith.constant 128 : i32
      %mul3A_28 = arith.muli %add3A_26, %mul3A_27 : i32
      %dma_start3A = arith.constant 0 : i32
      %dma_start3A_29 = tpu.memref_slice %arg9[%mul3A_28, %dma_start3A] : memref<5120x16xf32, #tpu.memory_space<vmem>> -> memref<128x16xf32, #tpu.memory_space<vmem>>
      %dma_start3A_30 = arith.constant 0 : i32
      %dma_start3A_31 = tpu.memref_slice %arg7[%add3A_26, %dma_start3A_30] : memref<40x128xi32, #tpu.memory_space<vmem>> -> memref<1x128xi32, #tpu.memory_space<vmem>>
      %dma_start3A_32 = tpu.memref_squeeze %dma_start3A_31 : memref<1x128xi32, #tpu.memory_space<vmem>> -> memref<128xi32, #tpu.memory_space<vmem>>
      %dma_start3A_33 = arith.constant 0 : i32
      %dma_start3A_34 = arith.constant 0 : i32
      %dma_start3A_35 = tpu.memref_slice %arg2[%dma_start3A_33, %dma_start3A_34] : memref<10240x16xf32, #tpu.memory_space<hbm>> -> memref<10240x16xf32, #tpu.memory_space<hbm>>
      tpu.enqueue_indirect_dma source(%dma_start3A_35 : memref<10240x16xf32, #tpu.memory_space<hbm>>) target(%dma_start3A_29 : memref<128x16xf32, #tpu.memory_space<vmem>>) offsets(%dma_start3A_32 : memref<128xi32, #tpu.memory_space<vmem>>) semaphore(%arg10 : memref<!tpu.dma_semaphore, #tpu.memory_space<semaphore_mem>>)
      %mul3A_36 = arith.constant 8 : i32
      %mul3A_37 = arith.muli %scan3A_22, %mul3A_36 : i32
      %add3A_38 = arith.constant 1 : i32
      %add3A_39 = arith.addi %mul3A_37, %add3A_38 : i32
      %mul3A_40 = arith.constant 128 : i32
      %mul3A_41 = arith.muli %add3A_39, %mul3A_40 : i32
      %dma_start3A_42 = arith.constant 0 : i32
      %dma_start3A_43 = tpu.memref_slice %arg9[%mul3A_41, %dma_start3A_42] : memref<5120x16xf32, #tpu.memory_space<vmem>> -> memref<128x16xf32, #tpu.memory_space<vmem>>
      %dma_start3A_44 = arith.constant 0 : i32
      %dma_start3A_45 = tpu.memref_slice %arg7[%add3A_39, %dma_start3A_44] : memref<40x128xi32, #tpu.memory_space<vmem>> -> memref<1x128xi32, #tpu.memory_space<vmem>>
      %dma_start3A_46 = tpu.memref_squeeze %dma_start3A_45 : memref<1x128xi32, #tpu.memory_space<vmem>> -> memref<128xi32, #tpu.memory_space<vmem>>
      %dma_start3A_47 = arith.constant 0 : i32
      %dma_start3A_48 = arith.constant 0 : i32
      %dma_start3A_49 = tpu.memref_slice %arg2[%dma_start3A_47, %dma_start3A_48] : memref<10240x16xf32, #tpu.memory_space<hbm>> -> memref<10240x16xf32, #tpu.memory_space<hbm>>
      tpu.enqueue_indirect_dma source(%dma_start3A_49 : memref<10240x16xf32, #tpu.memory_space<hbm>>) target(%dma_start3A_43 : memref<128x16xf32, #tpu.memory_space<vmem>>) offsets(%dma_start3A_46 : memref<128xi32, #tpu.memory_space<vmem>>) semaphore(%arg10 : memref<!tpu.dma_semaphore, #tpu.memory_space<semaphore_mem>>)
      %mul3A_50 = arith.constant 8 : i32
      %mul3A_51 = arith.muli %scan3A_22, %mul3A_50 : i32
      %add3A_52 = arith.constant 2 : i32
      %add3A_53 = arith.addi %mul3A_51, %add3A_52 : i32
      %mul3A_54 = arith.constant 128 : i32
      %mul3A_55 = arith.muli %add3A_53, %mul3A_54 : i32
      %dma_start3A_56 = arith.constant 0 : i32
      %dma_start3A_57 = tpu.memref_slice %arg9[%mul3A_55, %dma_start3A_56] : memref<5120x16xf32, #tpu.memory_space<vmem>> -> memref<128x16xf32, #tpu.memory_space<vmem>>
      %dma_start3A_58 = arith.constant 0 : i32
      %dma_start3A_59 = tpu.memref_slice %arg7[%add3A_53, %dma_start3A_58] : memref<40x128xi32, #tpu.memory_space<vmem>> -> memref<1x128xi32, #tpu.memory_space<vmem>>
      %dma_start3A_60 = tpu.memref_squeeze %dma_start3A_59 : memref<1x128xi32, #tpu.memory_space<vmem>> -> memref<128xi32, #tpu.memory_space<vmem>>
      %dma_start3A_61 = arith.constant 0 : i32
      %dma_start3A_62 = arith.constant 0 : i32
      %dma_start3A_63 = tpu.memref_slice %arg2[%dma_start3A_61, %dma_start3A_62] : memref<10240x16xf32, #tpu.memory_space<hbm>> -> memref<10240x16xf32, #tpu.memory_space<hbm>>
      tpu.enqueue_indirect_dma source(%dma_start3A_63 : memref<10240x16xf32, #tpu.memory_space<hbm>>) target(%dma_start3A_57 : memref<128x16xf32, #tpu.memory_space<vmem>>) offsets(%dma_start3A_60 : memref<128xi32, #tpu.memory_space<vmem>>) semaphore(%arg10 : memref<!tpu.dma_semaphore, #tpu.memory_space<semaphore_mem>>)
      %mul3A_64 = arith.constant 8 : i32
      %mul3A_65 = arith.muli %scan3A_22, %mul3A_64 : i32
      %add3A_66 = arith.constant 3 : i32
      %add3A_67 = arith.addi %mul3A_65, %add3A_66 : i32
      %mul3A_68 = arith.constant 128 : i32
      %mul3A_69 = arith.muli %add3A_67, %mul3A_68 : i32
      %dma_start3A_70 = arith.constant 0 : i32
      %dma_start3A_71 = tpu.memref_slice %arg9[%mul3A_69, %dma_start3A_70] : memref<5120x16xf32, #tpu.memory_space<vmem>> -> memref<128x16xf32, #tpu.memory_space<vmem>>
      %dma_start3A_72 = arith.constant 0 : i32
      %dma_start3A_73 = tpu.memref_slice %arg7[%add3A_67, %dma_start3A_72] : memref<40x128xi32, #tpu.memory_space<vmem>> -> memref<1x128xi32, #tpu.memory_space<vmem>>
      %dma_start3A_74 = tpu.memref_squeeze %dma_start3A_73 : memref<1x128xi32, #tpu.memory_space<vmem>> -> memref<128xi32, #tpu.memory_space<vmem>>
      %dma_start3A_75 = arith.constant 0 : i32
      %dma_start3A_76 = arith.constant 0 : i32
      %dma_start3A_77 = tpu.memref_slice %arg2[%dma_start3A_75, %dma_start3A_76] : memref<10240x16xf32, #tpu.memory_space<hbm>> -> memref<10240x16xf32, #tpu.memory_space<hbm>>
      tpu.enqueue_indirect_dma source(%dma_start3A_77 : memref<10240x16xf32, #tpu.memory_space<hbm>>) target(%dma_start3A_71 : memref<128x16xf32, #tpu.memory_space<vmem>>) offsets(%dma_start3A_74 : memref<128xi32, #tpu.memory_space<vmem>>) semaphore(%arg10 : memref<!tpu.dma_semaphore, #tpu.memory_space<semaphore_mem>>)
      %mul3A_78 = arith.constant 8 : i32
      %mul3A_79 = arith.muli %scan3A_22, %mul3A_78 : i32
      %add3A_80 = arith.constant 4 : i32
      %add3A_81 = arith.addi %mul3A_79, %add3A_80 : i32
      %mul3A_82 = arith.constant 128 : i32
      %mul3A_83 = arith.muli %add3A_81, %mul3A_82 : i32
      %dma_start3A_84 = arith.constant 0 : i32
      %dma_start3A_85 = tpu.memref_slice %arg9[%mul3A_83, %dma_start3A_84] : memref<5120x16xf32, #tpu.memory_space<vmem>> -> memref<128x16xf32, #tpu.memory_space<vmem>>
      %dma_start3A_86 = arith.constant 0 : i32
      %dma_start3A_87 = tpu.memref_slice %arg7[%add3A_81, %dma_start3A_86] : memref<40x128xi32, #tpu.memory_space<vmem>> -> memref<1x128xi32, #tpu.memory_space<vmem>>
      %dma_start3A_88 = tpu.memref_squeeze %dma_start3A_87 : memref<1x128xi32, #tpu.memory_space<vmem>> -> memref<128xi32, #tpu.memory_space<vmem>>
      %dma_start3A_89 = arith.constant 0 : i32
      %dma_start3A_90 = arith.constant 0 : i32
      %dma_start3A_91 = tpu.memref_slice %arg2[%dma_start3A_89, %dma_start3A_90] : memref<10240x16xf32, #tpu.memory_space<hbm>> -> memref<10240x16xf32, #tpu.memory_space<hbm>>
      tpu.enqueue_indirect_dma source(%dma_start3A_91 : memref<10240x16xf32, #tpu.memory_space<hbm>>) target(%dma_start3A_85 : memref<128x16xf32, #tpu.memory_space<vmem>>) offsets(%dma_start3A_88 : memref<128xi32, #tpu.memory_space<vmem>>) semaphore(%arg10 : memref<!tpu.dma_semaphore, #tpu.memory_space<semaphore_mem>>)
      %mul3A_92 = arith.constant 8 : i32
      %mul3A_93 = arith.muli %scan3A_22, %mul3A_92 : i32
      %add3A_94 = arith.constant 5 : i32
      %add3A_95 = arith.addi %mul3A_93, %add3A_94 : i32
      %mul3A_96 = arith.constant 128 : i32
      %mul3A_97 = arith.muli %add3A_95, %mul3A_96 : i32
      %dma_start3A_98 = arith.constant 0 : i32
      %dma_start3A_99 = tpu.memref_slice %arg9[%mul3A_97, %dma_start3A_98] : memref<5120x16xf32, #tpu.memory_space<vmem>> -> memref<128x16xf32, #tpu.memory_space<vmem>>
      %dma_start3A_100 = arith.constant 0 : i32
      %dma_start3A_101 = tpu.memref_slice %arg7[%add3A_95, %dma_start3A_100] : memref<40x128xi32, #tpu.memory_space<vmem>> -> memref<1x128xi32, #tpu.memory_space<vmem>>
      %dma_start3A_102 = tpu.memref_squeeze %dma_start3A_101 : memref<1x128xi32, #tpu.memory_space<vmem>> -> memref<128xi32, #tpu.memory_space<vmem>>
      %dma_start3A_103 = arith.constant 0 : i32
      %dma_start3A_104 = arith.constant 0 : i32
      %dma_start3A_105 = tpu.memref_slice %arg2[%dma_start3A_103, %dma_start3A_104] : memref<10240x16xf32, #tpu.memory_space<hbm>> -> memref<10240x16xf32, #tpu.memory_space<hbm>>
      tpu.enqueue_indirect_dma source(%dma_start3A_105 : memref<10240x16xf32, #tpu.memory_space<hbm>>) target(%dma_start3A_99 : memref<128x16xf32, #tpu.memory_space<vmem>>) offsets(%dma_start3A_102 : memref<128xi32, #tpu.memory_space<vmem>>) semaphore(%arg10 : memref<!tpu.dma_semaphore, #tpu.memory_space<semaphore_mem>>)
      %mul3A_106 = arith.constant 8 : i32
      %mul3A_107 = arith.muli %scan3A_22, %mul3A_106 : i32
      %add3A_108 = arith.constant 6 : i32
      %add3A_109 = arith.addi %mul3A_107, %add3A_108 : i32
      %mul3A_110 = arith.constant 128 : i32
      %mul3A_111 = arith.muli %add3A_109, %mul3A_110 : i32
      %dma_start3A_112 = arith.constant 0 : i32
      %dma_start3A_113 = tpu.memref_slice %arg9[%mul3A_111, %dma_start3A_112] : memref<5120x16xf32, #tpu.memory_space<vmem>> -> memref<128x16xf32, #tpu.memory_space<vmem>>
      %dma_start3A_114 = arith.constant 0 : i32
      %dma_start3A_115 = tpu.memref_slice %arg7[%add3A_109, %dma_start3A_114] : memref<40x128xi32, #tpu.memory_space<vmem>> -> memref<1x128xi32, #tpu.memory_space<vmem>>
      %dma_start3A_116 = tpu.memref_squeeze %dma_start3A_115 : memref<1x128xi32, #tpu.memory_space<vmem>> -> memref<128xi32, #tpu.memory_space<vmem>>
      %dma_start3A_117 = arith.constant 0 : i32
      %dma_start3A_118 = arith.constant 0 : i32
      %dma_start3A_119 = tpu.memref_slice %arg2[%dma_start3A_117, %dma_start3A_118] : memref<10240x16xf32, #tpu.memory_space<hbm>> -> memref<10240x16xf32, #tpu.memory_space<hbm>>
      tpu.enqueue_indirect_dma source(%dma_start3A_119 : memref<10240x16xf32, #tpu.memory_space<hbm>>) target(%dma_start3A_113 : memref<128x16xf32, #tpu.memory_space<vmem>>) offsets(%dma_start3A_116 : memref<128xi32, #tpu.memory_space<vmem>>) semaphore(%arg10 : memref<!tpu.dma_semaphore, #tpu.memory_space<semaphore_mem>>)
      %mul3A_120 = arith.constant 8 : i32
      %mul3A_121 = arith.muli %scan3A_22, %mul3A_120 : i32
      %add3A_122 = arith.constant 7 : i32
      %add3A_123 = arith.addi %mul3A_121, %add3A_122 : i32
      %mul3A_124 = arith.constant 128 : i32
      %mul3A_125 = arith.muli %add3A_123, %mul3A_124 : i32
      %dma_start3A_126 = arith.constant 0 : i32
      %dma_start3A_127 = tpu.memref_slice %arg9[%mul3A_125, %dma_start3A_126] : memref<5120x16xf32, #tpu.memory_space<vmem>> -> memref<128x16xf32, #tpu.memory_space<vmem>>
      %dma_start3A_128 = arith.constant 0 : i32
      %dma_start3A_129 = tpu.memref_slice %arg7[%add3A_123, %dma_start3A_128] : memref<40x128xi32, #tpu.memory_space<vmem>> -> memref<1x128xi32, #tpu.memory_space<vmem>>
      %dma_start3A_130 = tpu.memref_squeeze %dma_start3A_129 : memref<1x128xi32, #tpu.memory_space<vmem>> -> memref<128xi32, #tpu.memory_space<vmem>>
      %dma_start3A_131 = arith.constant 0 : i32
      %dma_start3A_132 = arith.constant 0 : i32
      %dma_start3A_133 = tpu.memref_slice %arg2[%dma_start3A_131, %dma_start3A_132] : memref<10240x16xf32, #tpu.memory_space<hbm>> -> memref<10240x16xf32, #tpu.memory_space<hbm>>
      tpu.enqueue_indirect_dma source(%dma_start3A_133 : memref<10240x16xf32, #tpu.memory_space<hbm>>) target(%dma_start3A_127 : memref<128x16xf32, #tpu.memory_space<vmem>>) offsets(%dma_start3A_130 : memref<128xi32, #tpu.memory_space<vmem>>) semaphore(%arg10 : memref<!tpu.dma_semaphore, #tpu.memory_space<semaphore_mem>>)
      %dma_wait3A = arith.constant 0 : i32
      %dma_wait3A_134 = tpu.memref_slice %arg9[%mul3A_28, %dma_wait3A] : memref<5120x16xf32, #tpu.memory_space<vmem>> -> memref<128x16xf32, #tpu.memory_space<vmem>>
      %dma_wait3A_135 = arith.constant 0 : i32
      %dma_wait3A_136 = tpu.memref_slice %arg7[%add3A_26, %dma_wait3A_135] : memref<40x128xi32, #tpu.memory_space<vmem>> -> memref<1x128xi32, #tpu.memory_space<vmem>>
      %dma_wait3A_137 = tpu.memref_squeeze %dma_wait3A_136 : memref<1x128xi32, #tpu.memory_space<vmem>> -> memref<128xi32, #tpu.memory_space<vmem>>
      %dma_wait3A_138 = arith.constant 0 : i32
      %dma_wait3A_139 = arith.constant 0 : i32
      %dma_wait3A_140 = tpu.memref_slice %arg2[%dma_wait3A_138, %dma_wait3A_139] : memref<10240x16xf32, #tpu.memory_space<hbm>> -> memref<10240x16xf32, #tpu.memory_space<hbm>>
      tpu.wait_indirect_dma semaphore(%arg10 : memref<!tpu.dma_semaphore, #tpu.memory_space<semaphore_mem>>) src(%dma_wait3A_140 : memref<10240x16xf32, #tpu.memory_space<hbm>>) dst(%dma_wait3A_134 : memref<128x16xf32, #tpu.memory_space<vmem>>)
      %dma_wait3A_141 = arith.constant 0 : i32
      %dma_wait3A_142 = tpu.memref_slice %arg9[%mul3A_41, %dma_wait3A_141] : memref<5120x16xf32, #tpu.memory_space<vmem>> -> memref<128x16xf32, #tpu.memory_space<vmem>>
      %dma_wait3A_143 = arith.constant 0 : i32
      %dma_wait3A_144 = tpu.memref_slice %arg7[%add3A_39, %dma_wait3A_143] : memref<40x128xi32, #tpu.memory_space<vmem>> -> memref<1x128xi32, #tpu.memory_space<vmem>>
      %dma_wait3A_145 = tpu.memref_squeeze %dma_wait3A_144 : memref<1x128xi32, #tpu.memory_space<vmem>> -> memref<128xi32, #tpu.memory_space<vmem>>
      %dma_wait3A_146 = arith.constant 0 : i32
      %dma_wait3A_147 = arith.constant 0 : i32
      %dma_wait3A_148 = tpu.memref_slice %arg2[%dma_wait3A_146, %dma_wait3A_147] : memref<10240x16xf32, #tpu.memory_space<hbm>> -> memref<10240x16xf32, #tpu.memory_space<hbm>>
      tpu.wait_indirect_dma semaphore(%arg10 : memref<!tpu.dma_semaphore, #tpu.memory_space<semaphore_mem>>) src(%dma_wait3A_148 : memref<10240x16xf32, #tpu.memory_space<hbm>>) dst(%dma_wait3A_142 : memref<128x16xf32, #tpu.memory_space<vmem>>)
      %dma_wait3A_149 = arith.constant 0 : i32
      %dma_wait3A_150 = tpu.memref_slice %arg9[%mul3A_55, %dma_wait3A_149] : memref<5120x16xf32, #tpu.memory_space<vmem>> -> memref<128x16xf32, #tpu.memory_space<vmem>>
      %dma_wait3A_151 = arith.constant 0 : i32
      %dma_wait3A_152 = tpu.memref_slice %arg7[%add3A_53, %dma_wait3A_151] : memref<40x128xi32, #tpu.memory_space<vmem>> -> memref<1x128xi32, #tpu.memory_space<vmem>>
      %dma_wait3A_153 = tpu.memref_squeeze %dma_wait3A_152 : memref<1x128xi32, #tpu.memory_space<vmem>> -> memref<128xi32, #tpu.memory_space<vmem>>
      %dma_wait3A_154 = arith.constant 0 : i32
      %dma_wait3A_155 = arith.constant 0 : i32
      %dma_wait3A_156 = tpu.memref_slice %arg2[%dma_wait3A_154, %dma_wait3A_155] : memref<10240x16xf32, #tpu.memory_space<hbm>> -> memref<10240x16xf32, #tpu.memory_space<hbm>>
      tpu.wait_indirect_dma semaphore(%arg10 : memref<!tpu.dma_semaphore, #tpu.memory_space<semaphore_mem>>) src(%dma_wait3A_156 : memref<10240x16xf32, #tpu.memory_space<hbm>>) dst(%dma_wait3A_150 : memref<128x16xf32, #tpu.memory_space<vmem>>)
      %dma_wait3A_157 = arith.constant 0 : i32
      %dma_wait3A_158 = tpu.memref_slice %arg9[%mul3A_69, %dma_wait3A_157] : memref<5120x16xf32, #tpu.memory_space<vmem>> -> memref<128x16xf32, #tpu.memory_space<vmem>>
      %dma_wait3A_159 = arith.constant 0 : i32
      %dma_wait3A_160 = tpu.memref_slice %arg7[%add3A_67, %dma_wait3A_159] : memref<40x128xi32, #tpu.memory_space<vmem>> -> memref<1x128xi32, #tpu.memory_space<vmem>>
      %dma_wait3A_161 = tpu.memref_squeeze %dma_wait3A_160 : memref<1x128xi32, #tpu.memory_space<vmem>> -> memref<128xi32, #tpu.memory_space<vmem>>
      %dma_wait3A_162 = arith.constant 0 : i32
      %dma_wait3A_163 = arith.constant 0 : i32
      %dma_wait3A_164 = tpu.memref_slice %arg2[%dma_wait3A_162, %dma_wait3A_163] : memref<10240x16xf32, #tpu.memory_space<hbm>> -> memref<10240x16xf32, #tpu.memory_space<hbm>>
      tpu.wait_indirect_dma semaphore(%arg10 : memref<!tpu.dma_semaphore, #tpu.memory_space<semaphore_mem>>) src(%dma_wait3A_164 : memref<10240x16xf32, #tpu.memory_space<hbm>>) dst(%dma_wait3A_158 : memref<128x16xf32, #tpu.memory_space<vmem>>)
      %dma_wait3A_165 = arith.constant 0 : i32
      %dma_wait3A_166 = tpu.memref_slice %arg9[%mul3A_83, %dma_wait3A_165] : memref<5120x16xf32, #tpu.memory_space<vmem>> -> memref<128x16xf32, #tpu.memory_space<vmem>>
      %dma_wait3A_167 = arith.constant 0 : i32
      %dma_wait3A_168 = tpu.memref_slice %arg7[%add3A_81, %dma_wait3A_167] : memref<40x128xi32, #tpu.memory_space<vmem>> -> memref<1x128xi32, #tpu.memory_space<vmem>>
      %dma_wait3A_169 = tpu.memref_squeeze %dma_wait3A_168 : memref<1x128xi32, #tpu.memory_space<vmem>> -> memref<128xi32, #tpu.memory_space<vmem>>
      %dma_wait3A_170 = arith.constant 0 : i32
      %dma_wait3A_171 = arith.constant 0 : i32
      %dma_wait3A_172 = tpu.memref_slice %arg2[%dma_wait3A_170, %dma_wait3A_171] : memref<10240x16xf32, #tpu.memory_space<hbm>> -> memref<10240x16xf32, #tpu.memory_space<hbm>>
      tpu.wait_indirect_dma semaphore(%arg10 : memref<!tpu.dma_semaphore, #tpu.memory_space<semaphore_mem>>) src(%dma_wait3A_172 : memref<10240x16xf32, #tpu.memory_space<hbm>>) dst(%dma_wait3A_166 : memref<128x16xf32, #tpu.memory_space<vmem>>)
      %dma_wait3A_173 = arith.constant 0 : i32
      %dma_wait3A_174 = tpu.memref_slice %arg9[%mul3A_97, %dma_wait3A_173] : memref<5120x16xf32, #tpu.memory_space<vmem>> -> memref<128x16xf32, #tpu.memory_space<vmem>>
      %dma_wait3A_175 = arith.constant 0 : i32
      %dma_wait3A_176 = tpu.memref_slice %arg7[%add3A_95, %dma_wait3A_175] : memref<40x128xi32, #tpu.memory_space<vmem>> -> memref<1x128xi32, #tpu.memory_space<vmem>>
      %dma_wait3A_177 = tpu.memref_squeeze %dma_wait3A_176 : memref<1x128xi32, #tpu.memory_space<vmem>> -> memref<128xi32, #tpu.memory_space<vmem>>
      %dma_wait3A_178 = arith.constant 0 : i32
      %dma_wait3A_179 = arith.constant 0 : i32
      %dma_wait3A_180 = tpu.memref_slice %arg2[%dma_wait3A_178, %dma_wait3A_179] : memref<10240x16xf32, #tpu.memory_space<hbm>> -> memref<10240x16xf32, #tpu.memory_space<hbm>>
      tpu.wait_indirect_dma semaphore(%arg10 : memref<!tpu.dma_semaphore, #tpu.memory_space<semaphore_mem>>) src(%dma_wait3A_180 : memref<10240x16xf32, #tpu.memory_space<hbm>>) dst(%dma_wait3A_174 : memref<128x16xf32, #tpu.memory_space<vmem>>)
      %dma_wait3A_181 = arith.constant 0 : i32
      %dma_wait3A_182 = tpu.memref_slice %arg9[%mul3A_111, %dma_wait3A_181] : memref<5120x16xf32, #tpu.memory_space<vmem>> -> memref<128x16xf32, #tpu.memory_space<vmem>>
      %dma_wait3A_183 = arith.constant 0 : i32
      %dma_wait3A_184 = tpu.memref_slice %arg7[%add3A_109, %dma_wait3A_183] : memref<40x128xi32, #tpu.memory_space<vmem>> -> memref<1x128xi32, #tpu.memory_space<vmem>>
      %dma_wait3A_185 = tpu.memref_squeeze %dma_wait3A_184 : memref<1x128xi32, #tpu.memory_space<vmem>> -> memref<128xi32, #tpu.memory_space<vmem>>
      %dma_wait3A_186 = arith.constant 0 : i32
      %dma_wait3A_187 = arith.constant 0 : i32
      %dma_wait3A_188 = tpu.memref_slice %arg2[%dma_wait3A_186, %dma_wait3A_187] : memref<10240x16xf32, #tpu.memory_space<hbm>> -> memref<10240x16xf32, #tpu.memory_space<hbm>>
      tpu.wait_indirect_dma semaphore(%arg10 : memref<!tpu.dma_semaphore, #tpu.memory_space<semaphore_mem>>) src(%dma_wait3A_188 : memref<10240x16xf32, #tpu.memory_space<hbm>>) dst(%dma_wait3A_182 : memref<128x16xf32, #tpu.memory_space<vmem>>)
      %dma_wait3A_189 = arith.constant 0 : i32
      %dma_wait3A_190 = tpu.memref_slice %arg9[%mul3A_125, %dma_wait3A_189] : memref<5120x16xf32, #tpu.memory_space<vmem>> -> memref<128x16xf32, #tpu.memory_space<vmem>>
      %dma_wait3A_191 = arith.constant 0 : i32
      %dma_wait3A_192 = tpu.memref_slice %arg7[%add3A_123, %dma_wait3A_191] : memref<40x128xi32, #tpu.memory_space<vmem>> -> memref<1x128xi32, #tpu.memory_space<vmem>>
      %dma_wait3A_193 = tpu.memref_squeeze %dma_wait3A_192 : memref<1x128xi32, #tpu.memory_space<vmem>> -> memref<128xi32, #tpu.memory_space<vmem>>
      %dma_wait3A_194 = arith.constant 0 : i32
      %dma_wait3A_195 = arith.constant 0 : i32
      %dma_wait3A_196 = tpu.memref_slice %arg2[%dma_wait3A_194, %dma_wait3A_195] : memref<10240x16xf32, #tpu.memory_space<hbm>> -> memref<10240x16xf32, #tpu.memory_space<hbm>>
      tpu.wait_indirect_dma semaphore(%arg10 : memref<!tpu.dma_semaphore, #tpu.memory_space<semaphore_mem>>) src(%dma_wait3A_196 : memref<10240x16xf32, #tpu.memory_space<hbm>>) dst(%dma_wait3A_190 : memref<128x16xf32, #tpu.memory_space<vmem>>)
    }
    %scan3A_15 = arith.constant 5 : i32
    "tpu.region"() ({
      %run_scoped3A = tpu.sem_alloc : memref<!tpu.dma_semaphore, #tpu.memory_space<semaphore_mem>>
      %dma_start3A = arith.constant 0 : i32
      %dma_start3A_22 = tpu.memref_slice %arg5[%mul3A_10, %dma_start3A] : memref<163840x16xf32, #tpu.memory_space<hbm>> -> memref<5120x16xf32, #tpu.memory_space<hbm>>
      %dma_start3A_23 = arith.constant 0 : i32
      %dma_start3A_24 = tpu.memref_slice %arg5[%mul3A_10, %dma_start3A_23] : memref<163840x16xf32, #tpu.memory_space<hbm>> -> memref<5120x16xf32, #tpu.memory_space<hbm>>
      tpu.enqueue_dma source(%arg9 : memref<5120x16xf32, #tpu.memory_space<vmem>>) target(%dma_start3A_24 : memref<5120x16xf32, #tpu.memory_space<hbm>>) target_semaphore(%run_scoped3A : memref<!tpu.dma_semaphore, #tpu.memory_space<semaphore_mem>>)
      %dma_wait3A = arith.constant 0 : i32
      %dma_wait3A_25 = tpu.memref_slice %arg5[%mul3A_10, %dma_wait3A] : memref<163840x16xf32, #tpu.memory_space<hbm>> -> memref<5120x16xf32, #tpu.memory_space<hbm>>
      %dma_wait3A_26 = arith.constant 0 : i32
      %dma_wait3A_27 = tpu.memref_slice %arg5[%mul3A_10, %dma_wait3A_26] : memref<163840x16xf32, #tpu.memory_space<hbm>> -> memref<5120x16xf32, #tpu.memory_space<hbm>>
      tpu.wait_dma2 semaphore(%run_scoped3A : memref<!tpu.dma_semaphore, #tpu.memory_space<semaphore_mem>>) src(%arg9 : memref<5120x16xf32, #tpu.memory_space<vmem>>) dst(%dma_wait3A_27 : memref<5120x16xf32, #tpu.memory_space<hbm>>)
      tpu.yield
    }) : () -> ()
    %scan3A_16 = arith.constant 0 : i32
    %scan3A_17 = arith.constant 0 : i32
    %scan3A_18 = arith.constant 5 : i32
    %scan3A_19 = arith.addi %scan3A_17, %scan3A_18 : i32
    %scan3A_20 = arith.constant 1 : i32
    scf.for %scan3A_22 = %scan3A_17 to %scan3A_19 step %scan3A_20  : i32 {
      %mul3A_23 = arith.constant 8 : i32
      %mul3A_24 = arith.muli %scan3A_22, %mul3A_23 : i32
      %add3A_25 = arith.constant 0 : i32
      %add3A_26 = arith.addi %mul3A_24, %add3A_25 : i32
      %mul3A_27 = arith.constant 128 : i32
      %mul3A_28 = arith.muli %add3A_26, %mul3A_27 : i32
      %dma_start3A = arith.constant 0 : i32
      %dma_start3A_29 = tpu.memref_slice %arg9[%mul3A_28, %dma_start3A] : memref<5120x16xf32, #tpu.memory_space<vmem>> -> memref<128x16xf32, #tpu.memory_space<vmem>>
      %dma_start3A_30 = arith.constant 0 : i32
      %dma_start3A_31 = tpu.memref_slice %arg8[%add3A_26, %dma_start3A_30] : memref<40x128xi32, #tpu.memory_space<vmem>> -> memref<1x128xi32, #tpu.memory_space<vmem>>
      %dma_start3A_32 = tpu.memref_squeeze %dma_start3A_31 : memref<1x128xi32, #tpu.memory_space<vmem>> -> memref<128xi32, #tpu.memory_space<vmem>>
      %dma_start3A_33 = arith.constant 0 : i32
      %dma_start3A_34 = arith.constant 0 : i32
      %dma_start3A_35 = tpu.memref_slice %arg2[%dma_start3A_33, %dma_start3A_34] : memref<10240x16xf32, #tpu.memory_space<hbm>> -> memref<10240x16xf32, #tpu.memory_space<hbm>>
      tpu.enqueue_indirect_dma source(%dma_start3A_35 : memref<10240x16xf32, #tpu.memory_space<hbm>>) target(%dma_start3A_29 : memref<128x16xf32, #tpu.memory_space<vmem>>) offsets(%dma_start3A_32 : memref<128xi32, #tpu.memory_space<vmem>>) semaphore(%arg10 : memref<!tpu.dma_semaphore, #tpu.memory_space<semaphore_mem>>)
      %mul3A_36 = arith.constant 8 : i32
      %mul3A_37 = arith.muli %scan3A_22, %mul3A_36 : i32
      %add3A_38 = arith.constant 1 : i32
      %add3A_39 = arith.addi %mul3A_37, %add3A_38 : i32
      %mul3A_40 = arith.constant 128 : i32
      %mul3A_41 = arith.muli %add3A_39, %mul3A_40 : i32
      %dma_start3A_42 = arith.constant 0 : i32
      %dma_start3A_43 = tpu.memref_slice %arg9[%mul3A_41, %dma_start3A_42] : memref<5120x16xf32, #tpu.memory_space<vmem>> -> memref<128x16xf32, #tpu.memory_space<vmem>>
      %dma_start3A_44 = arith.constant 0 : i32
      %dma_start3A_45 = tpu.memref_slice %arg8[%add3A_39, %dma_start3A_44] : memref<40x128xi32, #tpu.memory_space<vmem>> -> memref<1x128xi32, #tpu.memory_space<vmem>>
      %dma_start3A_46 = tpu.memref_squeeze %dma_start3A_45 : memref<1x128xi32, #tpu.memory_space<vmem>> -> memref<128xi32, #tpu.memory_space<vmem>>
      %dma_start3A_47 = arith.constant 0 : i32
      %dma_start3A_48 = arith.constant 0 : i32
      %dma_start3A_49 = tpu.memref_slice %arg2[%dma_start3A_47, %dma_start3A_48] : memref<10240x16xf32, #tpu.memory_space<hbm>> -> memref<10240x16xf32, #tpu.memory_space<hbm>>
      tpu.enqueue_indirect_dma source(%dma_start3A_49 : memref<10240x16xf32, #tpu.memory_space<hbm>>) target(%dma_start3A_43 : memref<128x16xf32, #tpu.memory_space<vmem>>) offsets(%dma_start3A_46 : memref<128xi32, #tpu.memory_space<vmem>>) semaphore(%arg10 : memref<!tpu.dma_semaphore, #tpu.memory_space<semaphore_mem>>)
      %mul3A_50 = arith.constant 8 : i32
      %mul3A_51 = arith.muli %scan3A_22, %mul3A_50 : i32
      %add3A_52 = arith.constant 2 : i32
      %add3A_53 = arith.addi %mul3A_51, %add3A_52 : i32
      %mul3A_54 = arith.constant 128 : i32
      %mul3A_55 = arith.muli %add3A_53, %mul3A_54 : i32
      %dma_start3A_56 = arith.constant 0 : i32
      %dma_start3A_57 = tpu.memref_slice %arg9[%mul3A_55, %dma_start3A_56] : memref<5120x16xf32, #tpu.memory_space<vmem>> -> memref<128x16xf32, #tpu.memory_space<vmem>>
      %dma_start3A_58 = arith.constant 0 : i32
      %dma_start3A_59 = tpu.memref_slice %arg8[%add3A_53, %dma_start3A_58] : memref<40x128xi32, #tpu.memory_space<vmem>> -> memref<1x128xi32, #tpu.memory_space<vmem>>
      %dma_start3A_60 = tpu.memref_squeeze %dma_start3A_59 : memref<1x128xi32, #tpu.memory_space<vmem>> -> memref<128xi32, #tpu.memory_space<vmem>>
      %dma_start3A_61 = arith.constant 0 : i32
      %dma_start3A_62 = arith.constant 0 : i32
      %dma_start3A_63 = tpu.memref_slice %arg2[%dma_start3A_61, %dma_start3A_62] : memref<10240x16xf32, #tpu.memory_space<hbm>> -> memref<10240x16xf32, #tpu.memory_space<hbm>>
      tpu.enqueue_indirect_dma source(%dma_start3A_63 : memref<10240x16xf32, #tpu.memory_space<hbm>>) target(%dma_start3A_57 : memref<128x16xf32, #tpu.memory_space<vmem>>) offsets(%dma_start3A_60 : memref<128xi32, #tpu.memory_space<vmem>>) semaphore(%arg10 : memref<!tpu.dma_semaphore, #tpu.memory_space<semaphore_mem>>)
      %mul3A_64 = arith.constant 8 : i32
      %mul3A_65 = arith.muli %scan3A_22, %mul3A_64 : i32
      %add3A_66 = arith.constant 3 : i32
      %add3A_67 = arith.addi %mul3A_65, %add3A_66 : i32
      %mul3A_68 = arith.constant 128 : i32
      %mul3A_69 = arith.muli %add3A_67, %mul3A_68 : i32
      %dma_start3A_70 = arith.constant 0 : i32
      %dma_start3A_71 = tpu.memref_slice %arg9[%mul3A_69, %dma_start3A_70] : memref<5120x16xf32, #tpu.memory_space<vmem>> -> memref<128x16xf32, #tpu.memory_space<vmem>>
      %dma_start3A_72 = arith.constant 0 : i32
      %dma_start3A_73 = tpu.memref_slice %arg8[%add3A_67, %dma_start3A_72] : memref<40x128xi32, #tpu.memory_space<vmem>> -> memref<1x128xi32, #tpu.memory_space<vmem>>
      %dma_start3A_74 = tpu.memref_squeeze %dma_start3A_73 : memref<1x128xi32, #tpu.memory_space<vmem>> -> memref<128xi32, #tpu.memory_space<vmem>>
      %dma_start3A_75 = arith.constant 0 : i32
      %dma_start3A_76 = arith.constant 0 : i32
      %dma_start3A_77 = tpu.memref_slice %arg2[%dma_start3A_75, %dma_start3A_76] : memref<10240x16xf32, #tpu.memory_space<hbm>> -> memref<10240x16xf32, #tpu.memory_space<hbm>>
      tpu.enqueue_indirect_dma source(%dma_start3A_77 : memref<10240x16xf32, #tpu.memory_space<hbm>>) target(%dma_start3A_71 : memref<128x16xf32, #tpu.memory_space<vmem>>) offsets(%dma_start3A_74 : memref<128xi32, #tpu.memory_space<vmem>>) semaphore(%arg10 : memref<!tpu.dma_semaphore, #tpu.memory_space<semaphore_mem>>)
      %mul3A_78 = arith.constant 8 : i32
      %mul3A_79 = arith.muli %scan3A_22, %mul3A_78 : i32
      %add3A_80 = arith.constant 4 : i32
      %add3A_81 = arith.addi %mul3A_79, %add3A_80 : i32
      %mul3A_82 = arith.constant 128 : i32
      %mul3A_83 = arith.muli %add3A_81, %mul3A_82 : i32
      %dma_start3A_84 = arith.constant 0 : i32
      %dma_start3A_85 = tpu.memref_slice %arg9[%mul3A_83, %dma_start3A_84] : memref<5120x16xf32, #tpu.memory_space<vmem>> -> memref<128x16xf32, #tpu.memory_space<vmem>>
      %dma_start3A_86 = arith.constant 0 : i32
      %dma_start3A_87 = tpu.memref_slice %arg8[%add3A_81, %dma_start3A_86] : memref<40x128xi32, #tpu.memory_space<vmem>> -> memref<1x128xi32, #tpu.memory_space<vmem>>
      %dma_start3A_88 = tpu.memref_squeeze %dma_start3A_87 : memref<1x128xi32, #tpu.memory_space<vmem>> -> memref<128xi32, #tpu.memory_space<vmem>>
      %dma_start3A_89 = arith.constant 0 : i32
      %dma_start3A_90 = arith.constant 0 : i32
      %dma_start3A_91 = tpu.memref_slice %arg2[%dma_start3A_89, %dma_start3A_90] : memref<10240x16xf32, #tpu.memory_space<hbm>> -> memref<10240x16xf32, #tpu.memory_space<hbm>>
      tpu.enqueue_indirect_dma source(%dma_start3A_91 : memref<10240x16xf32, #tpu.memory_space<hbm>>) target(%dma_start3A_85 : memref<128x16xf32, #tpu.memory_space<vmem>>) offsets(%dma_start3A_88 : memref<128xi32, #tpu.memory_space<vmem>>) semaphore(%arg10 : memref<!tpu.dma_semaphore, #tpu.memory_space<semaphore_mem>>)
      %mul3A_92 = arith.constant 8 : i32
      %mul3A_93 = arith.muli %scan3A_22, %mul3A_92 : i32
      %add3A_94 = arith.constant 5 : i32
      %add3A_95 = arith.addi %mul3A_93, %add3A_94 : i32
      %mul3A_96 = arith.constant 128 : i32
      %mul3A_97 = arith.muli %add3A_95, %mul3A_96 : i32
      %dma_start3A_98 = arith.constant 0 : i32
      %dma_start3A_99 = tpu.memref_slice %arg9[%mul3A_97, %dma_start3A_98] : memref<5120x16xf32, #tpu.memory_space<vmem>> -> memref<128x16xf32, #tpu.memory_space<vmem>>
      %dma_start3A_100 = arith.constant 0 : i32
      %dma_start3A_101 = tpu.memref_slice %arg8[%add3A_95, %dma_start3A_100] : memref<40x128xi32, #tpu.memory_space<vmem>> -> memref<1x128xi32, #tpu.memory_space<vmem>>
      %dma_start3A_102 = tpu.memref_squeeze %dma_start3A_101 : memref<1x128xi32, #tpu.memory_space<vmem>> -> memref<128xi32, #tpu.memory_space<vmem>>
      %dma_start3A_103 = arith.constant 0 : i32
      %dma_start3A_104 = arith.constant 0 : i32
      %dma_start3A_105 = tpu.memref_slice %arg2[%dma_start3A_103, %dma_start3A_104] : memref<10240x16xf32, #tpu.memory_space<hbm>> -> memref<10240x16xf32, #tpu.memory_space<hbm>>
      tpu.enqueue_indirect_dma source(%dma_start3A_105 : memref<10240x16xf32, #tpu.memory_space<hbm>>) target(%dma_start3A_99 : memref<128x16xf32, #tpu.memory_space<vmem>>) offsets(%dma_start3A_102 : memref<128xi32, #tpu.memory_space<vmem>>) semaphore(%arg10 : memref<!tpu.dma_semaphore, #tpu.memory_space<semaphore_mem>>)
      %mul3A_106 = arith.constant 8 : i32
      %mul3A_107 = arith.muli %scan3A_22, %mul3A_106 : i32
      %add3A_108 = arith.constant 6 : i32
      %add3A_109 = arith.addi %mul3A_107, %add3A_108 : i32
      %mul3A_110 = arith.constant 128 : i32
      %mul3A_111 = arith.muli %add3A_109, %mul3A_110 : i32
      %dma_start3A_112 = arith.constant 0 : i32
      %dma_start3A_113 = tpu.memref_slice %arg9[%mul3A_111, %dma_start3A_112] : memref<5120x16xf32, #tpu.memory_space<vmem>> -> memref<128x16xf32, #tpu.memory_space<vmem>>
      %dma_start3A_114 = arith.constant 0 : i32
      %dma_start3A_115 = tpu.memref_slice %arg8[%add3A_109, %dma_start3A_114] : memref<40x128xi32, #tpu.memory_space<vmem>> -> memref<1x128xi32, #tpu.memory_space<vmem>>
      %dma_start3A_116 = tpu.memref_squeeze %dma_start3A_115 : memref<1x128xi32, #tpu.memory_space<vmem>> -> memref<128xi32, #tpu.memory_space<vmem>>
      %dma_start3A_117 = arith.constant 0 : i32
      %dma_start3A_118 = arith.constant 0 : i32
      %dma_start3A_119 = tpu.memref_slice %arg2[%dma_start3A_117, %dma_start3A_118] : memref<10240x16xf32, #tpu.memory_space<hbm>> -> memref<10240x16xf32, #tpu.memory_space<hbm>>
      tpu.enqueue_indirect_dma source(%dma_start3A_119 : memref<10240x16xf32, #tpu.memory_space<hbm>>) target(%dma_start3A_113 : memref<128x16xf32, #tpu.memory_space<vmem>>) offsets(%dma_start3A_116 : memref<128xi32, #tpu.memory_space<vmem>>) semaphore(%arg10 : memref<!tpu.dma_semaphore, #tpu.memory_space<semaphore_mem>>)
      %mul3A_120 = arith.constant 8 : i32
      %mul3A_121 = arith.muli %scan3A_22, %mul3A_120 : i32
      %add3A_122 = arith.constant 7 : i32
      %add3A_123 = arith.addi %mul3A_121, %add3A_122 : i32
      %mul3A_124 = arith.constant 128 : i32
      %mul3A_125 = arith.muli %add3A_123, %mul3A_124 : i32
      %dma_start3A_126 = arith.constant 0 : i32
      %dma_start3A_127 = tpu.memref_slice %arg9[%mul3A_125, %dma_start3A_126] : memref<5120x16xf32, #tpu.memory_space<vmem>> -> memref<128x16xf32, #tpu.memory_space<vmem>>
      %dma_start3A_128 = arith.constant 0 : i32
      %dma_start3A_129 = tpu.memref_slice %arg8[%add3A_123, %dma_start3A_128] : memref<40x128xi32, #tpu.memory_space<vmem>> -> memref<1x128xi32, #tpu.memory_space<vmem>>
      %dma_start3A_130 = tpu.memref_squeeze %dma_start3A_129 : memref<1x128xi32, #tpu.memory_space<vmem>> -> memref<128xi32, #tpu.memory_space<vmem>>
      %dma_start3A_131 = arith.constant 0 : i32
      %dma_start3A_132 = arith.constant 0 : i32
      %dma_start3A_133 = tpu.memref_slice %arg2[%dma_start3A_131, %dma_start3A_132] : memref<10240x16xf32, #tpu.memory_space<hbm>> -> memref<10240x16xf32, #tpu.memory_space<hbm>>
      tpu.enqueue_indirect_dma source(%dma_start3A_133 : memref<10240x16xf32, #tpu.memory_space<hbm>>) target(%dma_start3A_127 : memref<128x16xf32, #tpu.memory_space<vmem>>) offsets(%dma_start3A_130 : memref<128xi32, #tpu.memory_space<vmem>>) semaphore(%arg10 : memref<!tpu.dma_semaphore, #tpu.memory_space<semaphore_mem>>)
      %dma_wait3A = arith.constant 0 : i32
      %dma_wait3A_134 = tpu.memref_slice %arg9[%mul3A_28, %dma_wait3A] : memref<5120x16xf32, #tpu.memory_space<vmem>> -> memref<128x16xf32, #tpu.memory_space<vmem>>
      %dma_wait3A_135 = arith.constant 0 : i32
      %dma_wait3A_136 = tpu.memref_slice %arg8[%add3A_26, %dma_wait3A_135] : memref<40x128xi32, #tpu.memory_space<vmem>> -> memref<1x128xi32, #tpu.memory_space<vmem>>
      %dma_wait3A_137 = tpu.memref_squeeze %dma_wait3A_136 : memref<1x128xi32, #tpu.memory_space<vmem>> -> memref<128xi32, #tpu.memory_space<vmem>>
      %dma_wait3A_138 = arith.constant 0 : i32
      %dma_wait3A_139 = arith.constant 0 : i32
      %dma_wait3A_140 = tpu.memref_slice %arg2[%dma_wait3A_138, %dma_wait3A_139] : memref<10240x16xf32, #tpu.memory_space<hbm>> -> memref<10240x16xf32, #tpu.memory_space<hbm>>
      tpu.wait_indirect_dma semaphore(%arg10 : memref<!tpu.dma_semaphore, #tpu.memory_space<semaphore_mem>>) src(%dma_wait3A_140 : memref<10240x16xf32, #tpu.memory_space<hbm>>) dst(%dma_wait3A_134 : memref<128x16xf32, #tpu.memory_space<vmem>>)
      %dma_wait3A_141 = arith.constant 0 : i32
      %dma_wait3A_142 = tpu.memref_slice %arg9[%mul3A_41, %dma_wait3A_141] : memref<5120x16xf32, #tpu.memory_space<vmem>> -> memref<128x16xf32, #tpu.memory_space<vmem>>
      %dma_wait3A_143 = arith.constant 0 : i32
      %dma_wait3A_144 = tpu.memref_slice %arg8[%add3A_39, %dma_wait3A_143] : memref<40x128xi32, #tpu.memory_space<vmem>> -> memref<1x128xi32, #tpu.memory_space<vmem>>
      %dma_wait3A_145 = tpu.memref_squeeze %dma_wait3A_144 : memref<1x128xi32, #tpu.memory_space<vmem>> -> memref<128xi32, #tpu.memory_space<vmem>>
      %dma_wait3A_146 = arith.constant 0 : i32
      %dma_wait3A_147 = arith.constant 0 : i32
      %dma_wait3A_148 = tpu.memref_slice %arg2[%dma_wait3A_146, %dma_wait3A_147] : memref<10240x16xf32, #tpu.memory_space<hbm>> -> memref<10240x16xf32, #tpu.memory_space<hbm>>
      tpu.wait_indirect_dma semaphore(%arg10 : memref<!tpu.dma_semaphore, #tpu.memory_space<semaphore_mem>>) src(%dma_wait3A_148 : memref<10240x16xf32, #tpu.memory_space<hbm>>) dst(%dma_wait3A_142 : memref<128x16xf32, #tpu.memory_space<vmem>>)
      %dma_wait3A_149 = arith.constant 0 : i32
      %dma_wait3A_150 = tpu.memref_slice %arg9[%mul3A_55, %dma_wait3A_149] : memref<5120x16xf32, #tpu.memory_space<vmem>> -> memref<128x16xf32, #tpu.memory_space<vmem>>
      %dma_wait3A_151 = arith.constant 0 : i32
      %dma_wait3A_152 = tpu.memref_slice %arg8[%add3A_53, %dma_wait3A_151] : memref<40x128xi32, #tpu.memory_space<vmem>> -> memref<1x128xi32, #tpu.memory_space<vmem>>
      %dma_wait3A_153 = tpu.memref_squeeze %dma_wait3A_152 : memref<1x128xi32, #tpu.memory_space<vmem>> -> memref<128xi32, #tpu.memory_space<vmem>>
      %dma_wait3A_154 = arith.constant 0 : i32
      %dma_wait3A_155 = arith.constant 0 : i32
      %dma_wait3A_156 = tpu.memref_slice %arg2[%dma_wait3A_154, %dma_wait3A_155] : memref<10240x16xf32, #tpu.memory_space<hbm>> -> memref<10240x16xf32, #tpu.memory_space<hbm>>
      tpu.wait_indirect_dma semaphore(%arg10 : memref<!tpu.dma_semaphore, #tpu.memory_space<semaphore_mem>>) src(%dma_wait3A_156 : memref<10240x16xf32, #tpu.memory_space<hbm>>) dst(%dma_wait3A_150 : memref<128x16xf32, #tpu.memory_space<vmem>>)
      %dma_wait3A_157 = arith.constant 0 : i32
      %dma_wait3A_158 = tpu.memref_slice %arg9[%mul3A_69, %dma_wait3A_157] : memref<5120x16xf32, #tpu.memory_space<vmem>> -> memref<128x16xf32, #tpu.memory_space<vmem>>
      %dma_wait3A_159 = arith.constant 0 : i32
      %dma_wait3A_160 = tpu.memref_slice %arg8[%add3A_67, %dma_wait3A_159] : memref<40x128xi32, #tpu.memory_space<vmem>> -> memref<1x128xi32, #tpu.memory_space<vmem>>
      %dma_wait3A_161 = tpu.memref_squeeze %dma_wait3A_160 : memref<1x128xi32, #tpu.memory_space<vmem>> -> memref<128xi32, #tpu.memory_space<vmem>>
      %dma_wait3A_162 = arith.constant 0 : i32
      %dma_wait3A_163 = arith.constant 0 : i32
      %dma_wait3A_164 = tpu.memref_slice %arg2[%dma_wait3A_162, %dma_wait3A_163] : memref<10240x16xf32, #tpu.memory_space<hbm>> -> memref<10240x16xf32, #tpu.memory_space<hbm>>
      tpu.wait_indirect_dma semaphore(%arg10 : memref<!tpu.dma_semaphore, #tpu.memory_space<semaphore_mem>>) src(%dma_wait3A_164 : memref<10240x16xf32, #tpu.memory_space<hbm>>) dst(%dma_wait3A_158 : memref<128x16xf32, #tpu.memory_space<vmem>>)
      %dma_wait3A_165 = arith.constant 0 : i32
      %dma_wait3A_166 = tpu.memref_slice %arg9[%mul3A_83, %dma_wait3A_165] : memref<5120x16xf32, #tpu.memory_space<vmem>> -> memref<128x16xf32, #tpu.memory_space<vmem>>
      %dma_wait3A_167 = arith.constant 0 : i32
      %dma_wait3A_168 = tpu.memref_slice %arg8[%add3A_81, %dma_wait3A_167] : memref<40x128xi32, #tpu.memory_space<vmem>> -> memref<1x128xi32, #tpu.memory_space<vmem>>
      %dma_wait3A_169 = tpu.memref_squeeze %dma_wait3A_168 : memref<1x128xi32, #tpu.memory_space<vmem>> -> memref<128xi32, #tpu.memory_space<vmem>>
      %dma_wait3A_170 = arith.constant 0 : i32
      %dma_wait3A_171 = arith.constant 0 : i32
      %dma_wait3A_172 = tpu.memref_slice %arg2[%dma_wait3A_170, %dma_wait3A_171] : memref<10240x16xf32, #tpu.memory_space<hbm>> -> memref<10240x16xf32, #tpu.memory_space<hbm>>
      tpu.wait_indirect_dma semaphore(%arg10 : memref<!tpu.dma_semaphore, #tpu.memory_space<semaphore_mem>>) src(%dma_wait3A_172 : memref<10240x16xf32, #tpu.memory_space<hbm>>) dst(%dma_wait3A_166 : memref<128x16xf32, #tpu.memory_space<vmem>>)
      %dma_wait3A_173 = arith.constant 0 : i32
      %dma_wait3A_174 = tpu.memref_slice %arg9[%mul3A_97, %dma_wait3A_173] : memref<5120x16xf32, #tpu.memory_space<vmem>> -> memref<128x16xf32, #tpu.memory_space<vmem>>
      %dma_wait3A_175 = arith.constant 0 : i32
      %dma_wait3A_176 = tpu.memref_slice %arg8[%add3A_95, %dma_wait3A_175] : memref<40x128xi32, #tpu.memory_space<vmem>> -> memref<1x128xi32, #tpu.memory_space<vmem>>
      %dma_wait3A_177 = tpu.memref_squeeze %dma_wait3A_176 : memref<1x128xi32, #tpu.memory_space<vmem>> -> memref<128xi32, #tpu.memory_space<vmem>>
      %dma_wait3A_178 = arith.constant 0 : i32
      %dma_wait3A_179 = arith.constant 0 : i32
      %dma_wait3A_180 = tpu.memref_slice %arg2[%dma_wait3A_178, %dma_wait3A_179] : memref<10240x16xf32, #tpu.memory_space<hbm>> -> memref<10240x16xf32, #tpu.memory_space<hbm>>
      tpu.wait_indirect_dma semaphore(%arg10 : memref<!tpu.dma_semaphore, #tpu.memory_space<semaphore_mem>>) src(%dma_wait3A_180 : memref<10240x16xf32, #tpu.memory_space<hbm>>) dst(%dma_wait3A_174 : memref<128x16xf32, #tpu.memory_space<vmem>>)
      %dma_wait3A_181 = arith.constant 0 : i32
      %dma_wait3A_182 = tpu.memref_slice %arg9[%mul3A_111, %dma_wait3A_181] : memref<5120x16xf32, #tpu.memory_space<vmem>> -> memref<128x16xf32, #tpu.memory_space<vmem>>
      %dma_wait3A_183 = arith.constant 0 : i32
      %dma_wait3A_184 = tpu.memref_slice %arg8[%add3A_109, %dma_wait3A_183] : memref<40x128xi32, #tpu.memory_space<vmem>> -> memref<1x128xi32, #tpu.memory_space<vmem>>
      %dma_wait3A_185 = tpu.memref_squeeze %dma_wait3A_184 : memref<1x128xi32, #tpu.memory_space<vmem>> -> memref<128xi32, #tpu.memory_space<vmem>>
      %dma_wait3A_186 = arith.constant 0 : i32
      %dma_wait3A_187 = arith.constant 0 : i32
      %dma_wait3A_188 = tpu.memref_slice %arg2[%dma_wait3A_186, %dma_wait3A_187] : memref<10240x16xf32, #tpu.memory_space<hbm>> -> memref<10240x16xf32, #tpu.memory_space<hbm>>
      tpu.wait_indirect_dma semaphore(%arg10 : memref<!tpu.dma_semaphore, #tpu.memory_space<semaphore_mem>>) src(%dma_wait3A_188 : memref<10240x16xf32, #tpu.memory_space<hbm>>) dst(%dma_wait3A_182 : memref<128x16xf32, #tpu.memory_space<vmem>>)
      %dma_wait3A_189 = arith.constant 0 : i32
      %dma_wait3A_190 = tpu.memref_slice %arg9[%mul3A_125, %dma_wait3A_189] : memref<5120x16xf32, #tpu.memory_space<vmem>> -> memref<128x16xf32, #tpu.memory_space<vmem>>
      %dma_wait3A_191 = arith.constant 0 : i32
      %dma_wait3A_192 = tpu.memref_slice %arg8[%add3A_123, %dma_wait3A_191] : memref<40x128xi32, #tpu.memory_space<vmem>> -> memref<1x128xi32, #tpu.memory_space<vmem>>
      %dma_wait3A_193 = tpu.memref_squeeze %dma_wait3A_192 : memref<1x128xi32, #tpu.memory_space<vmem>> -> memref<128xi32, #tpu.memory_space<vmem>>
      %dma_wait3A_194 = arith.constant 0 : i32
      %dma_wait3A_195 = arith.constant 0 : i32
      %dma_wait3A_196 = tpu.memref_slice %arg2[%dma_wait3A_194, %dma_wait3A_195] : memref<10240x16xf32, #tpu.memory_space<hbm>> -> memref<10240x16xf32, #tpu.memory_space<hbm>>
      tpu.wait_indirect_dma semaphore(%arg10 : memref<!tpu.dma_semaphore, #tpu.memory_space<semaphore_mem>>) src(%dma_wait3A_196 : memref<10240x16xf32, #tpu.memory_space<hbm>>) dst(%dma_wait3A_190 : memref<128x16xf32, #tpu.memory_space<vmem>>)
    }
    %scan3A_21 = arith.constant 5 : i32
    "tpu.region"() ({
      %run_scoped3A = tpu.sem_alloc : memref<!tpu.dma_semaphore, #tpu.memory_space<semaphore_mem>>
      %dma_start3A = arith.constant 0 : i32
      %dma_start3A_22 = tpu.memref_slice %arg6[%mul3A_10, %dma_start3A] : memref<163840x16xf32, #tpu.memory_space<hbm>> -> memref<5120x16xf32, #tpu.memory_space<hbm>>
      %dma_start3A_23 = arith.constant 0 : i32
      %dma_start3A_24 = tpu.memref_slice %arg6[%mul3A_10, %dma_start3A_23] : memref<163840x16xf32, #tpu.memory_space<hbm>> -> memref<5120x16xf32, #tpu.memory_space<hbm>>
      tpu.enqueue_dma source(%arg9 : memref<5120x16xf32, #tpu.memory_space<vmem>>) target(%dma_start3A_24 : memref<5120x16xf32, #tpu.memory_space<hbm>>) target_semaphore(%run_scoped3A : memref<!tpu.dma_semaphore, #tpu.memory_space<semaphore_mem>>)
      %dma_wait3A = arith.constant 0 : i32
      %dma_wait3A_25 = tpu.memref_slice %arg6[%mul3A_10, %dma_wait3A] : memref<163840x16xf32, #tpu.memory_space<hbm>> -> memref<5120x16xf32, #tpu.memory_space<hbm>>
      %dma_wait3A_26 = arith.constant 0 : i32
      %dma_wait3A_27 = tpu.memref_slice %arg6[%mul3A_10, %dma_wait3A_26] : memref<163840x16xf32, #tpu.memory_space<hbm>> -> memref<5120x16xf32, #tpu.memory_space<hbm>>
      tpu.wait_dma2 semaphore(%run_scoped3A : memref<!tpu.dma_semaphore, #tpu.memory_space<semaphore_mem>>) src(%arg9 : memref<5120x16xf32, #tpu.memory_space<vmem>>) dst(%dma_wait3A_27 : memref<5120x16xf32, #tpu.memory_space<hbm>>)
      tpu.yield
    }) : () -> ()
    return
  }
}

#map = affine_map<(d0, d1) -> (0, 0)>
module attributes {stable_mosaic.version = 14 : i64} {
  func.func @sc_aggregate(%arg0: i32, %arg1: i32, %arg2: memref<163840x32xf32, #tpu.memory_space<hbm>>, %arg3: memref<1280x128xi32, #tpu.memory_space<hbm>>, %arg4: memref<10240x32xf32, #tpu.memory_space<hbm>>, %arg5: memref<20480x32xf32, #tpu.memory_space<hbm>>, %arg6: memref<40x128xi32, #tpu.memory_space<vmem>>, %arg7: memref<1024x32xf32, #tpu.memory_space<vmem>>, %arg8: memref<640x32xf32, #tpu.memory_space<vmem>>, %arg9: memref<10240x32xf32, #tpu.memory_space<vmem_shared>>, %arg10: memref<!tpu.dma_semaphore, #tpu.memory_space<semaphore_mem>>) attributes {dimension_semantics = [#tpu.dimension_semantics<core_parallel>, #tpu.dimension_semantics<subcore_parallel>], iteration_bounds = array<i64: 2, 16>, scalar_prefetch = 0 : i64, scratch_operands = 5 : i64, tpu.core_type = #tpu.core_type<sc_vector_subcore>, window_params = [{transform_indices = #map}, {transform_indices = #map}, {transform_indices = #map}, {transform_indices = #map}]} {
    %mul3A = arith.constant 640 : i32
    %mul3A_0 = arith.muli %arg1, %mul3A : i32
    %mul3A_1 = arith.constant 640 : i32
    %mul3A_2 = arith.muli %arg1, %mul3A_1 : i32
    "tpu.region"() ({
      %run_scoped3A = tpu.sem_alloc : memref<!tpu.dma_semaphore, #tpu.memory_space<semaphore_mem>>
      %dma_start3A = arith.constant 0 : i32
      %dma_start3A_24 = tpu.memref_slice %arg9[%mul3A_2, %dma_start3A] : memref<10240x32xf32, #tpu.memory_space<vmem_shared>> -> memref<640x32xf32, #tpu.memory_space<vmem_shared>>
      %dma_start3A_25 = arith.constant 0 : i32
      %dma_start3A_26 = tpu.memref_slice %arg4[%mul3A_0, %dma_start3A_25] : memref<10240x32xf32, #tpu.memory_space<hbm>> -> memref<640x32xf32, #tpu.memory_space<hbm>>
      tpu.enqueue_dma source(%dma_start3A_26 : memref<640x32xf32, #tpu.memory_space<hbm>>) target(%dma_start3A_24 : memref<640x32xf32, #tpu.memory_space<vmem_shared>>) target_semaphore(%run_scoped3A : memref<!tpu.dma_semaphore, #tpu.memory_space<semaphore_mem>>)
      %dma_wait3A = arith.constant 0 : i32
      %dma_wait3A_27 = tpu.memref_slice %arg9[%mul3A_2, %dma_wait3A] : memref<10240x32xf32, #tpu.memory_space<vmem_shared>> -> memref<640x32xf32, #tpu.memory_space<vmem_shared>>
      %dma_wait3A_28 = arith.constant 0 : i32
      %dma_wait3A_29 = tpu.memref_slice %arg4[%mul3A_0, %dma_wait3A_28] : memref<10240x32xf32, #tpu.memory_space<hbm>> -> memref<640x32xf32, #tpu.memory_space<hbm>>
      tpu.wait_dma2 semaphore(%run_scoped3A : memref<!tpu.dma_semaphore, #tpu.memory_space<semaphore_mem>>) src(%dma_wait3A_29 : memref<640x32xf32, #tpu.memory_space<hbm>>) dst(%dma_wait3A_27 : memref<640x32xf32, #tpu.memory_space<vmem_shared>>)
      tpu.yield
    }) : () -> ()
    %barrier3A = arith.constant 0 : index
    tpu.barrier barrier_id(%barrier3A)
    %mul3A_3 = arith.constant 2 : i32
    %mul3A_4 = arith.muli %arg1, %mul3A_3 : i32
    %add3A = arith.addi %mul3A_4, %arg0 : i32
    %mul3A_5 = arith.constant 40 : i32
    %mul3A_6 = arith.muli %add3A, %mul3A_5 : i32
    %add3A_7 = arith.constant 0 : i32
    %add3A_8 = arith.addi %add3A_7, %mul3A_6 : i32
    "tpu.region"() ({
      %run_scoped3A = tpu.sem_alloc : memref<!tpu.dma_semaphore, #tpu.memory_space<semaphore_mem>>
      %dma_start3A = arith.constant 0 : i32
      %dma_start3A_24 = tpu.memref_slice %arg3[%add3A_8, %dma_start3A] : memref<1280x128xi32, #tpu.memory_space<hbm>> -> memref<40x128xi32, #tpu.memory_space<hbm>>
      %dma_start3A_25 = arith.constant 0 : i32
      %dma_start3A_26 = tpu.memref_slice %arg3[%add3A_8, %dma_start3A_25] : memref<1280x128xi32, #tpu.memory_space<hbm>> -> memref<40x128xi32, #tpu.memory_space<hbm>>
      tpu.enqueue_dma source(%dma_start3A_26 : memref<40x128xi32, #tpu.memory_space<hbm>>) target(%arg6 : memref<40x128xi32, #tpu.memory_space<vmem>>) target_semaphore(%run_scoped3A : memref<!tpu.dma_semaphore, #tpu.memory_space<semaphore_mem>>)
      %dma_wait3A = arith.constant 0 : i32
      %dma_wait3A_27 = tpu.memref_slice %arg3[%add3A_8, %dma_wait3A] : memref<1280x128xi32, #tpu.memory_space<hbm>> -> memref<40x128xi32, #tpu.memory_space<hbm>>
      %dma_wait3A_28 = arith.constant 0 : i32
      %dma_wait3A_29 = tpu.memref_slice %arg3[%add3A_8, %dma_wait3A_28] : memref<1280x128xi32, #tpu.memory_space<hbm>> -> memref<40x128xi32, #tpu.memory_space<hbm>>
      tpu.wait_dma2 semaphore(%run_scoped3A : memref<!tpu.dma_semaphore, #tpu.memory_space<semaphore_mem>>) src(%dma_wait3A_29 : memref<40x128xi32, #tpu.memory_space<hbm>>) dst(%arg6 : memref<40x128xi32, #tpu.memory_space<vmem>>)
      tpu.yield
    }) : () -> ()
    %mul3A_9 = arith.constant 5120 : i32
    %mul3A_10 = arith.muli %add3A, %mul3A_9 : i32
    %scan3A = arith.constant 0 : i32
    %scan3A_11 = arith.constant 0 : i32
    %scan3A_12 = arith.constant 5 : i32
    %scan3A_13 = arith.addi %scan3A_11, %scan3A_12 : i32
    %scan3A_14 = arith.constant 1 : i32
    scf.for %scan3A_24 = %scan3A_11 to %scan3A_13 step %scan3A_14  : i32 {
      %mul3A_25 = arith.constant 8 : i32
      %mul3A_26 = arith.muli %scan3A_24, %mul3A_25 : i32
      %mul3A_27 = arith.constant 128 : i32
      %mul3A_28 = arith.muli %mul3A_26, %mul3A_27 : i32
      %add3A_29 = arith.addi %mul3A_10, %mul3A_28 : i32
      "tpu.region"() ({
        %run_scoped3A = tpu.sem_alloc : memref<!tpu.dma_semaphore, #tpu.memory_space<semaphore_mem>>
        %dma_start3A_204 = arith.constant 0 : i32
        %dma_start3A_205 = tpu.memref_slice %arg2[%add3A_29, %dma_start3A_204] : memref<163840x32xf32, #tpu.memory_space<hbm>> -> memref<1024x32xf32, #tpu.memory_space<hbm>>
        %dma_start3A_206 = arith.constant 0 : i32
        %dma_start3A_207 = tpu.memref_slice %arg2[%add3A_29, %dma_start3A_206] : memref<163840x32xf32, #tpu.memory_space<hbm>> -> memref<1024x32xf32, #tpu.memory_space<hbm>>
        tpu.enqueue_dma source(%dma_start3A_207 : memref<1024x32xf32, #tpu.memory_space<hbm>>) target(%arg7 : memref<1024x32xf32, #tpu.memory_space<vmem>>) target_semaphore(%run_scoped3A : memref<!tpu.dma_semaphore, #tpu.memory_space<semaphore_mem>>)
        %dma_wait3A_208 = arith.constant 0 : i32
        %dma_wait3A_209 = tpu.memref_slice %arg2[%add3A_29, %dma_wait3A_208] : memref<163840x32xf32, #tpu.memory_space<hbm>> -> memref<1024x32xf32, #tpu.memory_space<hbm>>
        %dma_wait3A_210 = arith.constant 0 : i32
        %dma_wait3A_211 = tpu.memref_slice %arg2[%add3A_29, %dma_wait3A_210] : memref<163840x32xf32, #tpu.memory_space<hbm>> -> memref<1024x32xf32, #tpu.memory_space<hbm>>
        tpu.wait_dma2 semaphore(%run_scoped3A : memref<!tpu.dma_semaphore, #tpu.memory_space<semaphore_mem>>) src(%dma_wait3A_211 : memref<1024x32xf32, #tpu.memory_space<hbm>>) dst(%arg7 : memref<1024x32xf32, #tpu.memory_space<vmem>>)
        tpu.yield
      }) : () -> ()
      %mul3A_30 = arith.constant 8 : i32
      %mul3A_31 = arith.muli %scan3A_24, %mul3A_30 : i32
      %add3A_32 = arith.constant 0 : i32
      %add3A_33 = arith.addi %mul3A_31, %add3A_32 : i32
      %dma_start3A = arith.constant 0 : i32
      %dma_start3A_34 = arith.constant 0 : i32
      %dma_start3A_35 = tpu.memref_slice %arg7[%dma_start3A, %dma_start3A_34] : memref<1024x32xf32, #tpu.memory_space<vmem>> -> memref<128x32xf32, #tpu.memory_space<vmem>>
      %dma_start3A_36 = arith.constant 0 : i32
      %dma_start3A_37 = tpu.memref_slice %arg6[%add3A_33, %dma_start3A_36] : memref<40x128xi32, #tpu.memory_space<vmem>> -> memref<1x128xi32, #tpu.memory_space<vmem>>
      %dma_start3A_38 = tpu.memref_squeeze %dma_start3A_37 : memref<1x128xi32, #tpu.memory_space<vmem>> -> memref<128xi32, #tpu.memory_space<vmem>>
      %dma_start3A_39 = arith.constant 0 : i32
      %dma_start3A_40 = arith.constant 0 : i32
      %dma_start3A_41 = tpu.memref_slice %arg9[%dma_start3A_39, %dma_start3A_40] : memref<10240x32xf32, #tpu.memory_space<vmem_shared>> -> memref<10240x32xf32, #tpu.memory_space<vmem_shared>>
      tpu.enqueue_indirect_dma source(%dma_start3A_35 : memref<128x32xf32, #tpu.memory_space<vmem>>) target(%dma_start3A_41 : memref<10240x32xf32, #tpu.memory_space<vmem_shared>>) offsets(%dma_start3A_38 : memref<128xi32, #tpu.memory_space<vmem>>) semaphore(%arg10 : memref<!tpu.dma_semaphore, #tpu.memory_space<semaphore_mem>>) {add = true}
      %mul3A_42 = arith.constant 8 : i32
      %mul3A_43 = arith.muli %scan3A_24, %mul3A_42 : i32
      %add3A_44 = arith.constant 1 : i32
      %add3A_45 = arith.addi %mul3A_43, %add3A_44 : i32
      %dma_start3A_46 = arith.constant 128 : i32
      %dma_start3A_47 = arith.constant 0 : i32
      %dma_start3A_48 = tpu.memref_slice %arg7[%dma_start3A_46, %dma_start3A_47] : memref<1024x32xf32, #tpu.memory_space<vmem>> -> memref<128x32xf32, #tpu.memory_space<vmem>>
      %dma_start3A_49 = arith.constant 0 : i32
      %dma_start3A_50 = tpu.memref_slice %arg6[%add3A_45, %dma_start3A_49] : memref<40x128xi32, #tpu.memory_space<vmem>> -> memref<1x128xi32, #tpu.memory_space<vmem>>
      %dma_start3A_51 = tpu.memref_squeeze %dma_start3A_50 : memref<1x128xi32, #tpu.memory_space<vmem>> -> memref<128xi32, #tpu.memory_space<vmem>>
      %dma_start3A_52 = arith.constant 0 : i32
      %dma_start3A_53 = arith.constant 0 : i32
      %dma_start3A_54 = tpu.memref_slice %arg9[%dma_start3A_52, %dma_start3A_53] : memref<10240x32xf32, #tpu.memory_space<vmem_shared>> -> memref<10240x32xf32, #tpu.memory_space<vmem_shared>>
      tpu.enqueue_indirect_dma source(%dma_start3A_48 : memref<128x32xf32, #tpu.memory_space<vmem>>) target(%dma_start3A_54 : memref<10240x32xf32, #tpu.memory_space<vmem_shared>>) offsets(%dma_start3A_51 : memref<128xi32, #tpu.memory_space<vmem>>) semaphore(%arg10 : memref<!tpu.dma_semaphore, #tpu.memory_space<semaphore_mem>>) {add = true}
      %mul3A_55 = arith.constant 8 : i32
      %mul3A_56 = arith.muli %scan3A_24, %mul3A_55 : i32
      %add3A_57 = arith.constant 2 : i32
      %add3A_58 = arith.addi %mul3A_56, %add3A_57 : i32
      %dma_start3A_59 = arith.constant 256 : i32
      %dma_start3A_60 = arith.constant 0 : i32
      %dma_start3A_61 = tpu.memref_slice %arg7[%dma_start3A_59, %dma_start3A_60] : memref<1024x32xf32, #tpu.memory_space<vmem>> -> memref<128x32xf32, #tpu.memory_space<vmem>>
      %dma_start3A_62 = arith.constant 0 : i32
      %dma_start3A_63 = tpu.memref_slice %arg6[%add3A_58, %dma_start3A_62] : memref<40x128xi32, #tpu.memory_space<vmem>> -> memref<1x128xi32, #tpu.memory_space<vmem>>
      %dma_start3A_64 = tpu.memref_squeeze %dma_start3A_63 : memref<1x128xi32, #tpu.memory_space<vmem>> -> memref<128xi32, #tpu.memory_space<vmem>>
      %dma_start3A_65 = arith.constant 0 : i32
      %dma_start3A_66 = arith.constant 0 : i32
      %dma_start3A_67 = tpu.memref_slice %arg9[%dma_start3A_65, %dma_start3A_66] : memref<10240x32xf32, #tpu.memory_space<vmem_shared>> -> memref<10240x32xf32, #tpu.memory_space<vmem_shared>>
      tpu.enqueue_indirect_dma source(%dma_start3A_61 : memref<128x32xf32, #tpu.memory_space<vmem>>) target(%dma_start3A_67 : memref<10240x32xf32, #tpu.memory_space<vmem_shared>>) offsets(%dma_start3A_64 : memref<128xi32, #tpu.memory_space<vmem>>) semaphore(%arg10 : memref<!tpu.dma_semaphore, #tpu.memory_space<semaphore_mem>>) {add = true}
      %mul3A_68 = arith.constant 8 : i32
      %mul3A_69 = arith.muli %scan3A_24, %mul3A_68 : i32
      %add3A_70 = arith.constant 3 : i32
      %add3A_71 = arith.addi %mul3A_69, %add3A_70 : i32
      %dma_start3A_72 = arith.constant 384 : i32
      %dma_start3A_73 = arith.constant 0 : i32
      %dma_start3A_74 = tpu.memref_slice %arg7[%dma_start3A_72, %dma_start3A_73] : memref<1024x32xf32, #tpu.memory_space<vmem>> -> memref<128x32xf32, #tpu.memory_space<vmem>>
      %dma_start3A_75 = arith.constant 0 : i32
      %dma_start3A_76 = tpu.memref_slice %arg6[%add3A_71, %dma_start3A_75] : memref<40x128xi32, #tpu.memory_space<vmem>> -> memref<1x128xi32, #tpu.memory_space<vmem>>
      %dma_start3A_77 = tpu.memref_squeeze %dma_start3A_76 : memref<1x128xi32, #tpu.memory_space<vmem>> -> memref<128xi32, #tpu.memory_space<vmem>>
      %dma_start3A_78 = arith.constant 0 : i32
      %dma_start3A_79 = arith.constant 0 : i32
      %dma_start3A_80 = tpu.memref_slice %arg9[%dma_start3A_78, %dma_start3A_79] : memref<10240x32xf32, #tpu.memory_space<vmem_shared>> -> memref<10240x32xf32, #tpu.memory_space<vmem_shared>>
      tpu.enqueue_indirect_dma source(%dma_start3A_74 : memref<128x32xf32, #tpu.memory_space<vmem>>) target(%dma_start3A_80 : memref<10240x32xf32, #tpu.memory_space<vmem_shared>>) offsets(%dma_start3A_77 : memref<128xi32, #tpu.memory_space<vmem>>) semaphore(%arg10 : memref<!tpu.dma_semaphore, #tpu.memory_space<semaphore_mem>>) {add = true}
      %mul3A_81 = arith.constant 8 : i32
      %mul3A_82 = arith.muli %scan3A_24, %mul3A_81 : i32
      %add3A_83 = arith.constant 4 : i32
      %add3A_84 = arith.addi %mul3A_82, %add3A_83 : i32
      %dma_start3A_85 = arith.constant 512 : i32
      %dma_start3A_86 = arith.constant 0 : i32
      %dma_start3A_87 = tpu.memref_slice %arg7[%dma_start3A_85, %dma_start3A_86] : memref<1024x32xf32, #tpu.memory_space<vmem>> -> memref<128x32xf32, #tpu.memory_space<vmem>>
      %dma_start3A_88 = arith.constant 0 : i32
      %dma_start3A_89 = tpu.memref_slice %arg6[%add3A_84, %dma_start3A_88] : memref<40x128xi32, #tpu.memory_space<vmem>> -> memref<1x128xi32, #tpu.memory_space<vmem>>
      %dma_start3A_90 = tpu.memref_squeeze %dma_start3A_89 : memref<1x128xi32, #tpu.memory_space<vmem>> -> memref<128xi32, #tpu.memory_space<vmem>>
      %dma_start3A_91 = arith.constant 0 : i32
      %dma_start3A_92 = arith.constant 0 : i32
      %dma_start3A_93 = tpu.memref_slice %arg9[%dma_start3A_91, %dma_start3A_92] : memref<10240x32xf32, #tpu.memory_space<vmem_shared>> -> memref<10240x32xf32, #tpu.memory_space<vmem_shared>>
      tpu.enqueue_indirect_dma source(%dma_start3A_87 : memref<128x32xf32, #tpu.memory_space<vmem>>) target(%dma_start3A_93 : memref<10240x32xf32, #tpu.memory_space<vmem_shared>>) offsets(%dma_start3A_90 : memref<128xi32, #tpu.memory_space<vmem>>) semaphore(%arg10 : memref<!tpu.dma_semaphore, #tpu.memory_space<semaphore_mem>>) {add = true}
      %mul3A_94 = arith.constant 8 : i32
      %mul3A_95 = arith.muli %scan3A_24, %mul3A_94 : i32
      %add3A_96 = arith.constant 5 : i32
      %add3A_97 = arith.addi %mul3A_95, %add3A_96 : i32
      %dma_start3A_98 = arith.constant 640 : i32
      %dma_start3A_99 = arith.constant 0 : i32
      %dma_start3A_100 = tpu.memref_slice %arg7[%dma_start3A_98, %dma_start3A_99] : memref<1024x32xf32, #tpu.memory_space<vmem>> -> memref<128x32xf32, #tpu.memory_space<vmem>>
      %dma_start3A_101 = arith.constant 0 : i32
      %dma_start3A_102 = tpu.memref_slice %arg6[%add3A_97, %dma_start3A_101] : memref<40x128xi32, #tpu.memory_space<vmem>> -> memref<1x128xi32, #tpu.memory_space<vmem>>
      %dma_start3A_103 = tpu.memref_squeeze %dma_start3A_102 : memref<1x128xi32, #tpu.memory_space<vmem>> -> memref<128xi32, #tpu.memory_space<vmem>>
      %dma_start3A_104 = arith.constant 0 : i32
      %dma_start3A_105 = arith.constant 0 : i32
      %dma_start3A_106 = tpu.memref_slice %arg9[%dma_start3A_104, %dma_start3A_105] : memref<10240x32xf32, #tpu.memory_space<vmem_shared>> -> memref<10240x32xf32, #tpu.memory_space<vmem_shared>>
      tpu.enqueue_indirect_dma source(%dma_start3A_100 : memref<128x32xf32, #tpu.memory_space<vmem>>) target(%dma_start3A_106 : memref<10240x32xf32, #tpu.memory_space<vmem_shared>>) offsets(%dma_start3A_103 : memref<128xi32, #tpu.memory_space<vmem>>) semaphore(%arg10 : memref<!tpu.dma_semaphore, #tpu.memory_space<semaphore_mem>>) {add = true}
      %mul3A_107 = arith.constant 8 : i32
      %mul3A_108 = arith.muli %scan3A_24, %mul3A_107 : i32
      %add3A_109 = arith.constant 6 : i32
      %add3A_110 = arith.addi %mul3A_108, %add3A_109 : i32
      %dma_start3A_111 = arith.constant 768 : i32
      %dma_start3A_112 = arith.constant 0 : i32
      %dma_start3A_113 = tpu.memref_slice %arg7[%dma_start3A_111, %dma_start3A_112] : memref<1024x32xf32, #tpu.memory_space<vmem>> -> memref<128x32xf32, #tpu.memory_space<vmem>>
      %dma_start3A_114 = arith.constant 0 : i32
      %dma_start3A_115 = tpu.memref_slice %arg6[%add3A_110, %dma_start3A_114] : memref<40x128xi32, #tpu.memory_space<vmem>> -> memref<1x128xi32, #tpu.memory_space<vmem>>
      %dma_start3A_116 = tpu.memref_squeeze %dma_start3A_115 : memref<1x128xi32, #tpu.memory_space<vmem>> -> memref<128xi32, #tpu.memory_space<vmem>>
      %dma_start3A_117 = arith.constant 0 : i32
      %dma_start3A_118 = arith.constant 0 : i32
      %dma_start3A_119 = tpu.memref_slice %arg9[%dma_start3A_117, %dma_start3A_118] : memref<10240x32xf32, #tpu.memory_space<vmem_shared>> -> memref<10240x32xf32, #tpu.memory_space<vmem_shared>>
      tpu.enqueue_indirect_dma source(%dma_start3A_113 : memref<128x32xf32, #tpu.memory_space<vmem>>) target(%dma_start3A_119 : memref<10240x32xf32, #tpu.memory_space<vmem_shared>>) offsets(%dma_start3A_116 : memref<128xi32, #tpu.memory_space<vmem>>) semaphore(%arg10 : memref<!tpu.dma_semaphore, #tpu.memory_space<semaphore_mem>>) {add = true}
      %mul3A_120 = arith.constant 8 : i32
      %mul3A_121 = arith.muli %scan3A_24, %mul3A_120 : i32
      %add3A_122 = arith.constant 7 : i32
      %add3A_123 = arith.addi %mul3A_121, %add3A_122 : i32
      %dma_start3A_124 = arith.constant 896 : i32
      %dma_start3A_125 = arith.constant 0 : i32
      %dma_start3A_126 = tpu.memref_slice %arg7[%dma_start3A_124, %dma_start3A_125] : memref<1024x32xf32, #tpu.memory_space<vmem>> -> memref<128x32xf32, #tpu.memory_space<vmem>>
      %dma_start3A_127 = arith.constant 0 : i32
      %dma_start3A_128 = tpu.memref_slice %arg6[%add3A_123, %dma_start3A_127] : memref<40x128xi32, #tpu.memory_space<vmem>> -> memref<1x128xi32, #tpu.memory_space<vmem>>
      %dma_start3A_129 = tpu.memref_squeeze %dma_start3A_128 : memref<1x128xi32, #tpu.memory_space<vmem>> -> memref<128xi32, #tpu.memory_space<vmem>>
      %dma_start3A_130 = arith.constant 0 : i32
      %dma_start3A_131 = arith.constant 0 : i32
      %dma_start3A_132 = tpu.memref_slice %arg9[%dma_start3A_130, %dma_start3A_131] : memref<10240x32xf32, #tpu.memory_space<vmem_shared>> -> memref<10240x32xf32, #tpu.memory_space<vmem_shared>>
      tpu.enqueue_indirect_dma source(%dma_start3A_126 : memref<128x32xf32, #tpu.memory_space<vmem>>) target(%dma_start3A_132 : memref<10240x32xf32, #tpu.memory_space<vmem_shared>>) offsets(%dma_start3A_129 : memref<128xi32, #tpu.memory_space<vmem>>) semaphore(%arg10 : memref<!tpu.dma_semaphore, #tpu.memory_space<semaphore_mem>>) {add = true}
      %dma_wait3A = arith.constant 0 : i32
      %dma_wait3A_133 = arith.constant 0 : i32
      %dma_wait3A_134 = tpu.memref_slice %arg7[%dma_wait3A, %dma_wait3A_133] : memref<1024x32xf32, #tpu.memory_space<vmem>> -> memref<128x32xf32, #tpu.memory_space<vmem>>
      %dma_wait3A_135 = arith.constant 0 : i32
      %dma_wait3A_136 = tpu.memref_slice %arg6[%add3A_33, %dma_wait3A_135] : memref<40x128xi32, #tpu.memory_space<vmem>> -> memref<1x128xi32, #tpu.memory_space<vmem>>
      %dma_wait3A_137 = tpu.memref_squeeze %dma_wait3A_136 : memref<1x128xi32, #tpu.memory_space<vmem>> -> memref<128xi32, #tpu.memory_space<vmem>>
      %dma_wait3A_138 = arith.constant 0 : i32
      %dma_wait3A_139 = arith.constant 0 : i32
      %dma_wait3A_140 = tpu.memref_slice %arg9[%dma_wait3A_138, %dma_wait3A_139] : memref<10240x32xf32, #tpu.memory_space<vmem_shared>> -> memref<10240x32xf32, #tpu.memory_space<vmem_shared>>
      tpu.wait_indirect_dma semaphore(%arg10 : memref<!tpu.dma_semaphore, #tpu.memory_space<semaphore_mem>>) src(%dma_wait3A_134 : memref<128x32xf32, #tpu.memory_space<vmem>>) dst(%dma_wait3A_140 : memref<10240x32xf32, #tpu.memory_space<vmem_shared>>)
      %dma_wait3A_141 = arith.constant 128 : i32
      %dma_wait3A_142 = arith.constant 0 : i32
      %dma_wait3A_143 = tpu.memref_slice %arg7[%dma_wait3A_141, %dma_wait3A_142] : memref<1024x32xf32, #tpu.memory_space<vmem>> -> memref<128x32xf32, #tpu.memory_space<vmem>>
      %dma_wait3A_144 = arith.constant 0 : i32
      %dma_wait3A_145 = tpu.memref_slice %arg6[%add3A_45, %dma_wait3A_144] : memref<40x128xi32, #tpu.memory_space<vmem>> -> memref<1x128xi32, #tpu.memory_space<vmem>>
      %dma_wait3A_146 = tpu.memref_squeeze %dma_wait3A_145 : memref<1x128xi32, #tpu.memory_space<vmem>> -> memref<128xi32, #tpu.memory_space<vmem>>
      %dma_wait3A_147 = arith.constant 0 : i32
      %dma_wait3A_148 = arith.constant 0 : i32
      %dma_wait3A_149 = tpu.memref_slice %arg9[%dma_wait3A_147, %dma_wait3A_148] : memref<10240x32xf32, #tpu.memory_space<vmem_shared>> -> memref<10240x32xf32, #tpu.memory_space<vmem_shared>>
      tpu.wait_indirect_dma semaphore(%arg10 : memref<!tpu.dma_semaphore, #tpu.memory_space<semaphore_mem>>) src(%dma_wait3A_143 : memref<128x32xf32, #tpu.memory_space<vmem>>) dst(%dma_wait3A_149 : memref<10240x32xf32, #tpu.memory_space<vmem_shared>>)
      %dma_wait3A_150 = arith.constant 256 : i32
      %dma_wait3A_151 = arith.constant 0 : i32
      %dma_wait3A_152 = tpu.memref_slice %arg7[%dma_wait3A_150, %dma_wait3A_151] : memref<1024x32xf32, #tpu.memory_space<vmem>> -> memref<128x32xf32, #tpu.memory_space<vmem>>
      %dma_wait3A_153 = arith.constant 0 : i32
      %dma_wait3A_154 = tpu.memref_slice %arg6[%add3A_58, %dma_wait3A_153] : memref<40x128xi32, #tpu.memory_space<vmem>> -> memref<1x128xi32, #tpu.memory_space<vmem>>
      %dma_wait3A_155 = tpu.memref_squeeze %dma_wait3A_154 : memref<1x128xi32, #tpu.memory_space<vmem>> -> memref<128xi32, #tpu.memory_space<vmem>>
      %dma_wait3A_156 = arith.constant 0 : i32
      %dma_wait3A_157 = arith.constant 0 : i32
      %dma_wait3A_158 = tpu.memref_slice %arg9[%dma_wait3A_156, %dma_wait3A_157] : memref<10240x32xf32, #tpu.memory_space<vmem_shared>> -> memref<10240x32xf32, #tpu.memory_space<vmem_shared>>
      tpu.wait_indirect_dma semaphore(%arg10 : memref<!tpu.dma_semaphore, #tpu.memory_space<semaphore_mem>>) src(%dma_wait3A_152 : memref<128x32xf32, #tpu.memory_space<vmem>>) dst(%dma_wait3A_158 : memref<10240x32xf32, #tpu.memory_space<vmem_shared>>)
      %dma_wait3A_159 = arith.constant 384 : i32
      %dma_wait3A_160 = arith.constant 0 : i32
      %dma_wait3A_161 = tpu.memref_slice %arg7[%dma_wait3A_159, %dma_wait3A_160] : memref<1024x32xf32, #tpu.memory_space<vmem>> -> memref<128x32xf32, #tpu.memory_space<vmem>>
      %dma_wait3A_162 = arith.constant 0 : i32
      %dma_wait3A_163 = tpu.memref_slice %arg6[%add3A_71, %dma_wait3A_162] : memref<40x128xi32, #tpu.memory_space<vmem>> -> memref<1x128xi32, #tpu.memory_space<vmem>>
      %dma_wait3A_164 = tpu.memref_squeeze %dma_wait3A_163 : memref<1x128xi32, #tpu.memory_space<vmem>> -> memref<128xi32, #tpu.memory_space<vmem>>
      %dma_wait3A_165 = arith.constant 0 : i32
      %dma_wait3A_166 = arith.constant 0 : i32
      %dma_wait3A_167 = tpu.memref_slice %arg9[%dma_wait3A_165, %dma_wait3A_166] : memref<10240x32xf32, #tpu.memory_space<vmem_shared>> -> memref<10240x32xf32, #tpu.memory_space<vmem_shared>>
      tpu.wait_indirect_dma semaphore(%arg10 : memref<!tpu.dma_semaphore, #tpu.memory_space<semaphore_mem>>) src(%dma_wait3A_161 : memref<128x32xf32, #tpu.memory_space<vmem>>) dst(%dma_wait3A_167 : memref<10240x32xf32, #tpu.memory_space<vmem_shared>>)
      %dma_wait3A_168 = arith.constant 512 : i32
      %dma_wait3A_169 = arith.constant 0 : i32
      %dma_wait3A_170 = tpu.memref_slice %arg7[%dma_wait3A_168, %dma_wait3A_169] : memref<1024x32xf32, #tpu.memory_space<vmem>> -> memref<128x32xf32, #tpu.memory_space<vmem>>
      %dma_wait3A_171 = arith.constant 0 : i32
      %dma_wait3A_172 = tpu.memref_slice %arg6[%add3A_84, %dma_wait3A_171] : memref<40x128xi32, #tpu.memory_space<vmem>> -> memref<1x128xi32, #tpu.memory_space<vmem>>
      %dma_wait3A_173 = tpu.memref_squeeze %dma_wait3A_172 : memref<1x128xi32, #tpu.memory_space<vmem>> -> memref<128xi32, #tpu.memory_space<vmem>>
      %dma_wait3A_174 = arith.constant 0 : i32
      %dma_wait3A_175 = arith.constant 0 : i32
      %dma_wait3A_176 = tpu.memref_slice %arg9[%dma_wait3A_174, %dma_wait3A_175] : memref<10240x32xf32, #tpu.memory_space<vmem_shared>> -> memref<10240x32xf32, #tpu.memory_space<vmem_shared>>
      tpu.wait_indirect_dma semaphore(%arg10 : memref<!tpu.dma_semaphore, #tpu.memory_space<semaphore_mem>>) src(%dma_wait3A_170 : memref<128x32xf32, #tpu.memory_space<vmem>>) dst(%dma_wait3A_176 : memref<10240x32xf32, #tpu.memory_space<vmem_shared>>)
      %dma_wait3A_177 = arith.constant 640 : i32
      %dma_wait3A_178 = arith.constant 0 : i32
      %dma_wait3A_179 = tpu.memref_slice %arg7[%dma_wait3A_177, %dma_wait3A_178] : memref<1024x32xf32, #tpu.memory_space<vmem>> -> memref<128x32xf32, #tpu.memory_space<vmem>>
      %dma_wait3A_180 = arith.constant 0 : i32
      %dma_wait3A_181 = tpu.memref_slice %arg6[%add3A_97, %dma_wait3A_180] : memref<40x128xi32, #tpu.memory_space<vmem>> -> memref<1x128xi32, #tpu.memory_space<vmem>>
      %dma_wait3A_182 = tpu.memref_squeeze %dma_wait3A_181 : memref<1x128xi32, #tpu.memory_space<vmem>> -> memref<128xi32, #tpu.memory_space<vmem>>
      %dma_wait3A_183 = arith.constant 0 : i32
      %dma_wait3A_184 = arith.constant 0 : i32
      %dma_wait3A_185 = tpu.memref_slice %arg9[%dma_wait3A_183, %dma_wait3A_184] : memref<10240x32xf32, #tpu.memory_space<vmem_shared>> -> memref<10240x32xf32, #tpu.memory_space<vmem_shared>>
      tpu.wait_indirect_dma semaphore(%arg10 : memref<!tpu.dma_semaphore, #tpu.memory_space<semaphore_mem>>) src(%dma_wait3A_179 : memref<128x32xf32, #tpu.memory_space<vmem>>) dst(%dma_wait3A_185 : memref<10240x32xf32, #tpu.memory_space<vmem_shared>>)
      %dma_wait3A_186 = arith.constant 768 : i32
      %dma_wait3A_187 = arith.constant 0 : i32
      %dma_wait3A_188 = tpu.memref_slice %arg7[%dma_wait3A_186, %dma_wait3A_187] : memref<1024x32xf32, #tpu.memory_space<vmem>> -> memref<128x32xf32, #tpu.memory_space<vmem>>
      %dma_wait3A_189 = arith.constant 0 : i32
      %dma_wait3A_190 = tpu.memref_slice %arg6[%add3A_110, %dma_wait3A_189] : memref<40x128xi32, #tpu.memory_space<vmem>> -> memref<1x128xi32, #tpu.memory_space<vmem>>
      %dma_wait3A_191 = tpu.memref_squeeze %dma_wait3A_190 : memref<1x128xi32, #tpu.memory_space<vmem>> -> memref<128xi32, #tpu.memory_space<vmem>>
      %dma_wait3A_192 = arith.constant 0 : i32
      %dma_wait3A_193 = arith.constant 0 : i32
      %dma_wait3A_194 = tpu.memref_slice %arg9[%dma_wait3A_192, %dma_wait3A_193] : memref<10240x32xf32, #tpu.memory_space<vmem_shared>> -> memref<10240x32xf32, #tpu.memory_space<vmem_shared>>
      tpu.wait_indirect_dma semaphore(%arg10 : memref<!tpu.dma_semaphore, #tpu.memory_space<semaphore_mem>>) src(%dma_wait3A_188 : memref<128x32xf32, #tpu.memory_space<vmem>>) dst(%dma_wait3A_194 : memref<10240x32xf32, #tpu.memory_space<vmem_shared>>)
      %dma_wait3A_195 = arith.constant 896 : i32
      %dma_wait3A_196 = arith.constant 0 : i32
      %dma_wait3A_197 = tpu.memref_slice %arg7[%dma_wait3A_195, %dma_wait3A_196] : memref<1024x32xf32, #tpu.memory_space<vmem>> -> memref<128x32xf32, #tpu.memory_space<vmem>>
      %dma_wait3A_198 = arith.constant 0 : i32
      %dma_wait3A_199 = tpu.memref_slice %arg6[%add3A_123, %dma_wait3A_198] : memref<40x128xi32, #tpu.memory_space<vmem>> -> memref<1x128xi32, #tpu.memory_space<vmem>>
      %dma_wait3A_200 = tpu.memref_squeeze %dma_wait3A_199 : memref<1x128xi32, #tpu.memory_space<vmem>> -> memref<128xi32, #tpu.memory_space<vmem>>
      %dma_wait3A_201 = arith.constant 0 : i32
      %dma_wait3A_202 = arith.constant 0 : i32
      %dma_wait3A_203 = tpu.memref_slice %arg9[%dma_wait3A_201, %dma_wait3A_202] : memref<10240x32xf32, #tpu.memory_space<vmem_shared>> -> memref<10240x32xf32, #tpu.memory_space<vmem_shared>>
      tpu.wait_indirect_dma semaphore(%arg10 : memref<!tpu.dma_semaphore, #tpu.memory_space<semaphore_mem>>) src(%dma_wait3A_197 : memref<128x32xf32, #tpu.memory_space<vmem>>) dst(%dma_wait3A_203 : memref<10240x32xf32, #tpu.memory_space<vmem_shared>>)
    }
    %scan3A_15 = arith.constant 5 : i32
    %barrier3A_16 = arith.constant 0 : index
    tpu.barrier barrier_id(%barrier3A_16)
    %mul3A_17 = arith.constant 640 : i32
    %mul3A_18 = arith.muli %arg1, %mul3A_17 : i32
    "tpu.region"() ({
      %run_scoped3A = tpu.sem_alloc : memref<!tpu.dma_semaphore, #tpu.memory_space<semaphore_mem>>
      %dma_start3A = arith.constant 0 : i32
      %dma_start3A_24 = tpu.memref_slice %arg9[%mul3A_18, %dma_start3A] : memref<10240x32xf32, #tpu.memory_space<vmem_shared>> -> memref<640x32xf32, #tpu.memory_space<vmem_shared>>
      %dma_start3A_25 = arith.constant 0 : i32
      %dma_start3A_26 = tpu.memref_slice %arg9[%mul3A_18, %dma_start3A_25] : memref<10240x32xf32, #tpu.memory_space<vmem_shared>> -> memref<640x32xf32, #tpu.memory_space<vmem_shared>>
      tpu.enqueue_dma source(%dma_start3A_26 : memref<640x32xf32, #tpu.memory_space<vmem_shared>>) target(%arg8 : memref<640x32xf32, #tpu.memory_space<vmem>>) target_semaphore(%run_scoped3A : memref<!tpu.dma_semaphore, #tpu.memory_space<semaphore_mem>>)
      %dma_wait3A = arith.constant 0 : i32
      %dma_wait3A_27 = tpu.memref_slice %arg9[%mul3A_18, %dma_wait3A] : memref<10240x32xf32, #tpu.memory_space<vmem_shared>> -> memref<640x32xf32, #tpu.memory_space<vmem_shared>>
      %dma_wait3A_28 = arith.constant 0 : i32
      %dma_wait3A_29 = tpu.memref_slice %arg9[%mul3A_18, %dma_wait3A_28] : memref<10240x32xf32, #tpu.memory_space<vmem_shared>> -> memref<640x32xf32, #tpu.memory_space<vmem_shared>>
      tpu.wait_dma2 semaphore(%run_scoped3A : memref<!tpu.dma_semaphore, #tpu.memory_space<semaphore_mem>>) src(%dma_wait3A_29 : memref<640x32xf32, #tpu.memory_space<vmem_shared>>) dst(%arg8 : memref<640x32xf32, #tpu.memory_space<vmem>>)
      tpu.yield
    }) : () -> ()
    %mul3A_19 = arith.constant 10240 : i32
    %mul3A_20 = arith.muli %arg0, %mul3A_19 : i32
    %mul3A_21 = arith.constant 640 : i32
    %mul3A_22 = arith.muli %arg1, %mul3A_21 : i32
    %add3A_23 = arith.addi %mul3A_20, %mul3A_22 : i32
    "tpu.region"() ({
      %run_scoped3A = tpu.sem_alloc : memref<!tpu.dma_semaphore, #tpu.memory_space<semaphore_mem>>
      %dma_start3A = arith.constant 0 : i32
      %dma_start3A_24 = tpu.memref_slice %arg5[%add3A_23, %dma_start3A] : memref<20480x32xf32, #tpu.memory_space<hbm>> -> memref<640x32xf32, #tpu.memory_space<hbm>>
      %dma_start3A_25 = arith.constant 0 : i32
      %dma_start3A_26 = tpu.memref_slice %arg5[%add3A_23, %dma_start3A_25] : memref<20480x32xf32, #tpu.memory_space<hbm>> -> memref<640x32xf32, #tpu.memory_space<hbm>>
      tpu.enqueue_dma source(%arg8 : memref<640x32xf32, #tpu.memory_space<vmem>>) target(%dma_start3A_26 : memref<640x32xf32, #tpu.memory_space<hbm>>) target_semaphore(%run_scoped3A : memref<!tpu.dma_semaphore, #tpu.memory_space<semaphore_mem>>)
      %dma_wait3A = arith.constant 0 : i32
      %dma_wait3A_27 = tpu.memref_slice %arg5[%add3A_23, %dma_wait3A] : memref<20480x32xf32, #tpu.memory_space<hbm>> -> memref<640x32xf32, #tpu.memory_space<hbm>>
      %dma_wait3A_28 = arith.constant 0 : i32
      %dma_wait3A_29 = tpu.memref_slice %arg5[%add3A_23, %dma_wait3A_28] : memref<20480x32xf32, #tpu.memory_space<hbm>> -> memref<640x32xf32, #tpu.memory_space<hbm>>
      tpu.wait_dma2 semaphore(%run_scoped3A : memref<!tpu.dma_semaphore, #tpu.memory_space<semaphore_mem>>) src(%arg8 : memref<640x32xf32, #tpu.memory_space<vmem>>) dst(%dma_wait3A_29 : memref<640x32xf32, #tpu.memory_space<hbm>>)
      tpu.yield
    }) : () -> ()
    return
  }
}

module attributes {stable_mosaic.version = 14 : i64} {
  func.func @_edge_body(%arg0: i32, %arg1: memref<4096x16xf32, #tpu.memory_space<vmem>>, %arg2: memref<4096x16xf32, #tpu.memory_space<vmem>>, %arg3: memref<4096x16xf32, #tpu.memory_space<vmem>>, %arg4: memref<4096x1xf32, #tpu.memory_space<vmem>>, %arg5: memref<16x128xf32, #tpu.memory_space<vmem>>, %arg6: memref<1x128xf32, #tpu.memory_space<vmem>>, %arg7: memref<64x256xf32, #tpu.memory_space<vmem>>, %arg8: memref<1x256xf32, #tpu.memory_space<vmem>>, %arg9: memref<1x256xf32, #tpu.memory_space<vmem>>, %arg10: memref<64x256xf32, #tpu.memory_space<vmem>>, %arg11: memref<16x16xf32, #tpu.memory_space<vmem>>, %arg12: memref<16x256xf32, #tpu.memory_space<vmem>>, %arg13: memref<256x16xf32, #tpu.memory_space<vmem>>, %arg14: memref<16x16xf32, #tpu.memory_space<vmem>>, %arg15: memref<4096x32xf32, #tpu.memory_space<vmem>>) attributes {dimension_semantics = [#tpu.dimension_semantics<arbitrary>], iteration_bounds = array<i64: 40>, scalar_prefetch = 0 : i64, scratch_operands = 0 : i64, tpu.core_type = #tpu.core_type<tc>, window_params = [{transform_indices = @transform_0, window_bounds = array<i64: 4096, 16>}, {transform_indices = @transform_1, window_bounds = array<i64: 4096, 16>}, {transform_indices = @transform_2, window_bounds = array<i64: 4096, 16>}, {transform_indices = @transform_3, window_bounds = array<i64: 4096, 1>}, {pipeline_mode = #tpu.pipeline_mode<synchronous>, transform_indices = @transform_4, window_bounds = array<i64: 16, 128>}, {pipeline_mode = #tpu.pipeline_mode<synchronous>, transform_indices = @transform_5, window_bounds = array<i64: 1, 128>}, {pipeline_mode = #tpu.pipeline_mode<synchronous>, transform_indices = @transform_6, window_bounds = array<i64: 64, 256>}, {pipeline_mode = #tpu.pipeline_mode<synchronous>, transform_indices = @transform_7, window_bounds = array<i64: 1, 256>}, {pipeline_mode = #tpu.pipeline_mode<synchronous>, transform_indices = @transform_8, window_bounds = array<i64: 1, 256>}, {pipeline_mode = #tpu.pipeline_mode<synchronous>, transform_indices = @transform_9, window_bounds = array<i64: 64, 256>}, {pipeline_mode = #tpu.pipeline_mode<synchronous>, transform_indices = @transform_10, window_bounds = array<i64: 16, 16>}, {pipeline_mode = #tpu.pipeline_mode<synchronous>, transform_indices = @transform_11, window_bounds = array<i64: 16, 256>}, {pipeline_mode = #tpu.pipeline_mode<synchronous>, transform_indices = @transform_12, window_bounds = array<i64: 256, 16>}, {pipeline_mode = #tpu.pipeline_mode<synchronous>, transform_indices = @transform_13, window_bounds = array<i64: 16, 16>}, {transform_indices = @transform_14, window_bounds = array<i64: 4096, 32>}]} {
    %get3A = arith.constant 0 : index
    %get3A_0 = arith.constant 0 : index
    %get3A_1 = vector.load %arg1[%get3A, %get3A_0] : memref<4096x16xf32, #tpu.memory_space<vmem>>, vector<4096x16xf32>
    %get3A_2 = arith.constant 0 : index
    %get3A_3 = arith.constant 0 : index
    %get3A_4 = vector.load %arg5[%get3A_2, %get3A_3] : memref<16x128xf32, #tpu.memory_space<vmem>>, vector<16x128xf32>
    %dot_general3A = arith.constant dense<0.000000e+00> : vector<4096x128xf32>
    %dot_general3A_5 = tpu.matmul %get3A_1, %get3A_4, %dot_general3A {dimension_numbers = #tpu.dot_dimension_numbers<[1], [0], [0], [1], [0, 0, 1, 1], [], []>, transpose_lhs_hint = false} : vector<4096x16xf32>, vector<16x128xf32>, vector<4096x128xf32> -> vector<4096x128xf32>
    %get3A_6 = arith.constant 0 : index
    %get3A_7 = arith.constant 0 : index
    %get3A_8 = vector.load %arg6[%get3A_6, %get3A_7] : memref<1x128xf32, #tpu.memory_space<vmem>>, vector<1x128xf32>
    %add3A = vector.broadcast %get3A_8 : vector<1x128xf32> to vector<4096x128xf32>
    %add3A_9 = arith.addf %dot_general3A_5, %add3A : vector<4096x128xf32>
    %neg3A = arith.constant 0.000000e+00 : f32
    %neg3A_10 = vector.broadcast %neg3A : f32 to vector<4096x128xf32>
    %neg3A_11 = arith.subf %neg3A_10, %add3A_9 : vector<4096x128xf32>
    %exp3A = math.exp %neg3A_11 : vector<4096x128xf32>
    %add3A_12 = arith.constant 1.000000e+00 : f32
    %add3A_13 = vector.broadcast %add3A_12 : f32 to vector<4096x128xf32>
    %add3A_14 = arith.addf %add3A_13, %exp3A : vector<4096x128xf32>
    %div3A = arith.constant 1.000000e+00 : f32
    %div3A_15 = vector.broadcast %div3A : f32 to vector<4096x128xf32>
    %div3A_16 = arith.divf %div3A_15, %add3A_14 : vector<4096x128xf32>
    %mul3A = arith.mulf %add3A_9, %div3A_16 : vector<4096x128xf32>
    %slice3A = vector.extract_strided_slice %mul3A {offsets = [0, 0], sizes = [4096, 64], strides = [1, 1]} : vector<4096x128xf32> to vector<4096x64xf32>
    %slice3A_17 = vector.extract_strided_slice %mul3A {offsets = [0, 64], sizes = [4096, 64], strides = [1, 1]} : vector<4096x128xf32> to vector<4096x64xf32>
    %get3A_18 = arith.constant 0 : index
    %get3A_19 = arith.constant 0 : index
    %get3A_20 = vector.load %arg7[%get3A_18, %get3A_19] : memref<64x256xf32, #tpu.memory_space<vmem>>, vector<64x256xf32>
    %dot_general3A_21 = arith.constant dense<0.000000e+00> : vector<4096x256xf32>
    %dot_general3A_22 = tpu.matmul %slice3A, %get3A_20, %dot_general3A_21 {dimension_numbers = #tpu.dot_dimension_numbers<[1], [0], [0], [1], [0, 0, 1, 1], [], []>, transpose_lhs_hint = false} : vector<4096x64xf32>, vector<64x256xf32>, vector<4096x256xf32> -> vector<4096x256xf32>
    %get3A_23 = arith.constant 0 : index
    %get3A_24 = arith.constant 0 : index
    %get3A_25 = vector.load %arg8[%get3A_23, %get3A_24] : memref<1x256xf32, #tpu.memory_space<vmem>>, vector<1x256xf32>
    %add3A_26 = vector.broadcast %get3A_25 : vector<1x256xf32> to vector<4096x256xf32>
    %add3A_27 = arith.addf %dot_general3A_22, %add3A_26 : vector<4096x256xf32>
    %get3A_28 = arith.constant 0 : index
    %get3A_29 = arith.constant 0 : index
    %get3A_30 = vector.load %arg10[%get3A_28, %get3A_29] : memref<64x256xf32, #tpu.memory_space<vmem>>, vector<64x256xf32>
    %dot_general3A_31 = arith.constant dense<0.000000e+00> : vector<4096x256xf32>
    %dot_general3A_32 = tpu.matmul %slice3A_17, %get3A_30, %dot_general3A_31 {dimension_numbers = #tpu.dot_dimension_numbers<[1], [0], [0], [1], [0, 0, 1, 1], [], []>, transpose_lhs_hint = false} : vector<4096x64xf32>, vector<64x256xf32>, vector<4096x256xf32> -> vector<4096x256xf32>
    %get3A_33 = arith.constant 0 : index
    %get3A_34 = arith.constant 0 : index
    %get3A_35 = vector.load %arg9[%get3A_33, %get3A_34] : memref<1x256xf32, #tpu.memory_space<vmem>>, vector<1x256xf32>
    %add3A_36 = vector.broadcast %get3A_35 : vector<1x256xf32> to vector<4096x256xf32>
    %add3A_37 = arith.addf %dot_general3A_32, %add3A_36 : vector<4096x256xf32>
    %get3A_38 = arith.constant 0 : index
    %get3A_39 = arith.constant 0 : index
    %get3A_40 = vector.load %arg2[%get3A_38, %get3A_39] : memref<4096x16xf32, #tpu.memory_space<vmem>>, vector<4096x16xf32>
    %get3A_41 = arith.constant 0 : index
    %get3A_42 = arith.constant 0 : index
    %get3A_43 = vector.load %arg12[%get3A_41, %get3A_42] : memref<16x256xf32, #tpu.memory_space<vmem>>, vector<16x256xf32>
    %dot_general3A_44 = arith.constant dense<0.000000e+00> : vector<4096x256xf32>
    %dot_general3A_45 = tpu.matmul %get3A_40, %get3A_43, %dot_general3A_44 {dimension_numbers = #tpu.dot_dimension_numbers<[1], [0], [0], [1], [0, 0, 1, 1], [], []>, transpose_lhs_hint = false} : vector<4096x16xf32>, vector<16x256xf32>, vector<4096x256xf32> -> vector<4096x256xf32>
    %mul3A_46 = arith.mulf %dot_general3A_45, %add3A_27 : vector<4096x256xf32>
    %get3A_47 = arith.constant 0 : index
    %get3A_48 = arith.constant 0 : index
    %get3A_49 = vector.load %arg13[%get3A_47, %get3A_48] : memref<256x16xf32, #tpu.memory_space<vmem>>, vector<256x16xf32>
    %dot_general3A_50 = arith.constant dense<0.000000e+00> : vector<4096x16xf32>
    %dot_general3A_51 = tpu.matmul %mul3A_46, %get3A_49, %dot_general3A_50 {dimension_numbers = #tpu.dot_dimension_numbers<[1], [0], [0], [1], [0, 0, 1, 1], [], []>, transpose_lhs_hint = false} : vector<4096x256xf32>, vector<256x16xf32>, vector<4096x16xf32> -> vector<4096x16xf32>
    %mul3A_52 = arith.mulf %dot_general3A_45, %add3A_37 : vector<4096x256xf32>
    %get3A_53 = arith.constant 0 : index
    %get3A_54 = arith.constant 0 : index
    %get3A_55 = vector.load %arg13[%get3A_53, %get3A_54] : memref<256x16xf32, #tpu.memory_space<vmem>>, vector<256x16xf32>
    %dot_general3A_56 = arith.constant dense<0.000000e+00> : vector<4096x16xf32>
    %dot_general3A_57 = tpu.matmul %mul3A_52, %get3A_55, %dot_general3A_56 {dimension_numbers = #tpu.dot_dimension_numbers<[1], [0], [0], [1], [0, 0, 1, 1], [], []>, transpose_lhs_hint = false} : vector<4096x256xf32>, vector<256x16xf32>, vector<4096x16xf32> -> vector<4096x16xf32>
    %get3A_58 = arith.constant 0 : index
    %get3A_59 = arith.constant 0 : index
    %get3A_60 = vector.load %arg3[%get3A_58, %get3A_59] : memref<4096x16xf32, #tpu.memory_space<vmem>>, vector<4096x16xf32>
    %get3A_61 = arith.constant 0 : index
    %get3A_62 = arith.constant 0 : index
    %get3A_63 = vector.load %arg11[%get3A_61, %get3A_62] : memref<16x16xf32, #tpu.memory_space<vmem>>, vector<16x16xf32>
    %dot_general3A_64 = arith.constant dense<0.000000e+00> : vector<4096x16xf32>
    %dot_general3A_65 = tpu.matmul %get3A_60, %get3A_63, %dot_general3A_64 {dimension_numbers = #tpu.dot_dimension_numbers<[1], [0], [0], [1], [0, 0, 1, 1], [], []>, transpose_lhs_hint = false} : vector<4096x16xf32>, vector<16x16xf32>, vector<4096x16xf32> -> vector<4096x16xf32>
    %get3A_66 = arith.constant 0 : index
    %get3A_67 = arith.constant 0 : index
    %get3A_68 = vector.load %arg4[%get3A_66, %get3A_67] : memref<4096x1xf32, #tpu.memory_space<vmem>>, vector<4096x1xf32>
    %mul3A_69 = arith.mulf %dot_general3A_65, %dot_general3A_51 : vector<4096x16xf32>
    %get3A_70 = arith.constant 0 : index
    %get3A_71 = arith.constant 0 : index
    %get3A_72 = vector.load %arg14[%get3A_70, %get3A_71] : memref<16x16xf32, #tpu.memory_space<vmem>>, vector<16x16xf32>
    %dot_general3A_73 = arith.constant dense<0.000000e+00> : vector<4096x16xf32>
    %dot_general3A_74 = tpu.matmul %mul3A_69, %get3A_72, %dot_general3A_73 {dimension_numbers = #tpu.dot_dimension_numbers<[1], [0], [0], [1], [0, 0, 1, 1], [], []>, transpose_lhs_hint = false} : vector<4096x16xf32>, vector<16x16xf32>, vector<4096x16xf32> -> vector<4096x16xf32>
    %mul3A_75 = vector.broadcast %get3A_68 : vector<4096x1xf32> to vector<4096x16xf32>
    %mul3A_76 = arith.mulf %dot_general3A_74, %mul3A_75 : vector<4096x16xf32>
    %exp3A_77 = math.exp %mul3A_76 : vector<4096x16xf32>
    %mul3A_78 = arith.constant 2.500000e-01 : f32
    %mul3A_79 = vector.broadcast %mul3A_78 : f32 to vector<4096x1xf32>
    %mul3A_80 = arith.mulf %get3A_68, %mul3A_79 : vector<4096x1xf32>
    %mul3A_81 = vector.broadcast %mul3A_80 : vector<4096x1xf32> to vector<4096x16xf32>
    %mul3A_82 = arith.mulf %dot_general3A_57, %mul3A_81 : vector<4096x16xf32>
    %mul3A_83 = arith.mulf %exp3A_77, %mul3A_82 : vector<4096x16xf32>
    %concatenate3A = tpu.concatenate %mul3A_83, %exp3A_77 in 1 : vector<4096x16xf32>, vector<4096x16xf32> -> vector<4096x32xf32>
    %swap3A = arith.constant 0 : index
    %swap3A_84 = arith.constant 0 : index
    %swap3A_85 = vector.load %arg15[%swap3A, %swap3A_84] : memref<4096x32xf32, #tpu.memory_space<vmem>>, vector<4096x32xf32>
    tpu.vector_store %arg15[%swap3A, %swap3A_84], %concatenate3A {strides = array<i32>} : memref<4096x32xf32, #tpu.memory_space<vmem>>, vector<4096x32xf32>,
    return
  }
  func.func @transform_0(%arg0: i32) -> (i32, i32) {
    %add3A = arith.constant 0 : i32
    %add3A_0 = arith.addi %arg0, %add3A : i32
    %c0_i32 = arith.constant 0 : i32
    %c0_i32_1 = arith.constant 0 : i32
    return %add3A_0, %c0_i32 : i32, i32
  }
  func.func @transform_1(%arg0: i32) -> (i32, i32) {
    %c0_i32 = arith.constant 0 : i32
    %c0_i32_0 = arith.constant 0 : i32
    return %arg0, %c0_i32 : i32, i32
  }
  func.func @transform_2(%arg0: i32) -> (i32, i32) {
    %c0_i32 = arith.constant 0 : i32
    %c0_i32_0 = arith.constant 0 : i32
    return %arg0, %c0_i32 : i32, i32
  }
  func.func @transform_3(%arg0: i32) -> (i32, i32) {
    %add3A = arith.constant 0 : i32
    %add3A_0 = arith.addi %arg0, %add3A : i32
    %c0_i32 = arith.constant 0 : i32
    %c0_i32_1 = arith.constant 0 : i32
    return %add3A_0, %c0_i32 : i32, i32
  }
  func.func @transform_4(%arg0: i32) -> (i32, i32) {
    %c0_i32 = arith.constant 0 : i32
    %c0_i32_0 = arith.constant 0 : i32
    %c0_i32_1 = arith.constant 0 : i32
    return %c0_i32, %c0_i32_0 : i32, i32
  }
  func.func @transform_5(%arg0: i32) -> (i32, i32) {
    %c0_i32 = arith.constant 0 : i32
    %c0_i32_0 = arith.constant 0 : i32
    %c0_i32_1 = arith.constant 0 : i32
    return %c0_i32, %c0_i32_0 : i32, i32
  }
  func.func @transform_6(%arg0: i32) -> (i32, i32) {
    %c0_i32 = arith.constant 0 : i32
    %c0_i32_0 = arith.constant 0 : i32
    %c0_i32_1 = arith.constant 0 : i32
    return %c0_i32, %c0_i32_0 : i32, i32
  }
  func.func @transform_7(%arg0: i32) -> (i32, i32) {
    %c0_i32 = arith.constant 0 : i32
    %c0_i32_0 = arith.constant 0 : i32
    %c0_i32_1 = arith.constant 0 : i32
    return %c0_i32, %c0_i32_0 : i32, i32
  }
  func.func @transform_8(%arg0: i32) -> (i32, i32) {
    %c0_i32 = arith.constant 0 : i32
    %c0_i32_0 = arith.constant 0 : i32
    %c0_i32_1 = arith.constant 0 : i32
    return %c0_i32, %c0_i32_0 : i32, i32
  }
  func.func @transform_9(%arg0: i32) -> (i32, i32) {
    %c0_i32 = arith.constant 0 : i32
    %c0_i32_0 = arith.constant 0 : i32
    %c0_i32_1 = arith.constant 0 : i32
    return %c0_i32, %c0_i32_0 : i32, i32
  }
  func.func @transform_10(%arg0: i32) -> (i32, i32) {
    %c0_i32 = arith.constant 0 : i32
    %c0_i32_0 = arith.constant 0 : i32
    %c0_i32_1 = arith.constant 0 : i32
    return %c0_i32, %c0_i32_0 : i32, i32
  }
  func.func @transform_11(%arg0: i32) -> (i32, i32) {
    %c0_i32 = arith.constant 0 : i32
    %c0_i32_0 = arith.constant 0 : i32
    %c0_i32_1 = arith.constant 0 : i32
    return %c0_i32, %c0_i32_0 : i32, i32
  }
  func.func @transform_12(%arg0: i32) -> (i32, i32) {
    %c0_i32 = arith.constant 0 : i32
    %c0_i32_0 = arith.constant 0 : i32
    %c0_i32_1 = arith.constant 0 : i32
    return %c0_i32, %c0_i32_0 : i32, i32
  }
  func.func @transform_13(%arg0: i32) -> (i32, i32) {
    %c0_i32 = arith.constant 0 : i32
    %c0_i32_0 = arith.constant 0 : i32
    %c0_i32_1 = arith.constant 0 : i32
    return %c0_i32, %c0_i32_0 : i32, i32
  }
  func.func @transform_14(%arg0: i32) -> (i32, i32) {
    %c0_i32 = arith.constant 0 : i32
    %c0_i32_0 = arith.constant 0 : i32
    return %arg0, %c0_i32 : i32, i32
  }
}

module attributes {stable_mosaic.version = 14 : i64} {
  func.func @_final_body(%arg0: i32, %arg1: memref<1024x16xf32, #tpu.memory_space<vmem>>, %arg2: memref<1024x32xf32, #tpu.memory_space<vmem>>, %arg3: memref<1024x32xf32, #tpu.memory_space<vmem>>, %arg4: memref<16x16xf32, #tpu.memory_space<vmem>>, %arg5: memref<16x32xf32, #tpu.memory_space<vmem>>, %arg6: memref<32x16xf32, #tpu.memory_space<vmem>>, %arg7: memref<1024x16xf32, #tpu.memory_space<vmem>>) attributes {dimension_semantics = [#tpu.dimension_semantics<arbitrary>], iteration_bounds = array<i64: 10>, scalar_prefetch = 0 : i64, scratch_operands = 0 : i64, tpu.core_type = #tpu.core_type<tc>, window_params = [{transform_indices = @transform_0, window_bounds = array<i64: 1024, 16>}, {transform_indices = @transform_1, window_bounds = array<i64: 1024, 32>}, {transform_indices = @transform_2, window_bounds = array<i64: 1024, 32>}, {pipeline_mode = #tpu.pipeline_mode<synchronous>, transform_indices = @transform_3, window_bounds = array<i64: 16, 16>}, {pipeline_mode = #tpu.pipeline_mode<synchronous>, transform_indices = @transform_4, window_bounds = array<i64: 16, 32>}, {pipeline_mode = #tpu.pipeline_mode<synchronous>, transform_indices = @transform_5, window_bounds = array<i64: 32, 16>}, {transform_indices = @transform_6, window_bounds = array<i64: 1024, 16>}]} {
    %get3A = arith.constant 0 : index
    %get3A_0 = arith.constant 0 : index
    %get3A_1 = vector.load %arg2[%get3A, %get3A_0] : memref<1024x32xf32, #tpu.memory_space<vmem>>, vector<1024x32xf32>
    %get3A_2 = arith.constant 0 : index
    %get3A_3 = arith.constant 0 : index
    %get3A_4 = vector.load %arg3[%get3A_2, %get3A_3] : memref<1024x32xf32, #tpu.memory_space<vmem>>, vector<1024x32xf32>
    %add3A = arith.addf %get3A_1, %get3A_4 : vector<1024x32xf32>
    %slice3A = vector.extract_strided_slice %add3A {offsets = [0, 0], sizes = [1024, 16], strides = [1, 1]} : vector<1024x32xf32> to vector<1024x16xf32>
    %slice3A_5 = vector.extract_strided_slice %add3A {offsets = [0, 16], sizes = [1024, 16], strides = [1, 1]} : vector<1024x32xf32> to vector<1024x16xf32>
    %add3A_6 = arith.constant 9.99999971E-10 : f32
    %add3A_7 = vector.broadcast %add3A_6 : f32 to vector<1024x16xf32>
    %add3A_8 = arith.addf %slice3A_5, %add3A_7 : vector<1024x16xf32>
    %div3A = arith.divf %slice3A, %add3A_8 : vector<1024x16xf32>
    %get3A_9 = arith.constant 0 : index
    %get3A_10 = arith.constant 0 : index
    %get3A_11 = vector.load %arg1[%get3A_9, %get3A_10] : memref<1024x16xf32, #tpu.memory_space<vmem>>, vector<1024x16xf32>
    %get3A_12 = arith.constant 0 : index
    %get3A_13 = arith.constant 0 : index
    %get3A_14 = vector.load %arg4[%get3A_12, %get3A_13] : memref<16x16xf32, #tpu.memory_space<vmem>>, vector<16x16xf32>
    %dot_general3A = arith.constant dense<0.000000e+00> : vector<1024x16xf32>
    %dot_general3A_15 = tpu.matmul %div3A, %get3A_14, %dot_general3A {dimension_numbers = #tpu.dot_dimension_numbers<[1], [0], [0], [1], [0, 0, 1, 1], [], []>, transpose_lhs_hint = false} : vector<1024x16xf32>, vector<16x16xf32>, vector<1024x16xf32> -> vector<1024x16xf32>
    %add3A_16 = arith.addf %get3A_11, %dot_general3A_15 : vector<1024x16xf32>
    %get3A_17 = arith.constant 0 : index
    %get3A_18 = arith.constant 0 : index
    %get3A_19 = vector.load %arg5[%get3A_17, %get3A_18] : memref<16x32xf32, #tpu.memory_space<vmem>>, vector<16x32xf32>
    %dot_general3A_20 = arith.constant dense<0.000000e+00> : vector<1024x32xf32>
    %dot_general3A_21 = tpu.matmul %add3A_16, %get3A_19, %dot_general3A_20 {dimension_numbers = #tpu.dot_dimension_numbers<[1], [0], [0], [1], [0, 0, 1, 1], [], []>, transpose_lhs_hint = false} : vector<1024x16xf32>, vector<16x32xf32>, vector<1024x32xf32> -> vector<1024x32xf32>
    %neg3A = arith.constant 0.000000e+00 : f32
    %neg3A_22 = vector.broadcast %neg3A : f32 to vector<1024x32xf32>
    %neg3A_23 = arith.subf %neg3A_22, %dot_general3A_21 : vector<1024x32xf32>
    %exp3A = math.exp %neg3A_23 : vector<1024x32xf32>
    %add3A_24 = arith.constant 1.000000e+00 : f32
    %add3A_25 = vector.broadcast %add3A_24 : f32 to vector<1024x32xf32>
    %add3A_26 = arith.addf %add3A_25, %exp3A : vector<1024x32xf32>
    %div3A_27 = arith.constant 1.000000e+00 : f32
    %div3A_28 = vector.broadcast %div3A_27 : f32 to vector<1024x32xf32>
    %div3A_29 = arith.divf %div3A_28, %add3A_26 : vector<1024x32xf32>
    %mul3A = arith.mulf %dot_general3A_21, %div3A_29 : vector<1024x32xf32>
    %get3A_30 = arith.constant 0 : index
    %get3A_31 = arith.constant 0 : index
    %get3A_32 = vector.load %arg6[%get3A_30, %get3A_31] : memref<32x16xf32, #tpu.memory_space<vmem>>, vector<32x16xf32>
    %dot_general3A_33 = arith.constant dense<0.000000e+00> : vector<1024x16xf32>
    %dot_general3A_34 = tpu.matmul %mul3A, %get3A_32, %dot_general3A_33 {dimension_numbers = #tpu.dot_dimension_numbers<[1], [0], [0], [1], [0, 0, 1, 1], [], []>, transpose_lhs_hint = false} : vector<1024x32xf32>, vector<32x16xf32>, vector<1024x16xf32> -> vector<1024x16xf32>
    %add3A_35 = arith.addf %add3A_16, %dot_general3A_34 : vector<1024x16xf32>
    %swap3A = arith.constant 0 : index
    %swap3A_36 = arith.constant 0 : index
    %swap3A_37 = vector.load %arg7[%swap3A, %swap3A_36] : memref<1024x16xf32, #tpu.memory_space<vmem>>, vector<1024x16xf32>
    tpu.vector_store %arg7[%swap3A, %swap3A_36], %add3A_35 {strides = array<i32>} : memref<1024x16xf32, #tpu.memory_space<vmem>>, vector<1024x16xf32>,
    return
  }
  func.func @transform_0(%arg0: i32) -> (i32, i32) {
    %c0_i32 = arith.constant 0 : i32
    %c0_i32_0 = arith.constant 0 : i32
    return %arg0, %c0_i32 : i32, i32
  }
  func.func @transform_1(%arg0: i32) -> (i32, i32) {
    %c0_i32 = arith.constant 0 : i32
    %c0_i32_0 = arith.constant 0 : i32
    return %arg0, %c0_i32 : i32, i32
  }
  func.func @transform_2(%arg0: i32) -> (i32, i32) {
    %add3A = arith.constant 10 : i32
    %add3A_0 = arith.addi %arg0, %add3A : i32
    %c0_i32 = arith.constant 0 : i32
    %c0_i32_1 = arith.constant 0 : i32
    return %add3A_0, %c0_i32 : i32, i32
  }
  func.func @transform_3(%arg0: i32) -> (i32, i32) {
    %c0_i32 = arith.constant 0 : i32
    %c0_i32_0 = arith.constant 0 : i32
    %c0_i32_1 = arith.constant 0 : i32
    return %c0_i32, %c0_i32_0 : i32, i32
  }
  func.func @transform_4(%arg0: i32) -> (i32, i32) {
    %c0_i32 = arith.constant 0 : i32
    %c0_i32_0 = arith.constant 0 : i32
    %c0_i32_1 = arith.constant 0 : i32
    return %c0_i32, %c0_i32_0 : i32, i32
  }
  func.func @transform_5(%arg0: i32) -> (i32, i32) {
    %c0_i32 = arith.constant 0 : i32
    %c0_i32_0 = arith.constant 0 : i32
    %c0_i32_1 = arith.constant 0 : i32
    return %c0_i32, %c0_i32_0 : i32, i32
  }
  func.func @transform_6(%arg0: i32) -> (i32, i32) {
    %c0_i32 = arith.constant 0 : i32
    %c0_i32_0 = arith.constant 0 : i32
    return %arg0, %c0_i32 : i32, i32
  }
}

</mosaic_0001>

<sc_bundles>
// kernel: kernel.6.cloned.1.call-start
scs
__scs_entry_jumppad:
0x0: {  	(pc) =	sbr.rel $0x88, $3  }
0x1: {  	(tag) =	ssettag $0x0;
	lr =	simm.s32 $0x1  }
0x2: {  	[smem:$0x3F90] =	sst lr;
	_ =	strace $0xD0000000  }
0x3: {  	_ = 	snop  }
0x4: {  	_ = 	snop  }
0x5: {  	_ = 	snop  }
0x6: {  	_ = 	snop  }
0x7: {  	_ = 	snop  }
__scs_overlays_trampoline_lowered:
0x8: {  	[smem:$0x3F9F] =	sst s0  }
0x9: {  	[smem:$0x3FA0] =	sst s1  }
0xa: {  	[smem:$0x3FA1] =	sst s2  }
0xb: {  	[smem:$0x3FA2] =	sst s3  }
0xc: {  	[smem:$0x3FA3] =	sst s4  }
0xd: {  	[smem:$0x3FA4] =	sst s5  }
0xe: {  	[smem:$0x3FA5] =	sst s6  }
0xf: {  	[smem:$0x3FA6] =	sst s7  }
0x10: {  	[smem:$0x3FA7] =	sst s8  }
0x11: {  	[smem:$0x3FA8] =	sst s9;
	s0 =	simm.s32 @!p0 $0x0  }
0x12: {  	s1 =	sld [smem:$0x3F8E];
	s0 =	simm.s32 @p0 $0x1  }
0x13: {  	[smem:$0x3FA9] =	sst s0;
	s0 =	simm.s32 @!p1 $0x0  }
0x14: {  	s2 =	sld [smem:$0x3F8D];
	s0 =	simm.s32 @p1 $0x1  }
0x15: {  	[smem:$0x3FAA] =	sst s0;
	s0 =	simm.s32 @!p2 $0x0  }
0x16: {  	s3 =	sld [smem:$0x3FDB];
	s0 =	simm.s32 @p2 $0x1  }
0x17: {  	s4 =	simm.s32 $0x1BF5;
	[smem:$0x3FAC] =	sst s0  }
0x18: {  	s0 =	sld [smem:$0x3F8F];
	_ =	swait.ge [sflag:s4], $0x0  }
0x19: {  	s7 =	sld [smem:$0x3F90]  }
0x1a: {  	s8 =	sadd.s32 $0xFFFFE003, lr  }
0x1b: {  	s9 =	sadd.s32 $0xFFFFFEF7, lr;
	s5 =	simm.s32 $0xFFFFFFFF;
	p2 =	slt.u32 s8, $0xFFFFF086  }
0x1c: {  	p1 =	slt.u32 s9, $0xF7A;
	s5 =	simm.s32 @!p2 $0x0  }
0x1d: {  	s5 =	simm.s32 @p1 $0x1;
	p0 =	seq.s32 s7, s2  }
0x1e: {  	s7 =	smul.u32 @!p0 $0xF7A, s2;
	p2 =	seq.s32 @!p0 s5, $0x0  }
0x1f: {  	s9 =	smul.u32 $0xF7A, s1;
	s8 =	simm.s32 @!p0 $0x1BF5;
	p2 =	por !p2, p0  }
0x20: {  	[sflag:s8] =	ssyncset.s32 @!p0 $0xFFFFF086;
	s6 =	sadd.s32 @!p0 s3, s7;
	s7 =	simm.s32 @!p0 $0x108  }
0x21: {  	s3 =	sadd.s32 s3, s9;
	s6 =	sadd.s32 @!p0 $0x88, s6;
	s7 =	simm.s32 @p2 $0x1082  }
0x22: {  	[simem:s7], [sflag:s8] =	dma.local @!p0 [hbm:s6], $0xF7A  }
0x23: {  	s9 =	sor.u32 $0xD0000000, s2;
	s6 =	simm.s32 $0x108;
	_ =	swait.ge @!p0 [sflag:s8], $0x0  }
0x24: {  	s3 =	sadd.s32 $0x88, s3;
	s6 =	simm.s32 @!p1 $0x1082;
	[sflag:s4] =	ssyncset.s32 $0xFFFFF086  }
0x25: {  	[simem:s6], [sflag:s4] =	dma.local [hbm:s3], $0xF7A  }
0x26: {  	[smem:$0x3F90] =	sst s1;
	(tag) =	ssettag s2;
	_ =	strace s9  }
0x27: {  	s1 =	sld [smem:$0x3FA0]  }
0x28: {  	s2 =	sld [smem:$0x3FA1]  }
0x29: {  	s4 =	sld [smem:$0x3FA3]  }
0x2a: {  	p0 =	seq.s32 s5, $0x0;
	s5 =	sld [smem:$0x3FA4]  }
0x2b: {  	s6 =	sld [smem:$0x3FA5]  }
0x2c: {  	s7 =	sld [smem:$0x3FA6]  }
0x2d: {  	s3 =	simm.s32 $0x108;
	s8 =	sld [smem:$0x3FA7]  }
0x2e: {  	s3 =	simm.s32 @!p0 $0x1082;
	s9 =	sld [smem:$0x3FA8]  }
0x2f: {  	lr =	sadd.s32 s0, s3;
	s0 =	sld [smem:$0x3F9F]  }
0x30: {  	s3 =	sld [smem:$0x3FA2]  }
0x31: {  	[smem:$0x3FAB] =	sst s10  }
0x32: {  	s10 =	sld [smem:$0x3FA9];
	_ =	sdelay $0x3  }
0x33: {  	p0 =	seq.s32 s10, $0x1;
	s10 =	sld [smem:$0x3FAB];
	_ =	sdelay $0x3  }
0x34: {  	[smem:$0x3FAB] =	sst s10  }
0x35: {  	s10 =	sld [smem:$0x3FAA];
	_ =	sdelay $0x3  }
0x36: {  	p1 =	seq.s32 s10, $0x1;
	s10 =	sld [smem:$0x3FAB];
	_ =	sdelay $0x3  }
0x37: {  	[smem:$0x3FAB] =	sst s10  }
0x38: {  	s10 =	sld [smem:$0x3FAC]  }
0x39: {  	_ = 	snop;
	(pc) =	sbr.ind lr, $3  }
0x3a: {  	_ = 	snop  }
0x3b: {  	_ = 	snop  }
0x3c: {  	p2 =	seq.s32 s10, $0x1;
	s10 =	sld [smem:$0x3FAB]  }
0x3d: {  	_ =	shalt  }
0x3e: {  	_ =	shalt  }
0x3f: {  	_ =	shalt  }
0x40: {  	_ =	shalt  }
0x41: {  	_ =	shalt  }
0x42: {  	_ =	shalt  }
0x43: {  	_ =	shalt  }
0x44: {  	_ =	shalt  }
0x45: {  	_ =	shalt  }
0x46: {  	_ =	shalt  }
0x47: {  	_ =	shalt  }
0x48: {  	_ =	shalt  }
0x49: {  	_ =	shalt  }
0x4a: {  	_ =	shalt  }
0x4b: {  	_ =	shalt  }
0x4c: {  	_ =	shalt  }
0x4d: {  	_ =	shalt  }
0x4e: {  	_ =	shalt  }
0x4f: {  	_ =	shalt  }
0x50: {  	_ =	shalt  }
0x51: {  	_ =	shalt  }
0x52: {  	_ =	shalt  }
0x53: {  	_ =	shalt  }
0x54: {  	_ =	shalt  }
0x55: {  	_ =	shalt  }
0x56: {  	_ =	shalt  }
0x57: {  	_ =	shalt  }
0x58: {  	_ =	shalt  }
0x59: {  	_ =	shalt  }
0x5a: {  	_ =	shalt  }
0x5b: {  	_ =	shalt  }
0x5c: {  	_ =	shalt  }
0x5d: {  	_ =	shalt  }
0x5e: {  	_ =	shalt  }
0x5f: {  	_ =	shalt  }
0x60: {  	_ =	shalt  }
0x61: {  	_ =	shalt  }
0x62: {  	_ =	shalt  }
0x63: {  	_ =	shalt  }
0x64: {  	_ =	shalt  }
0x65: {  	_ =	shalt  }
0x66: {  	_ =	shalt  }
0x67: {  	_ =	shalt  }
0x68: {  	_ =	shalt  }
0x69: {  	_ =	shalt  }
0x6a: {  	_ =	shalt  }
0x6b: {  	_ =	shalt  }
0x6c: {  	_ =	shalt  }
0x6d: {  	_ =	shalt  }
0x6e: {  	_ =	shalt  }
0x6f: {  	_ =	shalt  }
0x70: {  	_ =	shalt  }
0x71: {  	_ =	shalt  }
0x72: {  	_ =	shalt  }
0x73: {  	_ =	shalt  }
0x74: {  	_ =	shalt  }
0x75: {  	_ =	shalt  }
0x76: {  	_ =	shalt  }
0x77: {  	_ =	shalt  }
0x78: {  	_ =	shalt  }
0x79: {  	_ =	shalt  }
0x7a: {  	_ =	shalt  }
0x7b: {  	_ =	shalt  }
0x7c: {  	_ =	shalt  }
0x7d: {  	_ =	shalt  }
0x7e: {  	_ =	shalt  }
0x7f: {  	_ =	shalt  }
0x80: {  	_ =	shalt  }
0x81: {  	_ =	shalt  }
0x82: {  	_ =	shalt  }
0x83: {  	_ =	shalt  }
0x84: {  	_ =	shalt  }
0x85: {  	_ =	shalt  }
0x86: {  	_ =	shalt  }
0x87: {  	_ =	shalt  }
.Lfunc_end0:
.L_simem_size_0:
called_computation_lowered:
.L_overlay_start_0:
0x88: {  	s2 =	sld [smem:$0x3FD9]  }
0x89: {  	s3 =	sld [smem:$0x3FFE];
	_ =	sdelay $0x1  }
0x8a: {  	s1 =	srdreg.scid  }
0x8b: {  	s0 =	sand.u32 $0x1, s1  }
0x8c: {  	s16 =	sshll.u32 s0, $0xA;
	s2 =	sadd.s32 s3, s2  }
0x8d: {  	s2 =	sadd.s32 s2, s16  }
0x8e: {  	[smem:$0x3FB7] =	sst s2  }
0x8f: {  	_ = 	snop  }
0x90: {  	(tm) =	ssettm $0x1  }
0x91: {  	s17 =	sld [smem:$0x3FFB];
	_ =	sdelay $0x3  }
0x92: {  	_ =	strace s17  }
0x93: {  	s2 =	sld [smem:$0x3FFC];
	_ =	sdelay $0x3  }
0x94: {  	_ =	strace s2  }
0x95: {  	s2 =	sld [smem:$0x3FFD];
	_ =	sdelay $0x3  }
0x96: {  	_ =	strace s2  }
0x97: {  	_ =	strace $0x8FFFFFFF  }
0x98: {  	s18 =	sld [smem:$0x3FDB];
	_ =	sdelay $0x1  }
0x99: {  	s19 =	simm.s32 $_scs_section_size  }
0x9a: {  	s4 =	simm.s32 $_size__tile_overlayer_lowered;
	s5 =	simm.s32 $_tile_overlayer_lowered  }
0x9b: {  	s22 =	simm.s32 $0x1BFF;
	s21 =	sshll.u32 s5, $0x1;
	s2 =	sadd.s32 s19, s18  }
0x9c: {  	s6 =	simm.s32 $0x0;
	s20 =	sshll.u32 s4, $0x1;
	s4 =	sadd.s32 s21, s2  }
0x9d: {  	[timem:s6], [sflag:s22] =	dma.local [hbm:s4], s20  }
0x9e: {  	_ =	swait.ge [sflag:s22], s20  }
0x9f: {  	s3 =	ssub.s32 $0x0, s20;
	[sflag:s22] =	ssyncset.done $0x0  }
0xa0: {  	[sflag:s22] =	ssyncadd.s32 s3;
	_ =	sdelay $0x1  }
0xa1: {  	s23 =	simm.s32 $0x1B8B  }
0xa2: {  	_ =	swait.ge [sflag:s23], $0x1  }
0xa3: {  	[sflag:s23] =	ssyncset.done $0x0  }
0xa4: {  	s25 =	simm.s32 $0x1B8E;
	s24 =	sld [smem:$0x3FFE];
	[sflag:s23] =	ssyncadd.s32 $0xFFFFFFFF  }
0xa5: {  	s26 =	simm.s32 $execute0_lowered;
	[smem:$0x3FD2] =	sst s25  }
0xa6: {  	s4 =	sshll.u32 s26, $0x1;
	_ =	strace $0x80000046;
	[dreg:$0x1] =	wrdreg $0xFFFFFFFF  }
0xa7: {  	s28 =	simm.s32 $_size_execute0_lowered;
	s2 =	sadd.s32 s2, s4;
	[dreg:$0x0] =	wrdreg $0x0  }
0xa8: {  	s4 =	sshll.u32 s28, $0x1;
	[dreg:$0x2] =	wrdreg s2  }
0xa9: {  	[dreg:$0x3] =	wrdreg s4  }
0xaa: {  	[dreg:$0x4] =	wrdreg $0xC0  }
0xab: {  	_ =	task [dreg:s6], $0x5FFFF  }
0xac: {  	[dreg:$0x1] =	wrdreg $0xFFFFFFFF  }
0xad: {  	[dreg:$0x0] =	wrdreg $0x60  }
0xae: {  	[dreg:$0x2] =	wrdreg s24  }
0xaf: {  	[dreg:$0x3] =	wrdreg $0x9  }
0xb0: {  	_ =	task.clear_ibuf [dreg:s6], $0x4FFFF;
	_ =	strace $0x90000046  }
0xb1: {  	s29 =	simm.s32 $0x9;
	_ =	strace $0x80000048  }
0xb2: {  	_ =	swait.ge [sflag:s29], $0x1  }
0xb3: {  	[sflag:s29] =	ssyncadd.s32 $0xFFFFFFFF  }
0xb4: {  	_ =	strace $0x90000048  }
0xb5: {  	_ =	sfence  }
0xb6: {  	s30 =	sld [smem:$0x0];
	_ =	sdelay $0x2  }
0xb7: {  	s31 =	sshll.u32 s1, $0xD;
	s1 =	sshrl.u32 s1, $0x2  }
0xb8: {  	s3 =	sand.u32 $0x4000, s31;
	s1 =	sadd.s32 s1, s30  }
0xb9: {  	s0 =	sor.u32 s3, s0;
	s1 =	sshll.u32 s1, $0x11  }
0xba: {  	s0 =	sor.u32 s1, s0  }
0xbb: {  	s0 =	sadd.s32 $0x8F2B, s0  }
0xbc: {  	[sflag:s0] =	ssyncadd.remote.s32 $0x1  }
0xbd: {  	_ =	sfence.sel $0xFFFF  }
0xbe: {  	[dreg:$0x0] =	wrdreg $0xFFFFFFFF;
	(pc) =	sbr.abs _section_cstart, $3  }
0xbf: {  	[dreg:$0x1] =	wrdreg $0xFFFFFFFF  }
0xc0: {  	_ =	task.clear_ibuf [dreg:s6], $0x2FFFF;
	_ =	strace $0x9FFFFFFF  }
0xc1: {  	(tm) =	ssettm $0x7FFFFFFF  }
tec
execute0_lowered:
.L_overlay_start_1:
0x0: {  	(tag) =	ssettag $0x1  }
0x1: {  	s0 =	srdreg.scid;
	s1 =	stileid.u32;
	s2 =	simm.s32 $0x0  }
0x2: {  	s0 =	sand.u32 $0x1, s0;
	s1 =	sshll.u32 s1, $0x1;
	[smem:$0x7FF] =	sst s2  }
0x3: {  	s25 =	simm.s32 $0x100;
	s3 =	sor.u32 s0, s1;
	s1 =	rddreg [dreg:$0x0]  }
0x4: {  	s26 =	simm.s32 $0x180;
	_ =	strace $0x80000047;
	[dreg:$0x6] =	wrdreg s25  }
0x5: {  	s6 =	simm.s32 $0x300;
	[dreg:$0x7] =	wrdreg s26  }
0x6: {  	s7 =	simm.s32 $0x380;
	[dreg:$0xa] =	wrdreg s6  }
0x7: {  	s8 =	simm.s32 $0x400;
	[dreg:$0xb] =	wrdreg s7  }
0x8: {  	s9 =	simm.s32 $0x480;
	[dreg:$0xc] =	wrdreg s8  }
0x9: {  	s10 =	simm.s32 $0x500;
	[dreg:$0xd] =	wrdreg s9  }
0xa: {  	s11 =	simm.s32 $0x580;
	[dreg:$0xe] =	wrdreg s10  }
0xb: {  	s12 =	simm.s32 $0x600;
	[dreg:$0xf] =	wrdreg s11  }
0xc: {  	s13 =	simm.s32 $0x680;
	[dreg:$0x10] =	wrdreg s12  }
0xd: {  	s14 =	simm.s32 $0x700;
	[dreg:$0x11] =	wrdreg s13  }
0xe: {  	s15 =	simm.s32 $0x780;
	[dreg:$0x12] =	wrdreg s14  }
0xf: {  	s16 =	simm.s32 $0x800;
	[dreg:$0x13] =	wrdreg s15  }
0x10: {  	s17 =	simm.s32 $0x880;
	[dreg:$0x14] =	wrdreg s16  }
0x11: {  	s18 =	simm.s32 $0x900;
	[dreg:$0x15] =	wrdreg s17  }
0x12: {  	s19 =	simm.s32 $0x980;
	[dreg:$0x16] =	wrdreg s18  }
0x13: {  	s20 =	simm.s32 $0xA00;
	[dreg:$0x17] =	wrdreg s19  }
0x14: {  	s21 =	simm.s32 $0xA80;
	[dreg:$0x18] =	wrdreg s20  }
0x15: {  	s22 =	simm.s32 $0xB00;
	[dreg:$0x19] =	wrdreg s21  }
0x16: {  	s23 =	simm.s32 $0xB80;
	[dreg:$0x1a] =	wrdreg s22  }
0x17: {  	[dreg:$0x1b] =	wrdreg s23;
	s25 =	simm.s32 $0xC80  }
0x18: {  	s26 =	simm.s32 $0xD00;
	[dreg:$0x1d] =	wrdreg s25  }
0x19: {  	s6 =	simm.s32 $0xE80;
	[dreg:$0x1e] =	wrdreg s26  }
0x1a: {  	s7 =	simm.s32 $0xF00;
	[smem:$0x7CC] =	sst s6  }
0x1b: {  	s8 =	simm.s32 $0xF80;
	[smem:$0x7CD] =	sst s7  }
0x1c: {  	s9 =	simm.s32 $0x1000;
	[smem:$0x7CE] =	sst s8  }
0x1d: {  	s10 =	simm.s32 $0x1080;
	[smem:$0x7CF] =	sst s9  }
0x1e: {  	s11 =	simm.s32 $0x1100;
	[smem:$0x7D0] =	sst s10  }
0x1f: {  	s12 =	simm.s32 $0x1180;
	[smem:$0x7D1] =	sst s11  }
0x20: {  	s13 =	simm.s32 $0x1200;
	[smem:$0x7D2] =	sst s12  }
0x21: {  	s14 =	simm.s32 $0x1280;
	[smem:$0x7D3] =	sst s13  }
0x22: {  	s15 =	simm.s32 $0x1300;
	[smem:$0x7D4] =	sst s14  }
0x23: {  	s16 =	simm.s32 $0x1380;
	[smem:$0x7D5] =	sst s15  }
0x24: {  	s17 =	simm.s32 $0x1480;
	[smem:$0x7D6] =	sst s16  }
0x25: {  	s18 =	simm.s32 $0x1500;
	[smem:$0x7D7] =	sst s17  }
0x26: {  	s19 =	simm.s32 $0x1580;
	[smem:$0x7D8] =	sst s18  }
0x27: {  	s20 =	simm.s32 $0x1600;
	[smem:$0x7D9] =	sst s19  }
0x28: {  	s21 =	simm.s32 $0x1680;
	[smem:$0x7DA] =	sst s20  }
0x29: {  	s22 =	simm.s32 $0x1700;
	[smem:$0x7DB] =	sst s21  }
0x2a: {  	s23 =	simm.s32 $0x1780;
	[smem:$0x7DC] =	sst s22  }
0x2b: {  	[smem:$0x7DD] =	sst s23;
	s25 =	simm.s32 $0x1880  }
0x2c: {  	s26 =	simm.s32 $0x1900;
	[smem:$0x7DF] =	sst s25  }
0x2d: {  	s6 =	simm.s32 $0x1A80;
	[smem:$0x7E0] =	sst s26  }
0x2e: {  	s7 =	simm.s32 $0x1B00;
	[smem:$0x7E3] =	sst s6  }
0x2f: {  	s8 =	simm.s32 $0x1B80;
	[smem:$0x7E4] =	sst s7  }
0x30: {  	s9 =	simm.s32 $0x1C00;
	[smem:$0x7E5] =	sst s8  }
0x31: {  	s10 =	simm.s32 $0x1C80;
	[smem:$0x7E6] =	sst s9  }
0x32: {  	s12 =	simm.s32 $0x1D00;
	[smem:$0x7E7] =	sst s10  }
0x33: {  	s31 =	simm.s32 $0x2800;
	s13 =	simm.s32 $0x1D80;
	[smem:$0x7E8] =	sst s12  }
0x34: {  	s29 =	simm.s32 $0x7000;
	s15 =	simm.s32 $0x1E00;
	[smem:$0x7E9] =	sst s13  }
0x35: {  	s30 =	simm.s32 $0x7800;
	s16 =	simm.s32 $0x1E80;
	[smem:$0x7EA] =	sst s15  }
0x36: {  	s28 =	simm.s32 $0x8000;
	s17 =	simm.s32 $0x1F00;
	[smem:$0x7EB] =	sst s16  }
0x37: {  	p0 =	por $0x0, $0x0;
	s18 =	simm.s32 $0x1F80;
	[smem:$0x7EC] =	sst s17  }
0x38: {  	s0 =	ssub.s32 $0x2, s0;
	s19 =	simm.s32 $0x2000;
	[smem:$0x7ED] =	sst s18  }
0x39: {  	s4 =	smul.u32 $0x280, s3;
	s20 =	simm.s32 $0x2080;
	[smem:$0x7EE] =	sst s19  }
0x3a: {  	s3 =	smul.u32 $0x2800, s3;
	s21 =	simm.s32 $0x2100;
	[smem:$0x7EF] =	sst s20  }
0x3b: {  	s11 =	sshrl.u32 s0, $0x1;
	s22 =	simm.s32 $0x2180;
	[smem:$0x7F0] =	sst s21  }
0x3c: {  	s23 =	simm.s32 $0x2200;
	s0 =	ssub.s32 s0, s11;
	[smem:$0x7F1] =	sst s22  }
0x3d: {  	s6 =	simm.s32 $0x80;
	[smem:$0x7F2] =	sst s23;
	s25 =	simm.s32 $0x2300  }
0x3e: {  	s26 =	simm.s32 $0x2380;
	s7 =	simm.s32 $0x1;
	s8 =	simm.s32 $0x2400  }
0x3f: {  	s9 =	simm.s32 $0x2480;
	s10 =	simm.s32 $0x2500;
	[smem:$0x7F4] =	sst s25  }
0x40: {  	s11 =	simm.s32 $0x2580;
	s12 =	simm.s32 $0x2600;
	[smem:$0x7F5] =	sst s26  }
0x41: {  	s13 =	simm.s32 $0x2680;
	s15 =	simm.s32 $0x2700;
	[smem:$0x7F6] =	sst s8  }
0x42: {  	s23 =	simm.s32 $0x2780;
	s21 =	simm.s32 $0xA800;
	[smem:$0x7F7] =	sst s9  }
0x43: {  	s22 =	simm.s32 $0xC000;
	s20 =	simm.s32 $0xC800;
	[smem:$0x7F8] =	sst s10  }
0x44: {  	s19 =	simm.s32 $0xD000;
	s17 =	simm.s32 $0xD800;
	[smem:$0x7F9] =	sst s11  }
0x45: {  	s18 =	simm.s32 $0xE000;
	s16 =	simm.s32 $0xE800;
	[smem:$0x7FA] =	sst s12  }
0x46: {  	s4 =	sadd.s32 s4, s1;
	s3 =	sadd.s32 s3, s1;
	[smem:$0x7FB] =	sst s13  }
0x47: {  	s14 =	smax.u32 s0, $0x1;
	s26 =	simm.s32 $0x6800;
	[smem:$0x7FC] =	sst s15  }
0x48: {  	[smem:$0x7FD] =	sst s23;
	s25 =	simm.s32 $0xB000;
	s5 =	sadd.s32 $0x36000, s4  }
0x49: {  	s15 =	simm.s32 $0xF000;
	s4 =	sadd.s32 $0x31000, s4;
	[dreg:$0x2] =	wrdreg s5  }
0x4a: {  	s13 =	simm.s32 $0x10000;
	s24 =	sadd.s32 $0x8B000, s3;
	[dreg:$0x3] =	wrdreg s4  }
0x4b: {  	s12 =	simm.s32 $0x10800;
	s3 =	sadd.s32 $0x3B000, s3;
	[dreg:$0x4] =	wrdreg s24  }
0x4c: {  	s11 =	simm.s32 $0x11000;
	[dreg:$0x5] =	wrdreg s3;
	s4 =	simm.s32 $0x200  }
0x4d: {  	s9 =	simm.s32 $0x11800;
	s5 =	simm.s32 $0x280;
	[dreg:$0x8] =	wrdreg s4  }
0x4e: {  	s10 =	simm.s32 $0x12000;
	s24 =	simm.s32 $0xC00;
	[dreg:$0x9] =	wrdreg s5  }
0x4f: {  	s8 =	simm.s32 $0x12800;
	[dreg:$0x1c] =	wrdreg s24;
	s4 =	simm.s32 $0xD80  }
0x50: {  	s0 =	simm.s32 $0x13000;
	s5 =	simm.s32 $0xE00;
	[dreg:$0x1f] =	wrdreg s4  }
0x51: {  	p1 =	sne.s32 s14, $0x1;
	s24 =	simm.s32 $0x1800;
	[smem:$0x7CB] =	sst s5  }
.Ltmp0:
0x52: {  	[smem:$0x7DE] =	sst s24;
	s4 =	simm.s32 $0x1980;
	(pc) =	sbr.rel @!p1 .LBB2_5-.Ltmp0, $4  }
0x53: {  	s23 =	sadd.s32 $0xFFFFFFFF, s14;
	s5 =	simm.s32 $0x1A00;
	[smem:$0x7E1] =	sst s4  }
0x54: {  	s14 =	simm.s32 $0xF800;
	s24 =	simm.s32 $0x2280;
	[smem:$0x7E2] =	sst s5  }
0x55: {  	s3 =	simm.s32 $0x2;
	s5 =	sadd.s32 $0x2C000, s1;
	[smem:$0x7F3] =	sst s24  }
0x56: {  	s4 =	simm.s32 $0x8800;
	s1 =	simm.s32 $0xB800;
	s24 =	rddreg [dreg:$0x2]  }
0x57: {  	[tilespmem:s2], [sflag:$0x2] =	stream.linear.gather [hbm4b:s24+s2], $0x1400, $0x38;
	[tilespmem:$0x16800] =	vst v63  }
0x58: {  	_ =	swait.ge [sflag:s3], $0x1400  }
0x59: {  	[sflag:s3] =	ssyncset.done $0x0  }
0x5a: {  	s0 =	simm.s32 $0x1400;
	s24 =	rddreg [dreg:$0x3];
	[sflag:s3] =	ssyncadd.s32 $0xFFFFEC00  }
0x5b: {  	[tilespmem:s0], [sflag:$0x2] =	stream.linear.gather [hbm4b:s24+s2], $0x1400, $0x38;
	[tilespmem:$0x16800] =	vst v63  }
0x5c: {  	_ =	swait.ge [sflag:s3], $0x1400  }
0x5d: {  	[sflag:s3] =	ssyncset.done $0x0  }
0x5e: {  	[sflag:s3] =	ssyncadd.s32 $0xFFFFEC00  }
0x5f: {  	[tilespmem:s31], [sflag:$0x1] =	stream.indirect.gather [hbm4b:s5+s6], $0x10, s2, s6, $0xb8;
	[tilespmem:$0x16800] =	vst v63  }
0x60: {  	s0 =	simm.s32 $0x3000;
	s24 =	rddreg [dreg:$0x6]  }
0x61: {  	[tilespmem:s0], [sflag:$0x1] =	stream.indirect.gather [hbm4b:s5+s6], $0x10, s6, s6, $0xb8;
	[tilespmem:$0x16800] =	vst v63  }
0x62: {  	[smem:$0x7CA] =	sst s23;
	s0 =	simm.s32 $0x3800  }
0x63: {  	[tilespmem:s0], [sflag:$0x1] =	stream.indirect.gather [hbm4b:s5+s6], $0x10, s24, s6, $0xb8;
	[tilespmem:$0x16800] =	vst v63  }
0x64: {  	s23 =	rddreg [dreg:$0x7];
	s0 =	simm.s32 $0x4000  }
0x65: {  	[tilespmem:s0], [sflag:$0x1] =	stream.indirect.gather [hbm4b:s5+s6], $0x10, s23, s6, $0xb8;
	[tilespmem:$0x16800] =	vst v63  }
0x66: {  	s24 =	rddreg [dreg:$0x8];
	s0 =	simm.s32 $0x4800  }
0x67: {  	[tilespmem:s0], [sflag:$0x1] =	stream.indirect.gather [hbm4b:s5+s6], $0x10, s24, s6, $0xb8;
	[tilespmem:$0x16800] =	vst v63  }
0x68: {  	s23 =	rddreg [dreg:$0x9];
	s0 =	simm.s32 $0x5000  }
0x69: {  	[tilespmem:s0], [sflag:$0x1] =	stream.indirect.gather [hbm4b:s5+s6], $0x10, s23, s6, $0xb8;
	[tilespmem:$0x16800] =	vst v63  }
0x6a: {  	s24 =	rddreg [dreg:$0xa];
	s0 =	simm.s32 $0x5800  }
0x6b: {  	[tilespmem:s0], [sflag:$0x1] =	stream.indirect.gather [hbm4b:s5+s6], $0x10, s24, s6, $0xb8;
	[tilespmem:$0x16800] =	vst v63  }
0x6c: {  	s23 =	rddreg [dreg:$0xb];
	s24 =	simm.s32 $0x6000  }
0x6d: {  	[tilespmem:s24], [sflag:$0x1] =	stream.indirect.gather [hbm4b:s5+s6], $0x10, s23, s6, $0xb8;
	[tilespmem:$0x16800] =	vst v63  }
0x6e: {  	_ =	swait.ge [sflag:s7], $0x800  }
0x6f: {  	[sflag:s7] =	ssyncset.done $0x0  }
0x70: {  	[sflag:s7] =	ssyncadd.s32 $0xFFFFF800  }
0x71: {  	_ =	swait.ge [sflag:s7], $0x800  }
0x72: {  	[sflag:s7] =	ssyncset.done $0x0  }
0x73: {  	[sflag:s7] =	ssyncadd.s32 $0xFFFFF800  }
0x74: {  	_ =	swait.ge [sflag:s7], $0x800  }
0x75: {  	[sflag:s7] =	ssyncset.done $0x0  }
0x76: {  	[sflag:s7] =	ssyncadd.s32 $0xFFFFF800  }
0x77: {  	_ =	swait.ge [sflag:s7], $0x800  }
0x78: {  	[sflag:s7] =	ssyncset.done $0x0  }
0x79: {  	[sflag:s7] =	ssyncadd.s32 $0xFFFFF800  }
0x7a: {  	_ =	swait.ge [sflag:s7], $0x800  }
0x7b: {  	[sflag:s7] =	ssyncset.done $0x0  }
0x7c: {  	[sflag:s7] =	ssyncadd.s32 $0xFFFFF800  }
0x7d: {  	_ =	swait.ge [sflag:s7], $0x800  }
0x7e: {  	[sflag:s7] =	ssyncset.done $0x0  }
0x7f: {  	[sflag:s7] =	ssyncadd.s32 $0xFFFFF800  }
0x80: {  	_ =	swait.ge [sflag:s7], $0x800  }
0x81: {  	[sflag:s7] =	ssyncset.done $0x0  }
0x82: {  	[sflag:s7] =	ssyncadd.s32 $0xFFFFF800  }
0x83: {  	_ =	swait.ge [sflag:s7], $0x800  }
0x84: {  	[sflag:s7] =	ssyncset.done $0x0  }
0x85: {  	s0 =	rddreg [dreg:$0xc];
	[sflag:s7] =	ssyncadd.s32 $0xFFFFF800  }
0x86: {  	[tilespmem:s26], [sflag:$0x1] =	stream.indirect.gather [hbm4b:s5+s6], $0x10, s0, s6, $0xb8;
	[tilespmem:$0x16800] =	vst v63  }
0x87: {  	s24 =	rddreg [dreg:$0xd]  }
0x88: {  	[tilespmem:s29], [sflag:$0x1] =	stream.indirect.gather [hbm4b:s5+s6], $0x10, s24, s6, $0xb8;
	[tilespmem:$0x16800] =	vst v63  }
0x89: {  	s0 =	rddreg [dreg:$0xe]  }
0x8a: {  	[tilespmem:s30], [sflag:$0x1] =	stream.indirect.gather [hbm4b:s5+s6], $0x10, s0, s6, $0xb8;
	[tilespmem:$0x16800] =	vst v63  }
0x8b: {  	s24 =	rddreg [dreg:$0xf]  }
0x8c: {  	[tilespmem:s28], [sflag:$0x1] =	stream.indirect.gather [hbm4b:s5+s6], $0x10, s24, s6, $0xb8;
	[tilespmem:$0x16800] =	vst v63  }
0x8d: {  	s0 =	rddreg [dreg:$0x10]  }
0x8e: {  	[tilespmem:s4], [sflag:$0x1] =	stream.indirect.gather [hbm4b:s5+s6], $0x10, s0, s6, $0xb8;
	[tilespmem:$0x16800] =	vst v63  }
0x8f: {  	s24 =	rddreg [dreg:$0x11];
	s0 =	simm.s32 $0x9000  }
0x90: {  	[tilespmem:s0], [sflag:$0x1] =	stream.indirect.gather [hbm4b:s5+s6], $0x10, s24, s6, $0xb8;
	[tilespmem:$0x16800] =	vst v63  }
0x91: {  	s23 =	rddreg [dreg:$0x12];
	s0 =	simm.s32 $0x9800  }
0x92: {  	[tilespmem:s0], [sflag:$0x1] =	stream.indirect.gather [hbm4b:s5+s6], $0x10, s23, s6, $0xb8;
	[tilespmem:$0x16800] =	vst v63  }
0x93: {  	s24 =	rddreg [dreg:$0x13];
	s23 =	simm.s32 $0xA000  }
0x94: {  	[tilespmem:s23], [sflag:$0x1] =	stream.indirect.gather [hbm4b:s5+s6], $0x10, s24, s6, $0xb8;
	[tilespmem:$0x16800] =	vst v63  }
0x95: {  	_ =	swait.ge [sflag:s7], $0x800  }
0x96: {  	[sflag:s7] =	ssyncset.done $0x0  }
0x97: {  	[sflag:s7] =	ssyncadd.s32 $0xFFFFF800  }
0x98: {  	_ =	swait.ge [sflag:s7], $0x800  }
0x99: {  	[sflag:s7] =	ssyncset.done $0x0  }
0x9a: {  	[sflag:s7] =	ssyncadd.s32 $0xFFFFF800  }
0x9b: {  	_ =	swait.ge [sflag:s7], $0x800  }
0x9c: {  	[sflag:s7] =	ssyncset.done $0x0  }
0x9d: {  	[sflag:s7] =	ssyncadd.s32 $0xFFFFF800  }
0x9e: {  	_ =	swait.ge [sflag:s7], $0x800  }
0x9f: {  	[sflag:s7] =	ssyncset.done $0x0  }
0xa0: {  	[sflag:s7] =	ssyncadd.s32 $0xFFFFF800  }
0xa1: {  	_ =	swait.ge [sflag:s7], $0x800  }
0xa2: {  	[sflag:s7] =	ssyncset.done $0x0  }
0xa3: {  	[sflag:s7] =	ssyncadd.s32 $0xFFFFF800  }
0xa4: {  	_ =	swait.ge [sflag:s7], $0x800  }
0xa5: {  	[sflag:s7] =	ssyncset.done $0x0  }
0xa6: {  	[sflag:s7] =	ssyncadd.s32 $0xFFFFF800  }
0xa7: {  	_ =	swait.ge [sflag:s7], $0x800  }
0xa8: {  	[sflag:s7] =	ssyncset.done $0x0  }
0xa9: {  	[sflag:s7] =	ssyncadd.s32 $0xFFFFF800  }
0xaa: {  	_ =	swait.ge [sflag:s7], $0x800  }
0xab: {  	[sflag:s7] =	ssyncset.done $0x0  }
0xac: {  	s24 =	rddreg [dreg:$0x14];
	[sflag:s7] =	ssyncadd.s32 $0xFFFFF800  }
0xad: {  	[tilespmem:s21], [sflag:$0x1] =	stream.indirect.gather [hbm4b:s5+s6], $0x10, s24, s6, $0xb8;
	[tilespmem:$0x16800] =	vst v63  }
0xae: {  	s0 =	rddreg [dreg:$0x15]  }
0xaf: {  	[tilespmem:s25], [sflag:$0x1] =	stream.indirect.gather [hbm4b:s5+s6], $0x10, s0, s6, $0xb8;
	[tilespmem:$0x16800] =	vst v63  }
0xb0: {  	s23 =	rddreg [dreg:$0x16]  }
0xb1: {  	[tilespmem:s1], [sflag:$0x1] =	stream.indirect.gather [hbm4b:s5+s6], $0x10, s23, s6, $0xb8;
	[tilespmem:$0x16800] =	vst v63  }
0xb2: {  	s0 =	rddreg [dreg:$0x17]  }
0xb3: {  	[tilespmem:s22], [sflag:$0x1] =	stream.indirect.gather [hbm4b:s5+s6], $0x10, s0, s6, $0xb8;
	[tilespmem:$0x16800] =	vst v63  }
0xb4: {  	s23 =	rddreg [dreg:$0x18]  }
0xb5: {  	[tilespmem:s20], [sflag:$0x1] =	stream.indirect.gather [hbm4b:s5+s6], $0x10, s23, s6, $0xb8;
	[tilespmem:$0x16800] =	vst v63  }
0xb6: {  	s0 =	rddreg [dreg:$0x19]  }
0xb7: {  	[tilespmem:s19], [sflag:$0x1] =	stream.indirect.gather [hbm4b:s5+s6], $0x10, s0, s6, $0xb8;
	[tilespmem:$0x16800] =	vst v63  }
0xb8: {  	s23 =	rddreg [dreg:$0x1a]  }
0xb9: {  	[tilespmem:s17], [sflag:$0x1] =	stream.indirect.gather [hbm4b:s5+s6], $0x10, s23, s6, $0xb8;
	[tilespmem:$0x16800] =	vst v63  }
0xba: {  	s0 =	rddreg [dreg:$0x1b]  }
0xbb: {  	[tilespmem:s18], [sflag:$0x1] =	stream.indirect.gather [hbm4b:s5+s6], $0x10, s0, s6, $0xb8;
	[tilespmem:$0x16800] =	vst v63  }
0xbc: {  	_ =	swait.ge [sflag:s7], $0x800  }
0xbd: {  	[sflag:s7] =	ssyncset.done $0x0  }
0xbe: {  	[sflag:s7] =	ssyncadd.s32 $0xFFFFF800  }
0xbf: {  	_ =	swait.ge [sflag:s7], $0x800  }
0xc0: {  	[sflag:s7] =	ssyncset.done $0x0  }
0xc1: {  	[sflag:s7] =	ssyncadd.s32 $0xFFFFF800  }
0xc2: {  	_ =	swait.ge [sflag:s7], $0x800  }
0xc3: {  	[sflag:s7] =	ssyncset.done $0x0  }
0xc4: {  	[sflag:s7] =	ssyncadd.s32 $0xFFFFF800  }
0xc5: {  	_ =	swait.ge [sflag:s7], $0x800  }
0xc6: {  	[sflag:s7] =	ssyncset.done $0x0  }
0xc7: {  	[sflag:s7] =	ssyncadd.s32 $0xFFFFF800  }
0xc8: {  	_ =	swait.ge [sflag:s7], $0x800  }
0xc9: {  	[sflag:s7] =	ssyncset.done $0x0  }
0xca: {  	[sflag:s7] =	ssyncadd.s32 $0xFFFFF800  }
0xcb: {  	_ =	swait.ge [sflag:s7], $0x800  }
0xcc: {  	[sflag:s7] =	ssyncset.done $0x0  }
0xcd: {  	[sflag:s7] =	ssyncadd.s32 $0xFFFFF800  }
0xce: {  	_ =	swait.ge [sflag:s7], $0x800  }
0xcf: {  	[sflag:s7] =	ssyncset.done $0x0  }
0xd0: {  	[sflag:s7] =	ssyncadd.s32 $0xFFFFF800  }
0xd1: {  	_ =	swait.ge [sflag:s7], $0x800  }
0xd2: {  	s24 =	rddreg [dreg:$0x1c];
	[sflag:s7] =	ssyncset.done $0x0  }
0xd3: {  	s0 =	rddreg [dreg:$0x1d];
	[sflag:s7] =	ssyncadd.s32 $0xFFFFF800  }
0xd4: {  	[tilespmem:s16], [sflag:$0x1] =	stream.indirect.gather [hbm4b:s5+s6], $0x10, s24, s6, $0xb8;
	[tilespmem:$0x16800] =	vst v63  }
0xd5: {  	s23 =	rddreg [dreg:$0x1e]  }
0xd6: {  	[tilespmem:s15], [sflag:$0x1] =	stream.indirect.gather [hbm4b:s5+s6], $0x10, s0, s6, $0xb8;
	[tilespmem:$0x16800] =	vst v63  }
0xd7: {  	s0 =	rddreg [dreg:$0x1f]  }
0xd8: {  	[tilespmem:s14], [sflag:$0x1] =	stream.indirect.gather [hbm4b:s5+s6], $0x10, s23, s6, $0xb8;
	[tilespmem:$0x16800] =	vst v63  }
0xd9: {  	s23 =	sld [smem:$0x7CB]  }
0xda: {  	[tilespmem:s13], [sflag:$0x1] =	stream.indirect.gather [hbm4b:s5+s6], $0x10, s0, s6, $0xb8;
	[tilespmem:$0x16800] =	vst v63  }
0xdb: {  	s0 =	sld [smem:$0x7CC]  }
0xdc: {  	[tilespmem:s12], [sflag:$0x1] =	stream.indirect.gather [hbm4b:s5+s6], $0x10, s23, s6, $0xb8;
	[tilespmem:$0x16800] =	vst v63  }
0xdd: {  	s23 =	sld [smem:$0x7CD]  }
0xde: {  	[tilespmem:s11], [sflag:$0x1] =	stream.indirect.gather [hbm4b:s5+s6], $0x10, s0, s6, $0xb8;
	[tilespmem:$0x16800] =	vst v63  }
0xdf: {  	s0 =	sld [smem:$0x7CE]  }
0xe0: {  	[tilespmem:s9], [sflag:$0x1] =	stream.indirect.gather [hbm4b:s5+s6], $0x10, s23, s6, $0xb8;
	[tilespmem:$0x16800] =	vst v63  }
0xe1: {  	_ = 	snop  }
0xe2: {  	[tilespmem:s10], [sflag:$0x1] =	stream.indirect.gather [hbm4b:s5+s6], $0x10, s0, s6, $0xb8;
	[tilespmem:$0x16800] =	vst v63  }
0xe3: {  	_ =	swait.ge [sflag:s7], $0x800  }
0xe4: {  	[sflag:s7] =	ssyncset.done $0x0  }
0xe5: {  	[sflag:s7] =	ssyncadd.s32 $0xFFFFF800  }
0xe6: {  	_ =	swait.ge [sflag:s7], $0x800  }
0xe7: {  	[sflag:s7] =	ssyncset.done $0x0  }
0xe8: {  	[sflag:s7] =	ssyncadd.s32 $0xFFFFF800  }
0xe9: {  	_ =	swait.ge [sflag:s7], $0x800  }
0xea: {  	[sflag:s7] =	ssyncset.done $0x0  }
0xeb: {  	[sflag:s7] =	ssyncadd.s32 $0xFFFFF800  }
0xec: {  	_ =	swait.ge [sflag:s7], $0x800  }
0xed: {  	[sflag:s7] =	ssyncset.done $0x0  }
0xee: {  	[sflag:s7] =	ssyncadd.s32 $0xFFFFF800  }
0xef: {  	_ =	swait.ge [sflag:s7], $0x800  }
0xf0: {  	[sflag:s7] =	ssyncset.done $0x0  }
0xf1: {  	[sflag:s7] =	ssyncadd.s32 $0xFFFFF800  }
0xf2: {  	_ =	swait.ge [sflag:s7], $0x800  }
0xf3: {  	[sflag:s7] =	ssyncset.done $0x0  }
0xf4: {  	[sflag:s7] =	ssyncadd.s32 $0xFFFFF800  }
0xf5: {  	_ =	swait.ge [sflag:s7], $0x800  }
0xf6: {  	[sflag:s7] =	ssyncset.done $0x0  }
0xf7: {  	[sflag:s7] =	ssyncadd.s32 $0xFFFFF800  }
0xf8: {  	_ =	swait.ge [sflag:s7], $0x800  }
0xf9: {  	s0 =	sld [smem:$0x7CF]  }
0xfa: {  	[sflag:s7] =	ssyncset.done $0x0  }
0xfb: {  	s24 =	sld [smem:$0x7D0];
	[sflag:s7] =	ssyncadd.s32 $0xFFFFF800  }
0xfc: {  	[tilespmem:s8], [sflag:$0x1] =	stream.indirect.gather [hbm4b:s5+s6], $0x10, s0, s6, $0xb8;
	[tilespmem:$0x16800] =	vst v63  }
0xfd: {  	s23 =	sld [smem:$0x7D1];
	s0 =	simm.s32 $0x13000  }
0xfe: {  	[tilespmem:s0], [sflag:$0x1] =	stream.indirect.gather [hbm4b:s5+s6], $0x10, s24, s6, $0xb8;
	[tilespmem:$0x16800] =	vst v63  }
0xff: {  	s24 =	sld [smem:$0x7D2];
	s0 =	simm.s32 $0x13800  }
0x100: {  	[tilespmem:s0], [sflag:$0x1] =	stream.indirect.gather [hbm4b:s5+s6], $0x10, s23, s6, $0xb8;
	[tilespmem:$0x16800] =	vst v63  }
0x101: {  	s23 =	sld [smem:$0x7D3];
	s0 =	simm.s32 $0x14000  }
0x102: {  	[tilespmem:s0], [sflag:$0x1] =	stream.indirect.gather [hbm4b:s5+s6], $0x10, s24, s6, $0xb8;
	[tilespmem:$0x16800] =	vst v63  }
0x103: {  	s24 =	sld [smem:$0x7D4];
	s0 =	simm.s32 $0x14800  }
0x104: {  	[tilespmem:s0], [sflag:$0x1] =	stream.indirect.gather [hbm4b:s5+s6], $0x10, s23, s6, $0xb8;
	[tilespmem:$0x16800] =	vst v63  }
0x105: {  	s23 =	sld [smem:$0x7D5];
	s0 =	simm.s32 $0x15000  }
0x106: {  	[tilespmem:s0], [sflag:$0x1] =	stream.indirect.gather [hbm4b:s5+s6], $0x10, s24, s6, $0xb8;
	[tilespmem:$0x16800] =	vst v63  }
0x107: {  	s24 =	sld [smem:$0x7D6];
	s0 =	simm.s32 $0x15800  }
0x108: {  	[tilespmem:s0], [sflag:$0x1] =	stream.indirect.gather [hbm4b:s5+s6], $0x10, s23, s6, $0xb8;
	[tilespmem:$0x16800] =	vst v63  }
0x109: {  	s23 =	simm.s32 $0x16000  }
0x10a: {  	[tilespmem:s23], [sflag:$0x1] =	stream.indirect.gather [hbm4b:s5+s6], $0x10, s24, s6, $0xb8;
	[tilespmem:$0x16800] =	vst v63  }
0x10b: {  	_ =	swait.ge [sflag:s7], $0x800  }
0x10c: {  	[sflag:s7] =	ssyncset.done $0x0  }
0x10d: {  	[sflag:s7] =	ssyncadd.s32 $0xFFFFF800  }
0x10e: {  	_ =	swait.ge [sflag:s7], $0x800  }
0x10f: {  	[sflag:s7] =	ssyncset.done $0x0  }
0x110: {  	[sflag:s7] =	ssyncadd.s32 $0xFFFFF800  }
0x111: {  	_ =	swait.ge [sflag:s7], $0x800  }
0x112: {  	[sflag:s7] =	ssyncset.done $0x0  }
0x113: {  	[sflag:s7] =	ssyncadd.s32 $0xFFFFF800  }
0x114: {  	_ =	swait.ge [sflag:s7], $0x800  }
0x115: {  	[sflag:s7] =	ssyncset.done $0x0  }
0x116: {  	[sflag:s7] =	ssyncadd.s32 $0xFFFFF800  }
0x117: {  	_ =	swait.ge [sflag:s7], $0x800  }
0x118: {  	[sflag:s7] =	ssyncset.done $0x0  }
0x119: {  	[sflag:s7] =	ssyncadd.s32 $0xFFFFF800  }
0x11a: {  	_ =	swait.ge [sflag:s7], $0x800  }
0x11b: {  	[sflag:s7] =	ssyncset.done $0x0  }
0x11c: {  	[sflag:s7] =	ssyncadd.s32 $0xFFFFF800  }
0x11d: {  	_ =	swait.ge [sflag:s7], $0x800  }
0x11e: {  	[sflag:s7] =	ssyncset.done $0x0  }
0x11f: {  	[sflag:s7] =	ssyncadd.s32 $0xFFFFF800  }
0x120: {  	_ =	swait.ge [sflag:s7], $0x800  }
0x121: {  	[sflag:s7] =	ssyncset.done $0x0  }
0x122: {  	s0 =	rddreg [dreg:$0x4];
	[sflag:s7] =	ssyncadd.s32 $0xFFFFF800  }
0x123: {  	[hbm4b:s0+s2] =	stream.linear.scatter [tilespmem:s31], [sflag:$0x2], $0x14000, $0x38;
	[tilespmem:$0x16800] =	vst v63  }
0x124: {  	_ =	swait.ge [sflag:s3], $0x14000  }
0x125: {  	[sflag:s3] =	ssyncset.done $0x0  }
0x126: {  	s24 =	simm.s32 $0x1400;
	s23 =	sld [smem:$0x7D7];
	[sflag:s3] =	ssyncadd.s32 $0xFFFEC000  }
0x127: {  	[tilespmem:s31], [sflag:$0x1] =	stream.indirect.gather [hbm4b:s5+s6], $0x10, s24, s6, $0xb8;
	[tilespmem:$0x16800] =	vst v63  }
0x128: {  	s0 =	simm.s32 $0x3000;
	s24 =	sld [smem:$0x7D8]  }
0x129: {  	[tilespmem:s0], [sflag:$0x1] =	stream.indirect.gather [hbm4b:s5+s6], $0x10, s23, s6, $0xb8;
	[tilespmem:$0x16800] =	vst v63  }
0x12a: {  	s23 =	sld [smem:$0x7D9];
	s0 =	simm.s32 $0x3800  }
0x12b: {  	[tilespmem:s0], [sflag:$0x1] =	stream.indirect.gather [hbm4b:s5+s6], $0x10, s24, s6, $0xb8;
	[tilespmem:$0x16800] =	vst v63  }
0x12c: {  	s24 =	sld [smem:$0x7DA];
	s0 =	simm.s32 $0x4000  }
0x12d: {  	[tilespmem:s0], [sflag:$0x1] =	stream.indirect.gather [hbm4b:s5+s6], $0x10, s23, s6, $0xb8;
	[tilespmem:$0x16800] =	vst v63  }
0x12e: {  	s23 =	sld [smem:$0x7DB];
	s0 =	simm.s32 $0x4800  }
0x12f: {  	[tilespmem:s0], [sflag:$0x1] =	stream.indirect.gather [hbm4b:s5+s6], $0x10, s24, s6, $0xb8;
	[tilespmem:$0x16800] =	vst v63  }
0x130: {  	s24 =	sld [smem:$0x7DC];
	s0 =	simm.s32 $0x5000  }
0x131: {  	[tilespmem:s0], [sflag:$0x1] =	stream.indirect.gather [hbm4b:s5+s6], $0x10, s23, s6, $0xb8;
	[tilespmem:$0x16800] =	vst v63  }
0x132: {  	s23 =	sld [smem:$0x7DD];
	s0 =	simm.s32 $0x5800  }
0x133: {  	[tilespmem:s0], [sflag:$0x1] =	stream.indirect.gather [hbm4b:s5+s6], $0x10, s24, s6, $0xb8;
	[tilespmem:$0x16800] =	vst v63  }
0x134: {  	s24 =	simm.s32 $0x6000  }
0x135: {  	[tilespmem:s24], [sflag:$0x1] =	stream.indirect.gather [hbm4b:s5+s6], $0x10, s23, s6, $0xb8;
	[tilespmem:$0x16800] =	vst v63  }
0x136: {  	_ =	swait.ge [sflag:s7], $0x800  }
0x137: {  	[sflag:s7] =	ssyncset.done $0x0  }
0x138: {  	[sflag:s7] =	ssyncadd.s32 $0xFFFFF800  }
0x139: {  	_ =	swait.ge [sflag:s7], $0x800  }
0x13a: {  	[sflag:s7] =	ssyncset.done $0x0  }
0x13b: {  	[sflag:s7] =	ssyncadd.s32 $0xFFFFF800  }
0x13c: {  	_ =	swait.ge [sflag:s7], $0x800  }
0x13d: {  	[sflag:s7] =	ssyncset.done $0x0  }
0x13e: {  	[sflag:s7] =	ssyncadd.s32 $0xFFFFF800  }
0x13f: {  	_ =	swait.ge [sflag:s7], $0x800  }
0x140: {  	[sflag:s7] =	ssyncset.done $0x0  }
0x141: {  	[sflag:s7] =	ssyncadd.s32 $0xFFFFF800  }
0x142: {  	_ =	swait.ge [sflag:s7], $0x800  }
0x143: {  	[sflag:s7] =	ssyncset.done $0x0  }
0x144: {  	[sflag:s7] =	ssyncadd.s32 $0xFFFFF800  }
0x145: {  	_ =	swait.ge [sflag:s7], $0x800  }
0x146: {  	[sflag:s7] =	ssyncset.done $0x0  }
0x147: {  	[sflag:s7] =	ssyncadd.s32 $0xFFFFF800  }
0x148: {  	_ =	swait.ge [sflag:s7], $0x800  }
0x149: {  	[sflag:s7] =	ssyncset.done $0x0  }
0x14a: {  	[sflag:s7] =	ssyncadd.s32 $0xFFFFF800  }
0x14b: {  	_ =	swait.ge [sflag:s7], $0x800  }
0x14c: {  	s24 =	sld [smem:$0x7DE]  }
0x14d: {  	[sflag:s7] =	ssyncset.done $0x0  }
0x14e: {  	s0 =	sld [smem:$0x7DF];
	[sflag:s7] =	ssyncadd.s32 $0xFFFFF800  }
0x14f: {  	[tilespmem:s26], [sflag:$0x1] =	stream.indirect.gather [hbm4b:s5+s6], $0x10, s24, s6, $0xb8;
	[tilespmem:$0x16800] =	vst v63  }
0x150: {  	s26 =	sld [smem:$0x7E0]  }
0x151: {  	[tilespmem:s29], [sflag:$0x1] =	stream.indirect.gather [hbm4b:s5+s6], $0x10, s0, s6, $0xb8;
	[tilespmem:$0x16800] =	vst v63  }
0x152: {  	s29 =	sld [smem:$0x7E1]  }
0x153: {  	[tilespmem:s30], [sflag:$0x1] =	stream.indirect.gather [hbm4b:s5+s6], $0x10, s26, s6, $0xb8;
	[tilespmem:$0x16800] =	vst v63  }
0x154: {  	s0 =	sld [smem:$0x7E2]  }
0x155: {  	[tilespmem:s28], [sflag:$0x1] =	stream.indirect.gather [hbm4b:s5+s6], $0x10, s29, s6, $0xb8;
	[tilespmem:$0x16800] =	vst v63  }
0x156: {  	s26 =	sld [smem:$0x7E3]  }
0x157: {  	[tilespmem:s4], [sflag:$0x1] =	stream.indirect.gather [hbm4b:s5+s6], $0x10, s0, s6, $0xb8;
	[tilespmem:$0x16800] =	vst v63  }
0x158: {  	s28 =	sld [smem:$0x7E4];
	s29 =	simm.s32 $0x9000  }
0x159: {  	[tilespmem:s29], [sflag:$0x1] =	stream.indirect.gather [hbm4b:s5+s6], $0x10, s26, s6, $0xb8;
	[tilespmem:$0x16800] =	vst v63  }
0x15a: {  	s30 =	sld [smem:$0x7E5];
	s4 =	simm.s32 $0x9800  }
0x15b: {  	[tilespmem:s4], [sflag:$0x1] =	stream.indirect.gather [hbm4b:s5+s6], $0x10, s28, s6, $0xb8;
	[tilespmem:$0x16800] =	vst v63  }
0x15c: {  	s26 =	simm.s32 $0xA000  }
0x15d: {  	[tilespmem:s26], [sflag:$0x1] =	stream.indirect.gather [hbm4b:s5+s6], $0x10, s30, s6, $0xb8;
	[tilespmem:$0x16800] =	vst v63  }
0x15e: {  	_ =	swait.ge [sflag:s7], $0x800  }
0x15f: {  	[sflag:s7] =	ssyncset.done $0x0  }
0x160: {  	[sflag:s7] =	ssyncadd.s32 $0xFFFFF800  }
0x161: {  	_ =	swait.ge [sflag:s7], $0x800  }
0x162: {  	[sflag:s7] =	ssyncset.done $0x0  }
0x163: {  	[sflag:s7] =	ssyncadd.s32 $0xFFFFF800  }
0x164: {  	_ =	swait.ge [sflag:s7], $0x800  }
0x165: {  	[sflag:s7] =	ssyncset.done $0x0  }
0x166: {  	[sflag:s7] =	ssyncadd.s32 $0xFFFFF800  }
0x167: {  	_ =	swait.ge [sflag:s7], $0x800  }
0x168: {  	[sflag:s7] =	ssyncset.done $0x0  }
0x169: {  	[sflag:s7] =	ssyncadd.s32 $0xFFFFF800  }
0x16a: {  	_ =	swait.ge [sflag:s7], $0x800  }
0x16b: {  	[sflag:s7] =	ssyncset.done $0x0  }
0x16c: {  	[sflag:s7] =	ssyncadd.s32 $0xFFFFF800  }
0x16d: {  	_ =	swait.ge [sflag:s7], $0x800  }
0x16e: {  	[sflag:s7] =	ssyncset.done $0x0  }
0x16f: {  	[sflag:s7] =	ssyncadd.s32 $0xFFFFF800  }
0x170: {  	_ =	swait.ge [sflag:s7], $0x800  }
0x171: {  	[sflag:s7] =	ssyncset.done $0x0  }
0x172: {  	[sflag:s7] =	ssyncadd.s32 $0xFFFFF800  }
0x173: {  	_ =	swait.ge [sflag:s7], $0x800  }
0x174: {  	s28 =	sld [smem:$0x7E6]  }
0x175: {  	[sflag:s7] =	ssyncset.done $0x0  }
0x176: {  	s29 =	sld [smem:$0x7E7];
	[sflag:s7] =	ssyncadd.s32 $0xFFFFF800  }
0x177: {  	[tilespmem:s21], [sflag:$0x1] =	stream.indirect.gather [hbm4b:s5+s6], $0x10, s28, s6, $0xb8;
	[tilespmem:$0x16800] =	vst v63  }
0x178: {  	s30 =	sld [smem:$0x7E8]  }
0x179: {  	[tilespmem:s25], [sflag:$0x1] =	stream.indirect.gather [hbm4b:s5+s6], $0x10, s29, s6, $0xb8;
	[tilespmem:$0x16800] =	vst v63  }
0x17a: {  	s0 =	sld [smem:$0x7E9]  }
0x17b: {  	[tilespmem:s1], [sflag:$0x1] =	stream.indirect.gather [hbm4b:s5+s6], $0x10, s30, s6, $0xb8;
	[tilespmem:$0x16800] =	vst v63  }
0x17c: {  	s4 =	sld [smem:$0x7EA]  }
0x17d: {  	[tilespmem:s22], [sflag:$0x1] =	stream.indirect.gather [hbm4b:s5+s6], $0x10, s0, s6, $0xb8;
	[tilespmem:$0x16800] =	vst v63  }
0x17e: {  	s21 =	sld [smem:$0x7EB]  }
0x17f: {  	[tilespmem:s20], [sflag:$0x1] =	stream.indirect.gather [hbm4b:s5+s6], $0x10, s4, s6, $0xb8;
	[tilespmem:$0x16800] =	vst v63  }
0x180: {  	s22 =	sld [smem:$0x7EC]  }
0x181: {  	[tilespmem:s19], [sflag:$0x1] =	stream.indirect.gather [hbm4b:s5+s6], $0x10, s21, s6, $0xb8;
	[tilespmem:$0x16800] =	vst v63  }
0x182: {  	s25 =	sld [smem:$0x7ED]  }
0x183: {  	[tilespmem:s17], [sflag:$0x1] =	stream.indirect.gather [hbm4b:s5+s6], $0x10, s22, s6, $0xb8;
	[tilespmem:$0x16800] =	vst v63  }
0x184: {  	_ = 	snop  }
0x185: {  	[tilespmem:s18], [sflag:$0x1] =	stream.indirect.gather [hbm4b:s5+s6], $0x10, s25, s6, $0xb8;
	[tilespmem:$0x16800] =	vst v63  }
0x186: {  	_ =	swait.ge [sflag:s7], $0x800  }
0x187: {  	[sflag:s7] =	ssyncset.done $0x0  }
0x188: {  	[sflag:s7] =	ssyncadd.s32 $0xFFFFF800  }
0x189: {  	_ =	swait.ge [sflag:s7], $0x800  }
0x18a: {  	[sflag:s7] =	ssyncset.done $0x0  }
0x18b: {  	[sflag:s7] =	ssyncadd.s32 $0xFFFFF800  }
0x18c: {  	_ =	swait.ge [sflag:s7], $0x800  }
0x18d: {  	[sflag:s7] =	ssyncset.done $0x0  }
0x18e: {  	[sflag:s7] =	ssyncadd.s32 $0xFFFFF800  }
0x18f: {  	_ =	swait.ge [sflag:s7], $0x800  }
0x190: {  	[sflag:s7] =	ssyncset.done $0x0  }
0x191: {  	[sflag:s7] =	ssyncadd.s32 $0xFFFFF800  }
0x192: {  	_ =	swait.ge [sflag:s7], $0x800  }
0x193: {  	[sflag:s7] =	ssyncset.done $0x0  }
0x194: {  	[sflag:s7] =	ssyncadd.s32 $0xFFFFF800  }
0x195: {  	_ =	swait.ge [sflag:s7], $0x800  }
0x196: {  	[sflag:s7] =	ssyncset.done $0x0  }
0x197: {  	[sflag:s7] =	ssyncadd.s32 $0xFFFFF800  }
0x198: {  	_ =	swait.ge [sflag:s7], $0x800  }
0x199: {  	[sflag:s7] =	ssyncset.done $0x0  }
0x19a: {  	[sflag:s7] =	ssyncadd.s32 $0xFFFFF800  }
0x19b: {  	_ =	swait.ge [sflag:s7], $0x800  }
0x19c: {  	s26 =	sld [smem:$0x7EE]  }
0x19d: {  	[sflag:s7] =	ssyncset.done $0x0  }
0x19e: {  	s28 =	sld [smem:$0x7EF];
	[sflag:s7] =	ssyncadd.s32 $0xFFFFF800  }
0x19f: {  	[tilespmem:s16], [sflag:$0x1] =	stream.indirect.gather [hbm4b:s5+s6], $0x10, s26, s6, $0xb8;
	[tilespmem:$0x16800] =	vst v63  }
0x1a0: {  	s29 =	sld [smem:$0x7F0]  }
0x1a1: {  	[tilespmem:s15], [sflag:$0x1] =	stream.indirect.gather [hbm4b:s5+s6], $0x10, s28, s6, $0xb8;
	[tilespmem:$0x16800] =	vst v63  }
0x1a2: {  	s30 =	sld [smem:$0x7F1]  }
0x1a3: {  	[tilespmem:s14], [sflag:$0x1] =	stream.indirect.gather [hbm4b:s5+s6], $0x10, s29, s6, $0xb8;
	[tilespmem:$0x16800] =	vst v63  }
0x1a4: {  	s0 =	sld [smem:$0x7F2]  }
0x1a5: {  	[tilespmem:s13], [sflag:$0x1] =	stream.indirect.gather [hbm4b:s5+s6], $0x10, s30, s6, $0xb8;
	[tilespmem:$0x16800] =	vst v63  }
0x1a6: {  	s1 =	sld [smem:$0x7F3]  }
0x1a7: {  	[tilespmem:s12], [sflag:$0x1] =	stream.indirect.gather [hbm4b:s5+s6], $0x10, s0, s6, $0xb8;
	[tilespmem:$0x16800] =	vst v63  }
0x1a8: {  	s4 =	sld [smem:$0x7F4]  }
0x1a9: {  	[tilespmem:s11], [sflag:$0x1] =	stream.indirect.gather [hbm4b:s5+s6], $0x10, s1, s6, $0xb8;
	[tilespmem:$0x16800] =	vst v63  }
0x1aa: {  	s11 =	sld [smem:$0x7F5]  }
0x1ab: {  	[tilespmem:s9], [sflag:$0x1] =	stream.indirect.gather [hbm4b:s5+s6], $0x10, s4, s6, $0xb8;
	[tilespmem:$0x16800] =	vst v63  }
0x1ac: {  	_ = 	snop  }
0x1ad: {  	[tilespmem:s10], [sflag:$0x1] =	stream.indirect.gather [hbm4b:s5+s6], $0x10, s11, s6, $0xb8;
	[tilespmem:$0x16800] =	vst v63  }
0x1ae: {  	_ =	swait.ge [sflag:s7], $0x800  }
0x1af: {  	[sflag:s7] =	ssyncset.done $0x0  }
0x1b0: {  	[sflag:s7] =	ssyncadd.s32 $0xFFFFF800  }
0x1b1: {  	_ =	swait.ge [sflag:s7], $0x800  }
0x1b2: {  	[sflag:s7] =	ssyncset.done $0x0  }
0x1b3: {  	[sflag:s7] =	ssyncadd.s32 $0xFFFFF800  }
0x1b4: {  	_ =	swait.ge [sflag:s7], $0x800  }
0x1b5: {  	[sflag:s7] =	ssyncset.done $0x0  }
0x1b6: {  	[sflag:s7] =	ssyncadd.s32 $0xFFFFF800  }
0x1b7: {  	_ =	swait.ge [sflag:s7], $0x800  }
0x1b8: {  	[sflag:s7] =	ssyncset.done $0x0  }
0x1b9: {  	[sflag:s7] =	ssyncadd.s32 $0xFFFFF800  }
0x1ba: {  	_ =	swait.ge [sflag:s7], $0x800  }
0x1bb: {  	[sflag:s7] =	ssyncset.done $0x0  }
0x1bc: {  	[sflag:s7] =	ssyncadd.s32 $0xFFFFF800  }
0x1bd: {  	_ =	swait.ge [sflag:s7], $0x800  }
0x1be: {  	[sflag:s7] =	ssyncset.done $0x0  }
0x1bf: {  	[sflag:s7] =	ssyncadd.s32 $0xFFFFF800  }
0x1c0: {  	_ =	swait.ge [sflag:s7], $0x800  }
0x1c1: {  	[sflag:s7] =	ssyncset.done $0x0  }
0x1c2: {  	[sflag:s7] =	ssyncadd.s32 $0xFFFFF800  }
0x1c3: {  	_ =	swait.ge [sflag:s7], $0x800  }
0x1c4: {  	s12 =	sld [smem:$0x7F6]  }
0x1c5: {  	[sflag:s7] =	ssyncset.done $0x0  }
0x1c6: {  	s13 =	sld [smem:$0x7F7];
	[sflag:s7] =	ssyncadd.s32 $0xFFFFF800  }
0x1c7: {  	[tilespmem:s8], [sflag:$0x1] =	stream.indirect.gather [hbm4b:s5+s6], $0x10, s12, s6, $0xb8;
	[tilespmem:$0x16800] =	vst v63  }
0x1c8: {  	s15 =	simm.s32 $0x13000;
	s14 =	sld [smem:$0x7F8]  }
0x1c9: {  	[tilespmem:s15], [sflag:$0x1] =	stream.indirect.gather [hbm4b:s5+s6], $0x10, s13, s6, $0xb8;
	[tilespmem:$0x16800] =	vst v63  }
0x1ca: {  	s17 =	simm.s32 $0x13800;
	s16 =	sld [smem:$0x7F9]  }
0x1cb: {  	[tilespmem:s17], [sflag:$0x1] =	stream.indirect.gather [hbm4b:s5+s6], $0x10, s14, s6, $0xb8;
	[tilespmem:$0x16800] =	vst v63  }
0x1cc: {  	s19 =	simm.s32 $0x14000;
	s18 =	sld [smem:$0x7FA]  }
0x1cd: {  	[tilespmem:s19], [sflag:$0x1] =	stream.indirect.gather [hbm4b:s5+s6], $0x10, s16, s6, $0xb8;
	[tilespmem:$0x16800] =	vst v63  }
0x1ce: {  	s21 =	simm.s32 $0x14800;
	s20 =	sld [smem:$0x7FB]  }
0x1cf: {  	[tilespmem:s21], [sflag:$0x1] =	stream.indirect.gather [hbm4b:s5+s6], $0x10, s18, s6, $0xb8;
	[tilespmem:$0x16800] =	vst v63  }
0x1d0: {  	s25 =	simm.s32 $0x15000;
	s22 =	sld [smem:$0x7FC]  }
0x1d1: {  	[tilespmem:s25], [sflag:$0x1] =	stream.indirect.gather [hbm4b:s5+s6], $0x10, s20, s6, $0xb8;
	[tilespmem:$0x16800] =	vst v63  }
0x1d2: {  	s28 =	simm.s32 $0x15800;
	s26 =	sld [smem:$0x7FD]  }
0x1d3: {  	[tilespmem:s28], [sflag:$0x1] =	stream.indirect.gather [hbm4b:s5+s6], $0x10, s22, s6, $0xb8;
	[tilespmem:$0x16800] =	vst v63  }
0x1d4: {  	s29 =	simm.s32 $0x16000  }
0x1d5: {  	[tilespmem:s29], [sflag:$0x1] =	stream.indirect.gather [hbm4b:s5+s6], $0x10, s26, s6, $0xb8;
	[tilespmem:$0x16800] =	vst v63  }
0x1d6: {  	_ =	swait.ge [sflag:s7], $0x800  }
0x1d7: {  	[sflag:s7] =	ssyncset.done $0x0  }
0x1d8: {  	[sflag:s7] =	ssyncadd.s32 $0xFFFFF800  }
0x1d9: {  	_ =	swait.ge [sflag:s7], $0x800  }
0x1da: {  	[sflag:s7] =	ssyncset.done $0x0  }
0x1db: {  	[sflag:s7] =	ssyncadd.s32 $0xFFFFF800  }
0x1dc: {  	_ =	swait.ge [sflag:s7], $0x800  }
0x1dd: {  	[sflag:s7] =	ssyncset.done $0x0  }
0x1de: {  	[sflag:s7] =	ssyncadd.s32 $0xFFFFF800  }
0x1df: {  	_ =	swait.ge [sflag:s7], $0x800  }
0x1e0: {  	[sflag:s7] =	ssyncset.done $0x0  }
0x1e1: {  	[sflag:s7] =	ssyncadd.s32 $0xFFFFF800  }
0x1e2: {  	_ =	swait.ge [sflag:s7], $0x800  }
0x1e3: {  	[sflag:s7] =	ssyncset.done $0x0  }
0x1e4: {  	[sflag:s7] =	ssyncadd.s32 $0xFFFFF800  }
0x1e5: {  	_ =	swait.ge [sflag:s7], $0x800  }
0x1e6: {  	[sflag:s7] =	ssyncset.done $0x0  }
0x1e7: {  	[sflag:s7] =	ssyncadd.s32 $0xFFFFF800  }
0x1e8: {  	_ =	swait.ge [sflag:s7], $0x800  }
0x1e9: {  	[sflag:s7] =	ssyncset.done $0x0  }
0x1ea: {  	[sflag:s7] =	ssyncadd.s32 $0xFFFFF800  }
0x1eb: {  	_ =	swait.ge [sflag:s7], $0x800  }
0x1ec: {  	[sflag:s7] =	ssyncset.done $0x0  }
0x1ed: {  	s30 =	rddreg [dreg:$0x5];
	[sflag:s7] =	ssyncadd.s32 $0xFFFFF800  }
0x1ee: {  	[hbm4b:s30+s2] =	stream.linear.scatter [tilespmem:s31], [sflag:$0x2], $0x14000, $0x38;
	[tilespmem:$0x16800] =	vst v63  }
0x1ef: {  	s31 =	sld [smem:$0x7CA];
	_ =	sdelay $0x2  }
0x1f0: {  	p1 =	sne.s32 s31, $0x1  }
.Ltmp1:
0x1f1: {  	_ = 	snop;
	(pc) =	sbr.rel @!p1 .LBB2_6-.Ltmp1, $3  }
0x1f2: {  	_ =	sdelay $0x1  }
0x1f3: {  	p0 =	por $0x1, $0x1;
	_ =	swait.ge [sflag:s3], $0x14000  }
0x1f4: {  	s24 =	rddreg [dreg:$0x2];
	[sflag:s3] =	ssyncset.done $0x0;
	s23 =	sadd.s32 $0xFFFFFFFF, s31  }
0x1f5: {  	s8 =	simm.s32 $0x1400;
	s9 =	simm.s32 $0x3000  }
0x1f6: {  	s10 =	simm.s32 $0x3800;
	s11 =	simm.s32 $0x4000;
	s12 =	simm.s32 $0x4800  }
0x1f7: {  	s13 =	simm.s32 $0x5000;
	s14 =	simm.s32 $0x5800;
	s15 =	simm.s32 $0x6000  }
0x1f8: {  	s16 =	simm.s32 $0x9000;
	s17 =	simm.s32 $0x9800;
	s18 =	simm.s32 $0xA000  }
0x1f9: {  	s4 =	simm.s32 $0x11000;
	s31 =	simm.s32 $0x11800;
	s28 =	simm.s32 $0x12000  }
0x1fa: {  	s30 =	simm.s32 $0x12800;
	s29 =	simm.s32 $0x13000;
	s19 =	simm.s32 $0x13800  }
0x1fb: {  	s20 =	simm.s32 $0x14000;
	s21 =	simm.s32 $0x14800;
	s22 =	simm.s32 $0x15000  }
.LBB2_3:
0x1fc: {  	[sflag:s3] =	ssyncadd.s32 $0xFFFEC000  }
0x1fd: {  	[tilespmem:s2], [sflag:$0x2] =	stream.linear.gather [hbm4b:s24+s2], $0x1400, $0x38;
	[tilespmem:$0x16800] =	vst v63  }
0x1fe: {  	_ =	swait.ge [sflag:s3], $0x1400  }
0x1ff: {  	[sflag:s3] =	ssyncset.done $0x0  }
0x200: {  	s0 =	rddreg [dreg:$0x3];
	[sflag:s3] =	ssyncadd.s32 $0xFFFFEC00  }
0x201: {  	[tilespmem:s8], [sflag:$0x2] =	stream.linear.gather [hbm4b:s0+s2], $0x1400, $0x38;
	[tilespmem:$0x16800] =	vst v63  }
0x202: {  	_ =	swait.ge [sflag:s3], $0x1400  }
0x203: {  	[sflag:s3] =	ssyncset.done $0x0  }
0x204: {  	s0 =	simm.s32 $0x2800;
	[sflag:s3] =	ssyncadd.s32 $0xFFFFEC00  }
0x205: {  	[tilespmem:s0], [sflag:$0x1] =	stream.indirect.gather [hbm4b:s5+s6], $0x10, s2, s6, $0xb8;
	[tilespmem:$0x16800] =	vst v63  }
0x206: {  	_ = 	snop  }
0x207: {  	[tilespmem:s9], [sflag:$0x1] =	stream.indirect.gather [hbm4b:s5+s6], $0x10, s6, s6, $0xb8;
	[tilespmem:$0x16800] =	vst v63  }
0x208: {  	s1 =	rddreg [dreg:$0x6]  }
0x209: {  	[tilespmem:s10], [sflag:$0x1] =	stream.indirect.gather [hbm4b:s5+s6], $0x10, s1, s6, $0xb8;
	[tilespmem:$0x16800] =	vst v63  }
0x20a: {  	s25 =	rddreg [dreg:$0x7]  }
0x20b: {  	[tilespmem:s11], [sflag:$0x1] =	stream.indirect.gather [hbm4b:s5+s6], $0x10, s25, s6, $0xb8;
	[tilespmem:$0x16800] =	vst v63  }
0x20c: {  	s2 =	rddreg [dreg:$0x8]  }
0x20d: {  	[tilespmem:s12], [sflag:$0x1] =	stream.indirect.gather [hbm4b:s5+s6], $0x10, s2, s6, $0xb8;
	[tilespmem:$0x16800] =	vst v63  }
0x20e: {  	s3 =	rddreg [dreg:$0x9]  }
0x20f: {  	[tilespmem:s13], [sflag:$0x1] =	stream.indirect.gather [hbm4b:s5+s6], $0x10, s3, s6, $0xb8;
	[tilespmem:$0x16800] =	vst v63  }
0x210: {  	s26 =	rddreg [dreg:$0xa]  }
0x211: {  	[tilespmem:s14], [sflag:$0x1] =	stream.indirect.gather [hbm4b:s5+s6], $0x10, s26, s6, $0xb8;
	[tilespmem:$0x16800] =	vst v63  }
0x212: {  	s0 =	rddreg [dreg:$0xb]  }
0x213: {  	[tilespmem:s15], [sflag:$0x1] =	stream.indirect.gather [hbm4b:s5+s6], $0x10, s0, s6, $0xb8;
	[tilespmem:$0x16800] =	vst v63  }
0x214: {  	_ =	swait.ge [sflag:s7], $0x800  }
0x215: {  	[sflag:s7] =	ssyncset.done $0x0  }
0x216: {  	[sflag:s7] =	ssyncadd.s32 $0xFFFFF800  }
0x217: {  	_ =	swait.ge [sflag:s7], $0x800  }
0x218: {  	[sflag:s7] =	ssyncset.done $0x0  }
0x219: {  	[sflag:s7] =	ssyncadd.s32 $0xFFFFF800  }
0x21a: {  	_ =	swait.ge [sflag:s7], $0x800  }
0x21b: {  	[sflag:s7] =	ssyncset.done $0x0  }
0x21c: {  	[sflag:s7] =	ssyncadd.s32 $0xFFFFF800  }
0x21d: {  	_ =	swait.ge [sflag:s7], $0x800  }
0x21e: {  	[sflag:s7] =	ssyncset.done $0x0  }
0x21f: {  	[sflag:s7] =	ssyncadd.s32 $0xFFFFF800  }
0x220: {  	_ =	swait.ge [sflag:s7], $0x800  }
0x221: {  	[sflag:s7] =	ssyncset.done $0x0  }
0x222: {  	[sflag:s7] =	ssyncadd.s32 $0xFFFFF800  }
0x223: {  	_ =	swait.ge [sflag:s7], $0x800  }
0x224: {  	[sflag:s7] =	ssyncset.done $0x0  }
0x225: {  	[sflag:s7] =	ssyncadd.s32 $0xFFFFF800  }
0x226: {  	_ =	swait.ge [sflag:s7], $0x800  }
0x227: {  	[sflag:s7] =	ssyncset.done $0x0  }
0x228: {  	[sflag:s7] =	ssyncadd.s32 $0xFFFFF800  }
0x229: {  	_ =	swait.ge [sflag:s7], $0x800  }
0x22a: {  	[sflag:s7] =	ssyncset.done $0x0  }
0x22b: {  	s3 =	simm.s32 $0x6800;
	s1 =	rddreg [dreg:$0xc];
	[sflag:s7] =	ssyncadd.s32 $0xFFFFF800  }
0x22c: {  	[tilespmem:s3], [sflag:$0x1] =	stream.indirect.gather [hbm4b:s5+s6], $0x10, s1, s6, $0xb8;
	[tilespmem:$0x16800] =	vst v63  }
0x22d: {  	s2 =	rddreg [dreg:$0xd];
	s1 =	simm.s32 $0x7000  }
0x22e: {  	[tilespmem:s1], [sflag:$0x1] =	stream.indirect.gather [hbm4b:s5+s6], $0x10, s2, s6, $0xb8;
	[tilespmem:$0x16800] =	vst v63  }
0x22f: {  	s26 =	rddreg [dreg:$0xe];
	s3 =	simm.s32 $0x7800  }
0x230: {  	[tilespmem:s3], [sflag:$0x1] =	stream.indirect.gather [hbm4b:s5+s6], $0x10, s26, s6, $0xb8;
	[tilespmem:$0x16800] =	vst v63  }
0x231: {  	s2 =	rddreg [dreg:$0xf];
	s1 =	simm.s32 $0x8000  }
0x232: {  	[tilespmem:s1], [sflag:$0x1] =	stream.indirect.gather [hbm4b:s5+s6], $0x10, s2, s6, $0xb8;
	[tilespmem:$0x16800] =	vst v63  }
0x233: {  	s26 =	rddreg [dreg:$0x10];
	s3 =	simm.s32 $0x8800  }
0x234: {  	[tilespmem:s3], [sflag:$0x1] =	stream.indirect.gather [hbm4b:s5+s6], $0x10, s26, s6, $0xb8;
	[tilespmem:$0x16800] =	vst v63  }
0x235: {  	s2 =	rddreg [dreg:$0x11]  }
0x236: {  	[tilespmem:s16], [sflag:$0x1] =	stream.indirect.gather [hbm4b:s5+s6], $0x10, s2, s6, $0xb8;
	[tilespmem:$0x16800] =	vst v63  }
0x237: {  	s26 =	rddreg [dreg:$0x12]  }
0x238: {  	[tilespmem:s17], [sflag:$0x1] =	stream.indirect.gather [hbm4b:s5+s6], $0x10, s26, s6, $0xb8;
	[tilespmem:$0x16800] =	vst v63  }
0x239: {  	s0 =	rddreg [dreg:$0x13]  }
0x23a: {  	[tilespmem:s18], [sflag:$0x1] =	stream.indirect.gather [hbm4b:s5+s6], $0x10, s0, s6, $0xb8;
	[tilespmem:$0x16800] =	vst v63  }
0x23b: {  	_ =	swait.ge [sflag:s7], $0x800  }
0x23c: {  	[sflag:s7] =	ssyncset.done $0x0  }
0x23d: {  	[sflag:s7] =	ssyncadd.s32 $0xFFFFF800  }
0x23e: {  	_ =	swait.ge [sflag:s7], $0x800  }
0x23f: {  	[sflag:s7] =	ssyncset.done $0x0  }
0x240: {  	[sflag:s7] =	ssyncadd.s32 $0xFFFFF800  }
0x241: {  	_ =	swait.ge [sflag:s7], $0x800  }
0x242: {  	[sflag:s7] =	ssyncset.done $0x0  }
0x243: {  	[sflag:s7] =	ssyncadd.s32 $0xFFFFF800  }
0x244: {  	_ =	swait.ge [sflag:s7], $0x800  }
0x245: {  	[sflag:s7] =	ssyncset.done $0x0  }
0x246: {  	[sflag:s7] =	ssyncadd.s32 $0xFFFFF800  }
0x247: {  	_ =	swait.ge [sflag:s7], $0x800  }
0x248: {  	[sflag:s7] =	ssyncset.done $0x0  }
0x249: {  	[sflag:s7] =	ssyncadd.s32 $0xFFFFF800  }
0x24a: {  	_ =	swait.ge [sflag:s7], $0x800  }
0x24b: {  	[sflag:s7] =	ssyncset.done $0x0  }
0x24c: {  	[sflag:s7] =	ssyncadd.s32 $0xFFFFF800  }
0x24d: {  	_ =	swait.ge [sflag:s7], $0x800  }
0x24e: {  	[sflag:s7] =	ssyncset.done $0x0  }
0x24f: {  	[sflag:s7] =	ssyncadd.s32 $0xFFFFF800  }
0x250: {  	_ =	swait.ge [sflag:s7], $0x800  }
0x251: {  	[sflag:s7] =	ssyncset.done $0x0  }
0x252: {  	s3 =	simm.s32 $0xA800;
	s1 =	rddreg [dreg:$0x14];
	[sflag:s7] =	ssyncadd.s32 $0xFFFFF800  }
0x253: {  	[tilespmem:s3], [sflag:$0x1] =	stream.indirect.gather [hbm4b:s5+s6], $0x10, s1, s6, $0xb8;
	[tilespmem:$0x16800] =	vst v63  }
0x254: {  	s2 =	rddreg [dreg:$0x15];
	s1 =	simm.s32 $0xB000  }
0x255: {  	[tilespmem:s1], [sflag:$0x1] =	stream.indirect.gather [hbm4b:s5+s6], $0x10, s2, s6, $0xb8;
	[tilespmem:$0x16800] =	vst v63  }
0x256: {  	s26 =	rddreg [dreg:$0x16];
	s3 =	simm.s32 $0xB800  }
0x257: {  	[tilespmem:s3], [sflag:$0x1] =	stream.indirect.gather [hbm4b:s5+s6], $0x10, s26, s6, $0xb8;
	[tilespmem:$0x16800] =	vst v63  }
0x258: {  	s2 =	rddreg [dreg:$0x17];
	s1 =	simm.s32 $0xC000  }
0x259: {  	[tilespmem:s1], [sflag:$0x1] =	stream.indirect.gather [hbm4b:s5+s6], $0x10, s2, s6, $0xb8;
	[tilespmem:$0x16800] =	vst v63  }
0x25a: {  	s26 =	rddreg [dreg:$0x18];
	s3 =	simm.s32 $0xC800  }
0x25b: {  	[tilespmem:s3], [sflag:$0x1] =	stream.indirect.gather [hbm4b:s5+s6], $0x10, s26, s6, $0xb8;
	[tilespmem:$0x16800] =	vst v63  }
0x25c: {  	s2 =	rddreg [dreg:$0x19];
	s1 =	simm.s32 $0xD000  }
0x25d: {  	[tilespmem:s1], [sflag:$0x1] =	stream.indirect.gather [hbm4b:s5+s6], $0x10, s2, s6, $0xb8;
	[tilespmem:$0x16800] =	vst v63  }
0x25e: {  	s26 =	rddreg [dreg:$0x1a];
	s3 =	simm.s32 $0xD800  }
0x25f: {  	[tilespmem:s3], [sflag:$0x1] =	stream.indirect.gather [hbm4b:s5+s6], $0x10, s26, s6, $0xb8;
	[tilespmem:$0x16800] =	vst v63  }
0x260: {  	s2 =	rddreg [dreg:$0x1b];
	s26 =	simm.s32 $0xE000  }
0x261: {  	[tilespmem:s26], [sflag:$0x1] =	stream.indirect.gather [hbm4b:s5+s6], $0x10, s2, s6, $0xb8;
	[tilespmem:$0x16800] =	vst v63  }
0x262: {  	_ =	swait.ge [sflag:s7], $0x800  }
0x263: {  	[sflag:s7] =	ssyncset.done $0x0  }
0x264: {  	[sflag:s7] =	ssyncadd.s32 $0xFFFFF800  }
0x265: {  	_ =	swait.ge [sflag:s7], $0x800  }
0x266: {  	[sflag:s7] =	ssyncset.done $0x0  }
0x267: {  	[sflag:s7] =	ssyncadd.s32 $0xFFFFF800  }
0x268: {  	_ =	swait.ge [sflag:s7], $0x800  }
0x269: {  	[sflag:s7] =	ssyncset.done $0x0  }
0x26a: {  	[sflag:s7] =	ssyncadd.s32 $0xFFFFF800  }
0x26b: {  	_ =	swait.ge [sflag:s7], $0x800  }
0x26c: {  	[sflag:s7] =	ssyncset.done $0x0  }
0x26d: {  	[sflag:s7] =	ssyncadd.s32 $0xFFFFF800  }
0x26e: {  	_ =	swait.ge [sflag:s7], $0x800  }
0x26f: {  	[sflag:s7] =	ssyncset.done $0x0  }
0x270: {  	[sflag:s7] =	ssyncadd.s32 $0xFFFFF800  }
0x271: {  	_ =	swait.ge [sflag:s7], $0x800  }
0x272: {  	[sflag:s7] =	ssyncset.done $0x0  }
0x273: {  	[sflag:s7] =	ssyncadd.s32 $0xFFFFF800  }
0x274: {  	_ =	swait.ge [sflag:s7], $0x800  }
0x275: {  	[sflag:s7] =	ssyncset.done $0x0  }
0x276: {  	[sflag:s7] =	ssyncadd.s32 $0xFFFFF800  }
0x277: {  	_ =	swait.ge [sflag:s7], $0x800  }
0x278: {  	s1 =	rddreg [dreg:$0x1c];
	[sflag:s7] =	ssyncset.done $0x0  }
0x279: {  	s3 =	simm.s32 $0xE800;
	s2 =	rddreg [dreg:$0x1d];
	[sflag:s7] =	ssyncadd.s32 $0xFFFFF800  }
0x27a: {  	[tilespmem:s3], [sflag:$0x1] =	stream.indirect.gather [hbm4b:s5+s6], $0x10, s1, s6, $0xb8;
	[tilespmem:$0x16800] =	vst v63  }
0x27b: {  	s26 =	rddreg [dreg:$0x1e];
	s1 =	simm.s32 $0xF000  }
0x27c: {  	[tilespmem:s1], [sflag:$0x1] =	stream.indirect.gather [hbm4b:s5+s6], $0x10, s2, s6, $0xb8;
	[tilespmem:$0x16800] =	vst v63  }
0x27d: {  	s24 =	sld [smem:$0x7CB];
	s3 =	simm.s32 $0xF800  }
0x27e: {  	[tilespmem:s3], [sflag:$0x1] =	stream.indirect.gather [hbm4b:s5+s6], $0x10, s26, s6, $0xb8;
	[tilespmem:$0x16800] =	vst v63  }
0x27f: {  	s2 =	rddreg [dreg:$0x1f];
	s3 =	simm.s32 $0x10000  }
0x280: {  	[tilespmem:s3], [sflag:$0x1] =	stream.indirect.gather [hbm4b:s5+s6], $0x10, s2, s6, $0xb8;
	[tilespmem:$0x16800] =	vst v63  }
0x281: {  	s26 =	sld [smem:$0x7CC];
	s2 =	simm.s32 $0x10800  }
0x282: {  	[tilespmem:s2], [sflag:$0x1] =	stream.indirect.gather [hbm4b:s5+s6], $0x10, s24, s6, $0xb8;
	[tilespmem:$0x16800] =	vst v63  }
0x283: {  	s24 =	sld [smem:$0x7CD]  }
0x284: {  	[tilespmem:s4], [sflag:$0x1] =	stream.indirect.gather [hbm4b:s5+s6], $0x10, s26, s6, $0xb8;
	[tilespmem:$0x16800] =	vst v63  }
0x285: {  	s26 =	sld [smem:$0x7CE]  }
0x286: {  	[tilespmem:s31], [sflag:$0x1] =	stream.indirect.gather [hbm4b:s5+s6], $0x10, s24, s6, $0xb8;
	[tilespmem:$0x16800] =	vst v63  }
0x287: {  	_ = 	snop  }
0x288: {  	[tilespmem:s28], [sflag:$0x1] =	stream.indirect.gather [hbm4b:s5+s6], $0x10, s26, s6, $0xb8;
	[tilespmem:$0x16800] =	vst v63  }
0x289: {  	_ =	swait.ge [sflag:s7], $0x800  }
0x28a: {  	[sflag:s7] =	ssyncset.done $0x0  }
0x28b: {  	[sflag:s7] =	ssyncadd.s32 $0xFFFFF800  }
0x28c: {  	_ =	swait.ge [sflag:s7], $0x800  }
0x28d: {  	[sflag:s7] =	ssyncset.done $0x0  }
0x28e: {  	[sflag:s7] =	ssyncadd.s32 $0xFFFFF800  }
0x28f: {  	_ =	swait.ge [sflag:s7], $0x800  }
0x290: {  	[sflag:s7] =	ssyncset.done $0x0  }
0x291: {  	[sflag:s7] =	ssyncadd.s32 $0xFFFFF800  }
0x292: {  	_ =	swait.ge [sflag:s7], $0x800  }
0x293: {  	[sflag:s7] =	ssyncset.done $0x0  }
0x294: {  	[sflag:s7] =	ssyncadd.s32 $0xFFFFF800  }
0x295: {  	_ =	swait.ge [sflag:s7], $0x800  }
0x296: {  	[sflag:s7] =	ssyncset.done $0x0  }
0x297: {  	[sflag:s7] =	ssyncadd.s32 $0xFFFFF800  }
0x298: {  	_ =	swait.ge [sflag:s7], $0x800  }
0x299: {  	[sflag:s7] =	ssyncset.done $0x0  }
0x29a: {  	[sflag:s7] =	ssyncadd.s32 $0xFFFFF800  }
0x29b: {  	_ =	swait.ge [sflag:s7], $0x800  }
0x29c: {  	[sflag:s7] =	ssyncset.done $0x0  }
0x29d: {  	[sflag:s7] =	ssyncadd.s32 $0xFFFFF800  }
0x29e: {  	_ =	swait.ge [sflag:s7], $0x800  }
0x29f: {  	s25 =	sld [smem:$0x7CF]  }
0x2a0: {  	[sflag:s7] =	ssyncset.done $0x0  }
0x2a1: {  	s26 =	sld [smem:$0x7D0];
	[sflag:s7] =	ssyncadd.s32 $0xFFFFF800  }
0x2a2: {  	[tilespmem:s30], [sflag:$0x1] =	stream.indirect.gather [hbm4b:s5+s6], $0x10, s25, s6, $0xb8;
	[tilespmem:$0x16800] =	vst v63  }
0x2a3: {  	s24 =	sld [smem:$0x7D1]  }
0x2a4: {  	[tilespmem:s29], [sflag:$0x1] =	stream.indirect.gather [hbm4b:s5+s6], $0x10, s26, s6, $0xb8;
	[tilespmem:$0x16800] =	vst v63  }
0x2a5: {  	s26 =	sld [smem:$0x7D2]  }
0x2a6: {  	[tilespmem:s19], [sflag:$0x1] =	stream.indirect.gather [hbm4b:s5+s6], $0x10, s24, s6, $0xb8;
	[tilespmem:$0x16800] =	vst v63  }
0x2a7: {  	s24 =	sld [smem:$0x7D3]  }
0x2a8: {  	[tilespmem:s20], [sflag:$0x1] =	stream.indirect.gather [hbm4b:s5+s6], $0x10, s26, s6, $0xb8;
	[tilespmem:$0x16800] =	vst v63  }
0x2a9: {  	s26 =	sld [smem:$0x7D4]  }
0x2aa: {  	[tilespmem:s21], [sflag:$0x1] =	stream.indirect.gather [hbm4b:s5+s6], $0x10, s24, s6, $0xb8;
	[tilespmem:$0x16800] =	vst v63  }
0x2ab: {  	s24 =	sld [smem:$0x7D5]  }
0x2ac: {  	[tilespmem:s22], [sflag:$0x1] =	stream.indirect.gather [hbm4b:s5+s6], $0x10, s26, s6, $0xb8;
	[tilespmem:$0x16800] =	vst v63  }
0x2ad: {  	s25 =	sld [smem:$0x7D6];
	s26 =	simm.s32 $0x15800  }
0x2ae: {  	[tilespmem:s26], [sflag:$0x1] =	stream.indirect.gather [hbm4b:s5+s6], $0x10, s24, s6, $0xb8;
	[tilespmem:$0x16800] =	vst v63  }
0x2af: {  	s26 =	simm.s32 $0x16000  }
0x2b0: {  	[tilespmem:s26], [sflag:$0x1] =	stream.indirect.gather [hbm4b:s5+s6], $0x10, s25, s6, $0xb8;
	[tilespmem:$0x16800] =	vst v63  }
0x2b1: {  	_ =	swait.ge [sflag:s7], $0x800  }
0x2b2: {  	[sflag:s7] =	ssyncset.done $0x0  }
0x2b3: {  	[sflag:s7] =	ssyncadd.s32 $0xFFFFF800  }
0x2b4: {  	_ =	swait.ge [sflag:s7], $0x800  }
0x2b5: {  	[sflag:s7] =	ssyncset.done $0x0  }
0x2b6: {  	[sflag:s7] =	ssyncadd.s32 $0xFFFFF800  }
0x2b7: {  	_ =	swait.ge [sflag:s7], $0x800  }
0x2b8: {  	[sflag:s7] =	ssyncset.done $0x0  }
0x2b9: {  	[sflag:s7] =	ssyncadd.s32 $0xFFFFF800  }
0x2ba: {  	_ =	swait.ge [sflag:s7], $0x800  }
0x2bb: {  	[sflag:s7] =	ssyncset.done $0x0  }
0x2bc: {  	[sflag:s7] =	ssyncadd.s32 $0xFFFFF800  }
0x2bd: {  	_ =	swait.ge [sflag:s7], $0x800  }
0x2be: {  	[sflag:s7] =	ssyncset.done $0x0  }
0x2bf: {  	[sflag:s7] =	ssyncadd.s32 $0xFFFFF800  }
0x2c0: {  	_ =	swait.ge [sflag:s7], $0x800  }
0x2c1: {  	[sflag:s7] =	ssyncset.done $0x0  }
0x2c2: {  	[sflag:s7] =	ssyncadd.s32 $0xFFFFF800  }
0x2c3: {  	_ =	swait.ge [sflag:s7], $0x800  }
0x2c4: {  	[sflag:s7] =	ssyncset.done $0x0  }
0x2c5: {  	[sflag:s7] =	ssyncadd.s32 $0xFFFFF800  }
0x2c6: {  	_ =	swait.ge [sflag:s7], $0x800  }
0x2c7: {  	s0 =	simm.s32 $0x2;
	s1 =	simm.s32 $0x0;
	[sflag:s7] =	ssyncset.done $0x0  }
0x2c8: {  	s25 =	simm.s32 $0x2800;
	s24 =	rddreg [dreg:$0x4];
	[sflag:s7] =	ssyncadd.s32 $0xFFFFF800  }
0x2c9: {  	[hbm4b:s24+s1] =	stream.linear.scatter [tilespmem:s25], [sflag:$0x2], $0x14000, $0x38;
	[tilespmem:$0x16800] =	vst v63  }
0x2ca: {  	_ =	swait.ge [sflag:s0], $0x14000  }
0x2cb: {  	[sflag:s0] =	ssyncset.done $0x0  }
0x2cc: {  	s1 =	sld [smem:$0x7D7];
	[sflag:s0] =	ssyncadd.s32 $0xFFFEC000  }
0x2cd: {  	[tilespmem:s25], [sflag:$0x1] =	stream.indirect.gather [hbm4b:s5+s6], $0x10, s8, s6, $0xb8;
	[tilespmem:$0x16800] =	vst v63  }
0x2ce: {  	s25 =	sld [smem:$0x7D8]  }
0x2cf: {  	[tilespmem:s9], [sflag:$0x1] =	stream.indirect.gather [hbm4b:s5+s6], $0x10, s1, s6, $0xb8;
	[tilespmem:$0x16800] =	vst v63  }
0x2d0: {  	s1 =	sld [smem:$0x7D9]  }
0x2d1: {  	[tilespmem:s10], [sflag:$0x1] =	stream.indirect.gather [hbm4b:s5+s6], $0x10, s25, s6, $0xb8;
	[tilespmem:$0x16800] =	vst v63  }
0x2d2: {  	s25 =	sld [smem:$0x7DA]  }
0x2d3: {  	[tilespmem:s11], [sflag:$0x1] =	stream.indirect.gather [hbm4b:s5+s6], $0x10, s1, s6, $0xb8;
	[tilespmem:$0x16800] =	vst v63  }
0x2d4: {  	s1 =	sld [smem:$0x7DB]  }
0x2d5: {  	[tilespmem:s12], [sflag:$0x1] =	stream.indirect.gather [hbm4b:s5+s6], $0x10, s25, s6, $0xb8;
	[tilespmem:$0x16800] =	vst v63  }
0x2d6: {  	s25 =	sld [smem:$0x7DC]  }
0x2d7: {  	[tilespmem:s13], [sflag:$0x1] =	stream.indirect.gather [hbm4b:s5+s6], $0x10, s1, s6, $0xb8;
	[tilespmem:$0x16800] =	vst v63  }
0x2d8: {  	s1 =	sld [smem:$0x7DD]  }
0x2d9: {  	[tilespmem:s14], [sflag:$0x1] =	stream.indirect.gather [hbm4b:s5+s6], $0x10, s25, s6, $0xb8;
	[tilespmem:$0x16800] =	vst v63  }
0x2da: {  	_ = 	snop  }
0x2db: {  	[tilespmem:s15], [sflag:$0x1] =	stream.indirect.gather [hbm4b:s5+s6], $0x10, s1, s6, $0xb8;
	[tilespmem:$0x16800] =	vst v63  }
0x2dc: {  	_ =	swait.ge [sflag:s7], $0x800  }
0x2dd: {  	[sflag:s7] =	ssyncset.done $0x0  }
0x2de: {  	[sflag:s7] =	ssyncadd.s32 $0xFFFFF800  }
0x2df: {  	_ =	swait.ge [sflag:s7], $0x800  }
0x2e0: {  	[sflag:s7] =	ssyncset.done $0x0  }
0x2e1: {  	[sflag:s7] =	ssyncadd.s32 $0xFFFFF800  }
0x2e2: {  	_ =	swait.ge [sflag:s7], $0x800  }
0x2e3: {  	[sflag:s7] =	ssyncset.done $0x0  }
0x2e4: {  	[sflag:s7] =	ssyncadd.s32 $0xFFFFF800  }
0x2e5: {  	_ =	swait.ge [sflag:s7], $0x800  }
0x2e6: {  	[sflag:s7] =	ssyncset.done $0x0  }
0x2e7: {  	[sflag:s7] =	ssyncadd.s32 $0xFFFFF800  }
0x2e8: {  	_ =	swait.ge [sflag:s7], $0x800  }
0x2e9: {  	[sflag:s7] =	ssyncset.done $0x0  }
0x2ea: {  	[sflag:s7] =	ssyncadd.s32 $0xFFFFF800  }
0x2eb: {  	_ =	swait.ge [sflag:s7], $0x800  }
0x2ec: {  	[sflag:s7] =	ssyncset.done $0x0  }
0x2ed: {  	[sflag:s7] =	ssyncadd.s32 $0xFFFFF800  }
0x2ee: {  	_ =	swait.ge [sflag:s7], $0x800  }
0x2ef: {  	[sflag:s7] =	ssyncset.done $0x0  }
0x2f0: {  	[sflag:s7] =	ssyncadd.s32 $0xFFFFF800  }
0x2f1: {  	_ =	swait.ge [sflag:s7], $0x800  }
0x2f2: {  	s24 =	sld [smem:$0x7DE]  }
0x2f3: {  	[sflag:s7] =	ssyncset.done $0x0  }
0x2f4: {  	s1 =	simm.s32 $0x6800;
	s25 =	sld [smem:$0x7DF];
	[sflag:s7] =	ssyncadd.s32 $0xFFFFF800  }
0x2f5: {  	[tilespmem:s1], [sflag:$0x1] =	stream.indirect.gather [hbm4b:s5+s6], $0x10, s24, s6, $0xb8;
	[tilespmem:$0x16800] =	vst v63  }
0x2f6: {  	s24 =	sld [smem:$0x7E0];
	s1 =	simm.s32 $0x7000  }
0x2f7: {  	[tilespmem:s1], [sflag:$0x1] =	stream.indirect.gather [hbm4b:s5+s6], $0x10, s25, s6, $0xb8;
	[tilespmem:$0x16800] =	vst v63  }
0x2f8: {  	s25 =	sld [smem:$0x7E1];
	s1 =	simm.s32 $0x7800  }
0x2f9: {  	[tilespmem:s1], [sflag:$0x1] =	stream.indirect.gather [hbm4b:s5+s6], $0x10, s24, s6, $0xb8;
	[tilespmem:$0x16800] =	vst v63  }
0x2fa: {  	s24 =	sld [smem:$0x7E2];
	s1 =	simm.s32 $0x8000  }
0x2fb: {  	[tilespmem:s1], [sflag:$0x1] =	stream.indirect.gather [hbm4b:s5+s6], $0x10, s25, s6, $0xb8;
	[tilespmem:$0x16800] =	vst v63  }
0x2fc: {  	s25 =	sld [smem:$0x7E3];
	s1 =	simm.s32 $0x8800  }
0x2fd: {  	[tilespmem:s1], [sflag:$0x1] =	stream.indirect.gather [hbm4b:s5+s6], $0x10, s24, s6, $0xb8;
	[tilespmem:$0x16800] =	vst v63  }
0x2fe: {  	s24 =	sld [smem:$0x7E4]  }
0x2ff: {  	[tilespmem:s16], [sflag:$0x1] =	stream.indirect.gather [hbm4b:s5+s6], $0x10, s25, s6, $0xb8;
	[tilespmem:$0x16800] =	vst v63  }
0x300: {  	s1 =	sld [smem:$0x7E5]  }
0x301: {  	[tilespmem:s17], [sflag:$0x1] =	stream.indirect.gather [hbm4b:s5+s6], $0x10, s24, s6, $0xb8;
	[tilespmem:$0x16800] =	vst v63  }
0x302: {  	_ = 	snop  }
0x303: {  	[tilespmem:s18], [sflag:$0x1] =	stream.indirect.gather [hbm4b:s5+s6], $0x10, s1, s6, $0xb8;
	[tilespmem:$0x16800] =	vst v63  }
0x304: {  	_ =	swait.ge [sflag:s7], $0x800  }
0x305: {  	[sflag:s7] =	ssyncset.done $0x0  }
0x306: {  	[sflag:s7] =	ssyncadd.s32 $0xFFFFF800  }
0x307: {  	_ =	swait.ge [sflag:s7], $0x800  }
0x308: {  	[sflag:s7] =	ssyncset.done $0x0  }
0x309: {  	[sflag:s7] =	ssyncadd.s32 $0xFFFFF800  }
0x30a: {  	_ =	swait.ge [sflag:s7], $0x800  }
0x30b: {  	[sflag:s7] =	ssyncset.done $0x0  }
0x30c: {  	[sflag:s7] =	ssyncadd.s32 $0xFFFFF800  }
0x30d: {  	_ =	swait.ge [sflag:s7], $0x800  }
0x30e: {  	[sflag:s7] =	ssyncset.done $0x0  }
0x30f: {  	[sflag:s7] =	ssyncadd.s32 $0xFFFFF800  }
0x310: {  	_ =	swait.ge [sflag:s7], $0x800  }
0x311: {  	[sflag:s7] =	ssyncset.done $0x0  }
0x312: {  	[sflag:s7] =	ssyncadd.s32 $0xFFFFF800  }
0x313: {  	_ =	swait.ge [sflag:s7], $0x800  }
0x314: {  	[sflag:s7] =	ssyncset.done $0x0  }
0x315: {  	[sflag:s7] =	ssyncadd.s32 $0xFFFFF800  }
0x316: {  	_ =	swait.ge [sflag:s7], $0x800  }
0x317: {  	[sflag:s7] =	ssyncset.done $0x0  }
0x318: {  	[sflag:s7] =	ssyncadd.s32 $0xFFFFF800  }
0x319: {  	_ =	swait.ge [sflag:s7], $0x800  }
0x31a: {  	s24 =	sld [smem:$0x7E6]  }
0x31b: {  	[sflag:s7] =	ssyncset.done $0x0  }
0x31c: {  	s1 =	simm.s32 $0xA800;
	s25 =	sld [smem:$0x7E7];
	[sflag:s7] =	ssyncadd.s32 $0xFFFFF800  }
0x31d: {  	[tilespmem:s1], [sflag:$0x1] =	stream.indirect.gather [hbm4b:s5+s6], $0x10, s24, s6, $0xb8;
	[tilespmem:$0x16800] =	vst v63  }
0x31e: {  	s24 =	sld [smem:$0x7E8];
	s1 =	simm.s32 $0xB000  }
0x31f: {  	[tilespmem:s1], [sflag:$0x1] =	stream.indirect.gather [hbm4b:s5+s6], $0x10, s25, s6, $0xb8;
	[tilespmem:$0x16800] =	vst v63  }
0x320: {  	s25 =	sld [smem:$0x7E9];
	s1 =	simm.s32 $0xB800  }
0x321: {  	[tilespmem:s1], [sflag:$0x1] =	stream.indirect.gather [hbm4b:s5+s6], $0x10, s24, s6, $0xb8;
	[tilespmem:$0x16800] =	vst v63  }
0x322: {  	s24 =	sld [smem:$0x7EA];
	s1 =	simm.s32 $0xC000  }
0x323: {  	[tilespmem:s1], [sflag:$0x1] =	stream.indirect.gather [hbm4b:s5+s6], $0x10, s25, s6, $0xb8;
	[tilespmem:$0x16800] =	vst v63  }
0x324: {  	s25 =	sld [smem:$0x7EB];
	s1 =	simm.s32 $0xC800  }
0x325: {  	[tilespmem:s1], [sflag:$0x1] =	stream.indirect.gather [hbm4b:s5+s6], $0x10, s24, s6, $0xb8;
	[tilespmem:$0x16800] =	vst v63  }
0x326: {  	s24 =	sld [smem:$0x7EC];
	s1 =	simm.s32 $0xD000  }
0x327: {  	[tilespmem:s1], [sflag:$0x1] =	stream.indirect.gather [hbm4b:s5+s6], $0x10, s25, s6, $0xb8;
	[tilespmem:$0x16800] =	vst v63  }
0x328: {  	s25 =	sld [smem:$0x7ED];
	s1 =	simm.s32 $0xD800  }
0x329: {  	[tilespmem:s1], [sflag:$0x1] =	stream.indirect.gather [hbm4b:s5+s6], $0x10, s24, s6, $0xb8;
	[tilespmem:$0x16800] =	vst v63  }
0x32a: {  	s24 =	simm.s32 $0xE000  }
0x32b: {  	[tilespmem:s24], [sflag:$0x1] =	stream.indirect.gather [hbm4b:s5+s6], $0x10, s25, s6, $0xb8;
	[tilespmem:$0x16800] =	vst v63  }
0x32c: {  	_ =	swait.ge [sflag:s7], $0x800  }
0x32d: {  	[sflag:s7] =	ssyncset.done $0x0  }
0x32e: {  	[sflag:s7] =	ssyncadd.s32 $0xFFFFF800  }
0x32f: {  	_ =	swait.ge [sflag:s7], $0x800  }
0x330: {  	[sflag:s7] =	ssyncset.done $0x0  }
0x331: {  	[sflag:s7] =	ssyncadd.s32 $0xFFFFF800  }
0x332: {  	_ =	swait.ge [sflag:s7], $0x800  }
0x333: {  	[sflag:s7] =	ssyncset.done $0x0  }
0x334: {  	[sflag:s7] =	ssyncadd.s32 $0xFFFFF800  }
0x335: {  	_ =	swait.ge [sflag:s7], $0x800  }
0x336: {  	[sflag:s7] =	ssyncset.done $0x0  }
0x337: {  	[sflag:s7] =	ssyncadd.s32 $0xFFFFF800  }
0x338: {  	_ =	swait.ge [sflag:s7], $0x800  }
0x339: {  	[sflag:s7] =	ssyncset.done $0x0  }
0x33a: {  	[sflag:s7] =	ssyncadd.s32 $0xFFFFF800  }
0x33b: {  	_ =	swait.ge [sflag:s7], $0x800  }
0x33c: {  	[sflag:s7] =	ssyncset.done $0x0  }
0x33d: {  	[sflag:s7] =	ssyncadd.s32 $0xFFFFF800  }
0x33e: {  	_ =	swait.ge [sflag:s7], $0x800  }
0x33f: {  	[sflag:s7] =	ssyncset.done $0x0  }
0x340: {  	[sflag:s7] =	ssyncadd.s32 $0xFFFFF800  }
0x341: {  	_ =	swait.ge [sflag:s7], $0x800  }
0x342: {  	s24 =	sld [smem:$0x7EE]  }
0x343: {  	[sflag:s7] =	ssyncset.done $0x0  }
0x344: {  	s1 =	simm.s32 $0xE800;
	s25 =	sld [smem:$0x7EF];
	[sflag:s7] =	ssyncadd.s32 $0xFFFFF800  }
0x345: {  	[tilespmem:s1], [sflag:$0x1] =	stream.indirect.gather [hbm4b:s5+s6], $0x10, s24, s6, $0xb8;
	[tilespmem:$0x16800] =	vst v63  }
0x346: {  	s24 =	sld [smem:$0x7F0];
	s1 =	simm.s32 $0xF000  }
0x347: {  	[tilespmem:s1], [sflag:$0x1] =	stream.indirect.gather [hbm4b:s5+s6], $0x10, s25, s6, $0xb8;
	[tilespmem:$0x16800] =	vst v63  }
0x348: {  	s25 =	sld [smem:$0x7F1];
	s1 =	simm.s32 $0xF800  }
0x349: {  	[tilespmem:s1], [sflag:$0x1] =	stream.indirect.gather [hbm4b:s5+s6], $0x10, s24, s6, $0xb8;
	[tilespmem:$0x16800] =	vst v63  }
0x34a: {  	s24 =	sld [smem:$0x7F2]  }
0x34b: {  	[tilespmem:s3], [sflag:$0x1] =	stream.indirect.gather [hbm4b:s5+s6], $0x10, s25, s6, $0xb8;
	[tilespmem:$0x16800] =	vst v63  }
0x34c: {  	s1 =	sld [smem:$0x7F3]  }
0x34d: {  	[tilespmem:s2], [sflag:$0x1] =	stream.indirect.gather [hbm4b:s5+s6], $0x10, s24, s6, $0xb8;
	[tilespmem:$0x16800] =	vst v63  }
0x34e: {  	s24 =	sld [smem:$0x7F4]  }
0x34f: {  	[tilespmem:s4], [sflag:$0x1] =	stream.indirect.gather [hbm4b:s5+s6], $0x10, s1, s6, $0xb8;
	[tilespmem:$0x16800] =	vst v63  }
0x350: {  	s1 =	sld [smem:$0x7F5]  }
0x351: {  	[tilespmem:s31], [sflag:$0x1] =	stream.indirect.gather [hbm4b:s5+s6], $0x10, s24, s6, $0xb8;
	[tilespmem:$0x16800] =	vst v63  }
0x352: {  	_ = 	snop  }
0x353: {  	[tilespmem:s28], [sflag:$0x1] =	stream.indirect.gather [hbm4b:s5+s6], $0x10, s1, s6, $0xb8;
	[tilespmem:$0x16800] =	vst v63  }
0x354: {  	_ =	swait.ge [sflag:s7], $0x800  }
0x355: {  	[sflag:s7] =	ssyncset.done $0x0  }
0x356: {  	[sflag:s7] =	ssyncadd.s32 $0xFFFFF800  }
0x357: {  	_ =	swait.ge [sflag:s7], $0x800  }
0x358: {  	[sflag:s7] =	ssyncset.done $0x0  }
0x359: {  	[sflag:s7] =	ssyncadd.s32 $0xFFFFF800  }
0x35a: {  	_ =	swait.ge [sflag:s7], $0x800  }
0x35b: {  	[sflag:s7] =	ssyncset.done $0x0  }
0x35c: {  	[sflag:s7] =	ssyncadd.s32 $0xFFFFF800  }
0x35d: {  	_ =	swait.ge [sflag:s7], $0x800  }
0x35e: {  	[sflag:s7] =	ssyncset.done $0x0  }
0x35f: {  	[sflag:s7] =	ssyncadd.s32 $0xFFFFF800  }
0x360: {  	_ =	swait.ge [sflag:s7], $0x800  }
0x361: {  	[sflag:s7] =	ssyncset.done $0x0  }
0x362: {  	[sflag:s7] =	ssyncadd.s32 $0xFFFFF800  }
0x363: {  	_ =	swait.ge [sflag:s7], $0x800  }
0x364: {  	[sflag:s7] =	ssyncset.done $0x0  }
0x365: {  	[sflag:s7] =	ssyncadd.s32 $0xFFFFF800  }
0x366: {  	_ =	swait.ge [sflag:s7], $0x800  }
0x367: {  	[sflag:s7] =	ssyncset.done $0x0  }
0x368: {  	[sflag:s7] =	ssyncadd.s32 $0xFFFFF800  }
0x369: {  	_ =	swait.ge [sflag:s7], $0x800  }
0x36a: {  	s25 =	sld [smem:$0x7F6]  }
0x36b: {  	[sflag:s7] =	ssyncset.done $0x0  }
0x36c: {  	s1 =	sld [smem:$0x7F7];
	[sflag:s7] =	ssyncadd.s32 $0xFFFFF800  }
0x36d: {  	[tilespmem:s30], [sflag:$0x1] =	stream.indirect.gather [hbm4b:s5+s6], $0x10, s25, s6, $0xb8;
	[tilespmem:$0x16800] =	vst v63  }
0x36e: {  	s24 =	sld [smem:$0x7F8]  }
0x36f: {  	[tilespmem:s29], [sflag:$0x1] =	stream.indirect.gather [hbm4b:s5+s6], $0x10, s1, s6, $0xb8;
	[tilespmem:$0x16800] =	vst v63  }
0x370: {  	s1 =	sld [smem:$0x7F9]  }
0x371: {  	[tilespmem:s19], [sflag:$0x1] =	stream.indirect.gather [hbm4b:s5+s6], $0x10, s24, s6, $0xb8;
	[tilespmem:$0x16800] =	vst v63  }
0x372: {  	s24 =	sld [smem:$0x7FA]  }
0x373: {  	[tilespmem:s20], [sflag:$0x1] =	stream.indirect.gather [hbm4b:s5+s6], $0x10, s1, s6, $0xb8;
	[tilespmem:$0x16800] =	vst v63  }
0x374: {  	s1 =	sld [smem:$0x7FB]  }
0x375: {  	[tilespmem:s21], [sflag:$0x1] =	stream.indirect.gather [hbm4b:s5+s6], $0x10, s24, s6, $0xb8;
	[tilespmem:$0x16800] =	vst v63  }
0x376: {  	s24 =	sld [smem:$0x7FC]  }
0x377: {  	[tilespmem:s22], [sflag:$0x1] =	stream.indirect.gather [hbm4b:s5+s6], $0x10, s1, s6, $0xb8;
	[tilespmem:$0x16800] =	vst v63  }
0x378: {  	s25 =	sld [smem:$0x7FD];
	s1 =	simm.s32 $0x15800  }
0x379: {  	[tilespmem:s1], [sflag:$0x1] =	stream.indirect.gather [hbm4b:s5+s6], $0x10, s24, s6, $0xb8;
	[tilespmem:$0x16800] =	vst v63  }
0x37a: {  	_ = 	snop  }
0x37b: {  	[tilespmem:s26], [sflag:$0x1] =	stream.indirect.gather [hbm4b:s5+s6], $0x10, s25, s6, $0xb8;
	[tilespmem:$0x16800] =	vst v63  }
0x37c: {  	_ =	swait.ge [sflag:s7], $0x800  }
0x37d: {  	[sflag:s7] =	ssyncset.done $0x0  }
0x37e: {  	[sflag:s7] =	ssyncadd.s32 $0xFFFFF800  }
0x37f: {  	_ =	swait.ge [sflag:s7], $0x800  }
0x380: {  	[sflag:s7] =	ssyncset.done $0x0  }
0x381: {  	[sflag:s7] =	ssyncadd.s32 $0xFFFFF800  }
0x382: {  	_ =	swait.ge [sflag:s7], $0x800  }
0x383: {  	[sflag:s7] =	ssyncset.done $0x0  }
0x384: {  	[sflag:s7] =	ssyncadd.s32 $0xFFFFF800  }
0x385: {  	_ =	swait.ge [sflag:s7], $0x800  }
0x386: {  	[sflag:s7] =	ssyncset.done $0x0  }
0x387: {  	[sflag:s7] =	ssyncadd.s32 $0xFFFFF800  }
0x388: {  	_ =	swait.ge [sflag:s7], $0x800  }
0x389: {  	[sflag:s7] =	ssyncset.done $0x0  }
0x38a: {  	[sflag:s7] =	ssyncadd.s32 $0xFFFFF800  }
0x38b: {  	_ =	swait.ge [sflag:s7], $0x800  }
0x38c: {  	[sflag:s7] =	ssyncset.done $0x0  }
0x38d: {  	[sflag:s7] =	ssyncadd.s32 $0xFFFFF800  }
0x38e: {  	_ =	swait.ge [sflag:s7], $0x800  }
0x38f: {  	[sflag:s7] =	ssyncset.done $0x0  }
0x390: {  	[sflag:s7] =	ssyncadd.s32 $0xFFFFF800  }
0x391: {  	p1 =	sne.s32 s23, $0x1;
	s0 =	simm.s32 $0x2800;
	_ =	swait.ge [sflag:s7], $0x800  }
.Ltmp2:
0x392: {  	s3 =	simm.s32 $0x2;
	[sflag:s7] =	ssyncset.done $0x0;
	(pc) =	sbr.rel @p1 .LBB2_3-.Ltmp2, $4  }
0x393: {  	s2 =	simm.s32 $0x0;
	s26 =	rddreg [dreg:$0x5];
	[sflag:s7] =	ssyncadd.s32 $0xFFFFF800  }
0x394: {  	[hbm4b:s26+s2] =	stream.linear.scatter [tilespmem:s0], [sflag:$0x2], $0x14000, $0x38;
	[tilespmem:$0x16800] =	vst v63  }
0x395: {  	_ =	swait.ge [sflag:s3], $0x14000  }
0x396: {  	s23 =	sadd.s32 $0xFFFFFFFF, s23;
	s24 =	rddreg [dreg:$0x2];
	[sflag:s3] =	ssyncset.done $0x0  }
0x397: {  	s0 =	simm.s32 $0x13000;
	s8 =	simm.s32 $0x12800;
	s9 =	simm.s32 $0x11800  }
0x398: {  	s10 =	simm.s32 $0x12000;
	s11 =	simm.s32 $0x11000;
	s12 =	simm.s32 $0x10800  }
0x399: {  	s13 =	simm.s32 $0x10000;
	s14 =	simm.s32 $0xF800;
	s15 =	simm.s32 $0xF000  }
0x39a: {  	s16 =	simm.s32 $0xE800;
	s17 =	simm.s32 $0xD800;
	s18 =	simm.s32 $0xE000  }
0x39b: {  	s19 =	simm.s32 $0xD000;
	s20 =	simm.s32 $0xC800;
	s21 =	simm.s32 $0xA800  }
0x39c: {  	s22 =	simm.s32 $0xC000;
	s1 =	simm.s32 $0xB800;
	s25 =	simm.s32 $0xB000  }
0x39d: {  	s26 =	simm.s32 $0x6800;
	s29 =	simm.s32 $0x7000;
	s30 =	simm.s32 $0x7800  }
0x39e: {  	s28 =	simm.s32 $0x8000;
	s4 =	simm.s32 $0x8800;
	s31 =	simm.s32 $0x2800  }
.LBB2_5:
0x39f: {  	[sflag:s3] =	ssyncadd.s32 @p0 $0xFFFEC000  }
0x3a0: {  	[tilespmem:s2], [sflag:$0x2] =	stream.linear.gather [hbm4b:s24+s2], $0x1400, $0x38;
	[tilespmem:$0x16800] =	vst v63  }
0x3a1: {  	_ =	swait.ge [sflag:s3], $0x1400  }
0x3a2: {  	[sflag:s3] =	ssyncset.done $0x0  }
0x3a3: {  	s24 =	simm.s32 $0x1400;
	s23 =	rddreg [dreg:$0x3];
	[sflag:s3] =	ssyncadd.s32 $0xFFFFEC00  }
0x3a4: {  	[tilespmem:s24], [sflag:$0x2] =	stream.linear.gather [hbm4b:s23+s2], $0x1400, $0x38;
	[tilespmem:$0x16800] =	vst v63  }
0x3a5: {  	_ =	swait.ge [sflag:s3], $0x1400  }
0x3a6: {  	[sflag:s3] =	ssyncset.done $0x0  }
0x3a7: {  	[sflag:s3] =	ssyncadd.s32 $0xFFFFEC00  }
0x3a8: {  	[tilespmem:s31], [sflag:$0x1] =	stream.indirect.gather [hbm4b:s5+s6], $0x10, s2, s6, $0xb8;
	[tilespmem:$0x16800] =	vst v63  }
0x3a9: {  	s31 =	simm.s32 $0x3000  }
0x3aa: {  	[tilespmem:s31], [sflag:$0x1] =	stream.indirect.gather [hbm4b:s5+s6], $0x10, s6, s6, $0xb8;
	[tilespmem:$0x16800] =	vst v63  }
0x3ab: {  	s23 =	rddreg [dreg:$0x6];
	s31 =	simm.s32 $0x3800  }
0x3ac: {  	[tilespmem:s31], [sflag:$0x1] =	stream.indirect.gather [hbm4b:s5+s6], $0x10, s23, s6, $0xb8;
	[tilespmem:$0x16800] =	vst v63  }
0x3ad: {  	s24 =	rddreg [dreg:$0x7];
	s31 =	simm.s32 $0x4000  }
0x3ae: {  	[tilespmem:s31], [sflag:$0x1] =	stream.indirect.gather [hbm4b:s5+s6], $0x10, s24, s6, $0xb8;
	[tilespmem:$0x16800] =	vst v63  }
0x3af: {  	s23 =	rddreg [dreg:$0x8];
	s31 =	simm.s32 $0x4800  }
0x3b0: {  	[tilespmem:s31], [sflag:$0x1] =	stream.indirect.gather [hbm4b:s5+s6], $0x10, s23, s6, $0xb8;
	[tilespmem:$0x16800] =	vst v63  }
0x3b1: {  	s24 =	rddreg [dreg:$0x9];
	s31 =	simm.s32 $0x5000  }
0x3b2: {  	[tilespmem:s31], [sflag:$0x1] =	stream.indirect.gather [hbm4b:s5+s6], $0x10, s24, s6, $0xb8;
	[tilespmem:$0x16800] =	vst v63  }
0x3b3: {  	s23 =	rddreg [dreg:$0xa];
	s31 =	simm.s32 $0x5800  }
0x3b4: {  	[tilespmem:s31], [sflag:$0x1] =	stream.indirect.gather [hbm4b:s5+s6], $0x10, s23, s6, $0xb8;
	[tilespmem:$0x16800] =	vst v63  }
0x3b5: {  	s24 =	rddreg [dreg:$0xb];
	s31 =	simm.s32 $0x6000  }
0x3b6: {  	[tilespmem:s31], [sflag:$0x1] =	stream.indirect.gather [hbm4b:s5+s6], $0x10, s24, s6, $0xb8;
	[tilespmem:$0x16800] =	vst v63  }
0x3b7: {  	_ =	swait.ge [sflag:s7], $0x800  }
0x3b8: {  	[sflag:s7] =	ssyncset.done $0x0  }
0x3b9: {  	[sflag:s7] =	ssyncadd.s32 $0xFFFFF800  }
0x3ba: {  	_ =	swait.ge [sflag:s7], $0x800  }
0x3bb: {  	[sflag:s7] =	ssyncset.done $0x0  }
0x3bc: {  	[sflag:s7] =	ssyncadd.s32 $0xFFFFF800  }
0x3bd: {  	_ =	swait.ge [sflag:s7], $0x800  }
0x3be: {  	[sflag:s7] =	ssyncset.done $0x0  }
0x3bf: {  	[sflag:s7] =	ssyncadd.s32 $0xFFFFF800  }
0x3c0: {  	_ =	swait.ge [sflag:s7], $0x800  }
0x3c1: {  	[sflag:s7] =	ssyncset.done $0x0  }
0x3c2: {  	[sflag:s7] =	ssyncadd.s32 $0xFFFFF800  }
0x3c3: {  	_ =	swait.ge [sflag:s7], $0x800  }
0x3c4: {  	[sflag:s7] =	ssyncset.done $0x0  }
0x3c5: {  	[sflag:s7] =	ssyncadd.s32 $0xFFFFF800  }
0x3c6: {  	_ =	swait.ge [sflag:s7], $0x800  }
0x3c7: {  	[sflag:s7] =	ssyncset.done $0x0  }
0x3c8: {  	[sflag:s7] =	ssyncadd.s32 $0xFFFFF800  }
0x3c9: {  	_ =	swait.ge [sflag:s7], $0x800  }
0x3ca: {  	[sflag:s7] =	ssyncset.done $0x0  }
0x3cb: {  	[sflag:s7] =	ssyncadd.s32 $0xFFFFF800  }
0x3cc: {  	_ =	swait.ge [sflag:s7], $0x800  }
0x3cd: {  	[sflag:s7] =	ssyncset.done $0x0  }
0x3ce: {  	s23 =	rddreg [dreg:$0xc];
	[sflag:s7] =	ssyncadd.s32 $0xFFFFF800  }
0x3cf: {  	[tilespmem:s26], [sflag:$0x1] =	stream.indirect.gather [hbm4b:s5+s6], $0x10, s23, s6, $0xb8;
	[tilespmem:$0x16800] =	vst v63  }
0x3d0: {  	s24 =	rddreg [dreg:$0xd]  }
0x3d1: {  	[tilespmem:s29], [sflag:$0x1] =	stream.indirect.gather [hbm4b:s5+s6], $0x10, s24, s6, $0xb8;
	[tilespmem:$0x16800] =	vst v63  }
0x3d2: {  	s26 =	rddreg [dreg:$0xe]  }
0x3d3: {  	[tilespmem:s30], [sflag:$0x1] =	stream.indirect.gather [hbm4b:s5+s6], $0x10, s26, s6, $0xb8;
	[tilespmem:$0x16800] =	vst v63  }
0x3d4: {  	s29 =	rddreg [dreg:$0xf]  }
0x3d5: {  	[tilespmem:s28], [sflag:$0x1] =	stream.indirect.gather [hbm4b:s5+s6], $0x10, s29, s6, $0xb8;
	[tilespmem:$0x16800] =	vst v63  }
0x3d6: {  	s26 =	rddreg [dreg:$0x10]  }
0x3d7: {  	[tilespmem:s4], [sflag:$0x1] =	stream.indirect.gather [hbm4b:s5+s6], $0x10, s26, s6, $0xb8;
	[tilespmem:$0x16800] =	vst v63  }
0x3d8: {  	s30 =	simm.s32 $0x9000;
	s28 =	rddreg [dreg:$0x11]  }
0x3d9: {  	[tilespmem:s30], [sflag:$0x1] =	stream.indirect.gather [hbm4b:s5+s6], $0x10, s28, s6, $0xb8;
	[tilespmem:$0x16800] =	vst v63  }
0x3da: {  	s29 =	rddreg [dreg:$0x12];
	s28 =	simm.s32 $0x9800  }
0x3db: {  	[tilespmem:s28], [sflag:$0x1] =	stream.indirect.gather [hbm4b:s5+s6], $0x10, s29, s6, $0xb8;
	[tilespmem:$0x16800] =	vst v63  }
0x3dc: {  	s26 =	rddreg [dreg:$0x13];
	s29 =	simm.s32 $0xA000  }
0x3dd: {  	[tilespmem:s29], [sflag:$0x1] =	stream.indirect.gather [hbm4b:s5+s6], $0x10, s26, s6, $0xb8;
	[tilespmem:$0x16800] =	vst v63  }
0x3de: {  	_ =	swait.ge [sflag:s7], $0x800  }
0x3df: {  	[sflag:s7] =	ssyncset.done $0x0  }
0x3e0: {  	[sflag:s7] =	ssyncadd.s32 $0xFFFFF800  }
0x3e1: {  	_ =	swait.ge [sflag:s7], $0x800  }
0x3e2: {  	[sflag:s7] =	ssyncset.done $0x0  }
0x3e3: {  	[sflag:s7] =	ssyncadd.s32 $0xFFFFF800  }
0x3e4: {  	_ =	swait.ge [sflag:s7], $0x800  }
0x3e5: {  	[sflag:s7] =	ssyncset.done $0x0  }
0x3e6: {  	[sflag:s7] =	ssyncadd.s32 $0xFFFFF800  }
0x3e7: {  	_ =	swait.ge [sflag:s7], $0x800  }
0x3e8: {  	[sflag:s7] =	ssyncset.done $0x0  }
0x3e9: {  	[sflag:s7] =	ssyncadd.s32 $0xFFFFF800  }
0x3ea: {  	_ =	swait.ge [sflag:s7], $0x800  }
0x3eb: {  	[sflag:s7] =	ssyncset.done $0x0  }
0x3ec: {  	[sflag:s7] =	ssyncadd.s32 $0xFFFFF800  }
0x3ed: {  	_ =	swait.ge [sflag:s7], $0x800  }
0x3ee: {  	[sflag:s7] =	ssyncset.done $0x0  }
0x3ef: {  	[sflag:s7] =	ssyncadd.s32 $0xFFFFF800  }
0x3f0: {  	_ =	swait.ge [sflag:s7], $0x800  }
0x3f1: {  	[sflag:s7] =	ssyncset.done $0x0  }
0x3f2: {  	[sflag:s7] =	ssyncadd.s32 $0xFFFFF800  }
0x3f3: {  	_ =	swait.ge [sflag:s7], $0x800  }
0x3f4: {  	[sflag:s7] =	ssyncset.done $0x0  }
0x3f5: {  	s30 =	rddreg [dreg:$0x14];
	[sflag:s7] =	ssyncadd.s32 $0xFFFFF800  }
0x3f6: {  	[tilespmem:s21], [sflag:$0x1] =	stream.indirect.gather [hbm4b:s5+s6], $0x10, s30, s6, $0xb8;
	[tilespmem:$0x16800] =	vst v63  }
0x3f7: {  	s4 =	rddreg [dreg:$0x15]  }
0x3f8: {  	[tilespmem:s25], [sflag:$0x1] =	stream.indirect.gather [hbm4b:s5+s6], $0x10, s4, s6, $0xb8;
	[tilespmem:$0x16800] =	vst v63  }
0x3f9: {  	s21 =	rddreg [dreg:$0x16]  }
0x3fa: {  	[tilespmem:s1], [sflag:$0x1] =	stream.indirect.gather [hbm4b:s5+s6], $0x10, s21, s6, $0xb8;
	[tilespmem:$0x16800] =	vst v63  }
0x3fb: {  	s25 =	rddreg [dreg:$0x17]  }
0x3fc: {  	[tilespmem:s22], [sflag:$0x1] =	stream.indirect.gather [hbm4b:s5+s6], $0x10, s25, s6, $0xb8;
	[tilespmem:$0x16800] =	vst v63  }
0x3fd: {  	s26 =	rddreg [dreg:$0x18]  }
0x3fe: {  	[tilespmem:s20], [sflag:$0x1] =	stream.indirect.gather [hbm4b:s5+s6], $0x10, s26, s6, $0xb8;
	[tilespmem:$0x16800] =	vst v63  }
0x3ff: {  	s28 =	rddreg [dreg:$0x19]  }
0x400: {  	[tilespmem:s19], [sflag:$0x1] =	stream.indirect.gather [hbm4b:s5+s6], $0x10, s28, s6, $0xb8;
	[tilespmem:$0x16800] =	vst v63  }
0x401: {  	s29 =	rddreg [dreg:$0x1a]  }
0x402: {  	[tilespmem:s17], [sflag:$0x1] =	stream.indirect.gather [hbm4b:s5+s6], $0x10, s29, s6, $0xb8;
	[tilespmem:$0x16800] =	vst v63  }
0x403: {  	s30 =	rddreg [dreg:$0x1b]  }
0x404: {  	[tilespmem:s18], [sflag:$0x1] =	stream.indirect.gather [hbm4b:s5+s6], $0x10, s30, s6, $0xb8;
	[tilespmem:$0x16800] =	vst v63  }
0x405: {  	_ =	swait.ge [sflag:s7], $0x800  }
0x406: {  	[sflag:s7] =	ssyncset.done $0x0  }
0x407: {  	[sflag:s7] =	ssyncadd.s32 $0xFFFFF800  }
0x408: {  	_ =	swait.ge [sflag:s7], $0x800  }
0x409: {  	[sflag:s7] =	ssyncset.done $0x0  }
0x40a: {  	[sflag:s7] =	ssyncadd.s32 $0xFFFFF800  }
0x40b: {  	_ =	swait.ge [sflag:s7], $0x800  }
0x40c: {  	[sflag:s7] =	ssyncset.done $0x0  }
0x40d: {  	[sflag:s7] =	ssyncadd.s32 $0xFFFFF800  }
0x40e: {  	_ =	swait.ge [sflag:s7], $0x800  }
0x40f: {  	[sflag:s7] =	ssyncset.done $0x0  }
0x410: {  	[sflag:s7] =	ssyncadd.s32 $0xFFFFF800  }
0x411: {  	_ =	swait.ge [sflag:s7], $0x800  }
0x412: {  	[sflag:s7] =	ssyncset.done $0x0  }
0x413: {  	[sflag:s7] =	ssyncadd.s32 $0xFFFFF800  }
0x414: {  	_ =	swait.ge [sflag:s7], $0x800  }
0x415: {  	[sflag:s7] =	ssyncset.done $0x0  }
0x416: {  	[sflag:s7] =	ssyncadd.s32 $0xFFFFF800  }
0x417: {  	_ =	swait.ge [sflag:s7], $0x800  }
0x418: {  	[sflag:s7] =	ssyncset.done $0x0  }
0x419: {  	[sflag:s7] =	ssyncadd.s32 $0xFFFFF800  }
0x41a: {  	_ =	swait.ge [sflag:s7], $0x800  }
0x41b: {  	s1 =	rddreg [dreg:$0x1c];
	[sflag:s7] =	ssyncset.done $0x0  }
0x41c: {  	s4 =	rddreg [dreg:$0x1d];
	[sflag:s7] =	ssyncadd.s32 $0xFFFFF800  }
0x41d: {  	[tilespmem:s16], [sflag:$0x1] =	stream.indirect.gather [hbm4b:s5+s6], $0x10, s1, s6, $0xb8;
	[tilespmem:$0x16800] =	vst v63  }
0x41e: {  	s17 =	rddreg [dreg:$0x1e]  }
0x41f: {  	[tilespmem:s15], [sflag:$0x1] =	stream.indirect.gather [hbm4b:s5+s6], $0x10, s4, s6, $0xb8;
	[tilespmem:$0x16800] =	vst v63  }
0x420: {  	s18 =	rddreg [dreg:$0x1f]  }
0x421: {  	[tilespmem:s14], [sflag:$0x1] =	stream.indirect.gather [hbm4b:s5+s6], $0x10, s17, s6, $0xb8;
	[tilespmem:$0x16800] =	vst v63  }
0x422: {  	s19 =	sld [smem:$0x7CB]  }
0x423: {  	[tilespmem:s13], [sflag:$0x1] =	stream.indirect.gather [hbm4b:s5+s6], $0x10, s18, s6, $0xb8;
	[tilespmem:$0x16800] =	vst v63  }
0x424: {  	s20 =	sld [smem:$0x7CC]  }
0x425: {  	[tilespmem:s12], [sflag:$0x1] =	stream.indirect.gather [hbm4b:s5+s6], $0x10, s19, s6, $0xb8;
	[tilespmem:$0x16800] =	vst v63  }
0x426: {  	s21 =	sld [smem:$0x7CD]  }
0x427: {  	[tilespmem:s11], [sflag:$0x1] =	stream.indirect.gather [hbm4b:s5+s6], $0x10, s20, s6, $0xb8;
	[tilespmem:$0x16800] =	vst v63  }
0x428: {  	s22 =	sld [smem:$0x7CE]  }
0x429: {  	[tilespmem:s9], [sflag:$0x1] =	stream.indirect.gather [hbm4b:s5+s6], $0x10, s21, s6, $0xb8;
	[tilespmem:$0x16800] =	vst v63  }
0x42a: {  	_ = 	snop  }
0x42b: {  	[tilespmem:s10], [sflag:$0x1] =	stream.indirect.gather [hbm4b:s5+s6], $0x10, s22, s6, $0xb8;
	[tilespmem:$0x16800] =	vst v63  }
0x42c: {  	_ =	swait.ge [sflag:s7], $0x800  }
0x42d: {  	[sflag:s7] =	ssyncset.done $0x0  }
0x42e: {  	[sflag:s7] =	ssyncadd.s32 $0xFFFFF800  }
0x42f: {  	_ =	swait.ge [sflag:s7], $0x800  }
0x430: {  	[sflag:s7] =	ssyncset.done $0x0  }
0x431: {  	[sflag:s7] =	ssyncadd.s32 $0xFFFFF800  }
0x432: {  	_ =	swait.ge [sflag:s7], $0x800  }
0x433: {  	[sflag:s7] =	ssyncset.done $0x0  }
0x434: {  	[sflag:s7] =	ssyncadd.s32 $0xFFFFF800  }
0x435: {  	_ =	swait.ge [sflag:s7], $0x800  }
0x436: {  	[sflag:s7] =	ssyncset.done $0x0  }
0x437: {  	[sflag:s7] =	ssyncadd.s32 $0xFFFFF800  }
0x438: {  	_ =	swait.ge [sflag:s7], $0x800  }
0x439: {  	[sflag:s7] =	ssyncset.done $0x0  }
0x43a: {  	[sflag:s7] =	ssyncadd.s32 $0xFFFFF800  }
0x43b: {  	_ =	swait.ge [sflag:s7], $0x800  }
0x43c: {  	[sflag:s7] =	ssyncset.done $0x0  }
0x43d: {  	[sflag:s7] =	ssyncadd.s32 $0xFFFFF800  }
0x43e: {  	_ =	swait.ge [sflag:s7], $0x800  }
0x43f: {  	[sflag:s7] =	ssyncset.done $0x0  }
0x440: {  	[sflag:s7] =	ssyncadd.s32 $0xFFFFF800  }
0x441: {  	_ =	swait.ge [sflag:s7], $0x800  }
0x442: {  	s24 =	sld [smem:$0x7CF]  }
0x443: {  	[sflag:s7] =	ssyncset.done $0x0  }
0x444: {  	s25 =	sld [smem:$0x7D0];
	[sflag:s7] =	ssyncadd.s32 $0xFFFFF800  }
0x445: {  	[tilespmem:s8], [sflag:$0x1] =	stream.indirect.gather [hbm4b:s5+s6], $0x10, s24, s6, $0xb8;
	[tilespmem:$0x16800] =	vst v63  }
0x446: {  	s26 =	sld [smem:$0x7D1]  }
0x447: {  	[tilespmem:s0], [sflag:$0x1] =	stream.indirect.gather [hbm4b:s5+s6], $0x10, s25, s6, $0xb8;
	[tilespmem:$0x16800] =	vst v63  }
0x448: {  	s28 =	sld [smem:$0x7D2];
	s25 =	simm.s32 $0x13800  }
0x449: {  	[tilespmem:s25], [sflag:$0x1] =	stream.indirect.gather [hbm4b:s5+s6], $0x10, s26, s6, $0xb8;
	[tilespmem:$0x16800] =	vst v63  }
0x44a: {  	s13 =	simm.s32 $0x14000;
	s29 =	sld [smem:$0x7D3]  }
0x44b: {  	[tilespmem:s13], [sflag:$0x1] =	stream.indirect.gather [hbm4b:s5+s6], $0x10, s28, s6, $0xb8;
	[tilespmem:$0x16800] =	vst v63  }
0x44c: {  	s30 =	simm.s32 $0x14800;
	s0 =	sld [smem:$0x7D4]  }
0x44d: {  	[tilespmem:s30], [sflag:$0x1] =	stream.indirect.gather [hbm4b:s5+s6], $0x10, s29, s6, $0xb8;
	[tilespmem:$0x16800] =	vst v63  }
0x44e: {  	s14 =	sld [smem:$0x7D5];
	s29 =	simm.s32 $0x15000  }
0x44f: {  	[tilespmem:s29], [sflag:$0x1] =	stream.indirect.gather [hbm4b:s5+s6], $0x10, s0, s6, $0xb8;
	[tilespmem:$0x16800] =	vst v63  }
0x450: {  	s16 =	sld [smem:$0x7D6];
	s26 =	simm.s32 $0x15800  }
0x451: {  	[tilespmem:s26], [sflag:$0x1] =	stream.indirect.gather [hbm4b:s5+s6], $0x10, s14, s6, $0xb8;
	[tilespmem:$0x16800] =	vst v63  }
0x452: {  	s28 =	simm.s32 $0x16000  }
0x453: {  	[tilespmem:s28], [sflag:$0x1] =	stream.indirect.gather [hbm4b:s5+s6], $0x10, s16, s6, $0xb8;
	[tilespmem:$0x16800] =	vst v63  }
0x454: {  	_ =	swait.ge [sflag:s7], $0x800  }
0x455: {  	[sflag:s7] =	ssyncset.done $0x0  }
0x456: {  	[sflag:s7] =	ssyncadd.s32 $0xFFFFF800  }
0x457: {  	_ =	swait.ge [sflag:s7], $0x800  }
0x458: {  	[sflag:s7] =	ssyncset.done $0x0  }
0x459: {  	[sflag:s7] =	ssyncadd.s32 $0xFFFFF800  }
0x45a: {  	_ =	swait.ge [sflag:s7], $0x800  }
0x45b: {  	[sflag:s7] =	ssyncset.done $0x0  }
0x45c: {  	[sflag:s7] =	ssyncadd.s32 $0xFFFFF800  }
0x45d: {  	_ =	swait.ge [sflag:s7], $0x800  }
0x45e: {  	[sflag:s7] =	ssyncset.done $0x0  }
0x45f: {  	[sflag:s7] =	ssyncadd.s32 $0xFFFFF800  }
0x460: {  	_ =	swait.ge [sflag:s7], $0x800  }
0x461: {  	[sflag:s7] =	ssyncset.done $0x0  }
0x462: {  	[sflag:s7] =	ssyncadd.s32 $0xFFFFF800  }
0x463: {  	_ =	swait.ge [sflag:s7], $0x800  }
0x464: {  	[sflag:s7] =	ssyncset.done $0x0  }
0x465: {  	[sflag:s7] =	ssyncadd.s32 $0xFFFFF800  }
0x466: {  	_ =	swait.ge [sflag:s7], $0x800  }
0x467: {  	[sflag:s7] =	ssyncset.done $0x0  }
0x468: {  	[sflag:s7] =	ssyncadd.s32 $0xFFFFF800  }
0x469: {  	_ =	swait.ge [sflag:s7], $0x800  }
0x46a: {  	[sflag:s7] =	ssyncset.done $0x0  }
0x46b: {  	s10 =	simm.s32 $0x2800;
	s14 =	rddreg [dreg:$0x4];
	[sflag:s7] =	ssyncadd.s32 $0xFFFFF800  }
0x46c: {  	[hbm4b:s14+s2] =	stream.linear.scatter [tilespmem:s10], [sflag:$0x2], $0x14000, $0x38;
	[tilespmem:$0x16800] =	vst v63  }
0x46d: {  	_ =	swait.ge [sflag:s3], $0x14000  }
0x46e: {  	[sflag:s3] =	ssyncset.done $0x0  }
0x46f: {  	s16 =	simm.s32 $0x1400;
	s23 =	sld [smem:$0x7D7];
	[sflag:s3] =	ssyncadd.s32 $0xFFFEC000  }
0x470: {  	[tilespmem:s10], [sflag:$0x1] =	stream.indirect.gather [hbm4b:s5+s6], $0x10, s16, s6, $0xb8;
	[tilespmem:$0x16800] =	vst v63  }
0x471: {  	s24 =	simm.s32 $0x3000;
	s14 =	sld [smem:$0x7D8]  }
0x472: {  	[tilespmem:s24], [sflag:$0x1] =	stream.indirect.gather [hbm4b:s5+s6], $0x10, s23, s6, $0xb8;
	[tilespmem:$0x16800] =	vst v63  }
0x473: {  	s16 =	sld [smem:$0x7D9];
	s24 =	simm.s32 $0x3800  }
0x474: {  	[tilespmem:s24], [sflag:$0x1] =	stream.indirect.gather [hbm4b:s5+s6], $0x10, s14, s6, $0xb8;
	[tilespmem:$0x16800] =	vst v63  }
0x475: {  	s14 =	sld [smem:$0x7DA];
	s24 =	simm.s32 $0x4000  }
0x476: {  	[tilespmem:s24], [sflag:$0x1] =	stream.indirect.gather [hbm4b:s5+s6], $0x10, s16, s6, $0xb8;
	[tilespmem:$0x16800] =	vst v63  }
0x477: {  	s16 =	sld [smem:$0x7DB];
	s24 =	simm.s32 $0x4800  }
0x478: {  	[tilespmem:s24], [sflag:$0x1] =	stream.indirect.gather [hbm4b:s5+s6], $0x10, s14, s6, $0xb8;
	[tilespmem:$0x16800] =	vst v63  }
0x479: {  	s14 =	sld [smem:$0x7DC];
	s24 =	simm.s32 $0x5000  }
0x47a: {  	[tilespmem:s24], [sflag:$0x1] =	stream.indirect.gather [hbm4b:s5+s6], $0x10, s16, s6, $0xb8;
	[tilespmem:$0x16800] =	vst v63  }
0x47b: {  	s16 =	sld [smem:$0x7DD];
	s24 =	simm.s32 $0x5800  }
0x47c: {  	[tilespmem:s24], [sflag:$0x1] =	stream.indirect.gather [hbm4b:s5+s6], $0x10, s14, s6, $0xb8;
	[tilespmem:$0x16800] =	vst v63  }
0x47d: {  	s31 =	simm.s32 $0x6000  }
0x47e: {  	[tilespmem:s31], [sflag:$0x1] =	stream.indirect.gather [hbm4b:s5+s6], $0x10, s16, s6, $0xb8;
	[tilespmem:$0x16800] =	vst v63  }
0x47f: {  	_ =	swait.ge [sflag:s7], $0x800  }
0x480: {  	[sflag:s7] =	ssyncset.done $0x0  }
0x481: {  	[sflag:s7] =	ssyncadd.s32 $0xFFFFF800  }
0x482: {  	_ =	swait.ge [sflag:s7], $0x800  }
0x483: {  	[sflag:s7] =	ssyncset.done $0x0  }
0x484: {  	[sflag:s7] =	ssyncadd.s32 $0xFFFFF800  }
0x485: {  	_ =	swait.ge [sflag:s7], $0x800  }
0x486: {  	[sflag:s7] =	ssyncset.done $0x0  }
0x487: {  	[sflag:s7] =	ssyncadd.s32 $0xFFFFF800  }
0x488: {  	_ =	swait.ge [sflag:s7], $0x800  }
0x489: {  	[sflag:s7] =	ssyncset.done $0x0  }
0x48a: {  	[sflag:s7] =	ssyncadd.s32 $0xFFFFF800  }
0x48b: {  	_ =	swait.ge [sflag:s7], $0x800  }
0x48c: {  	[sflag:s7] =	ssyncset.done $0x0  }
0x48d: {  	[sflag:s7] =	ssyncadd.s32 $0xFFFFF800  }
0x48e: {  	_ =	swait.ge [sflag:s7], $0x800  }
0x48f: {  	[sflag:s7] =	ssyncset.done $0x0  }
0x490: {  	[sflag:s7] =	ssyncadd.s32 $0xFFFFF800  }
0x491: {  	_ =	swait.ge [sflag:s7], $0x800  }
0x492: {  	[sflag:s7] =	ssyncset.done $0x0  }
0x493: {  	[sflag:s7] =	ssyncadd.s32 $0xFFFFF800  }
0x494: {  	_ =	swait.ge [sflag:s7], $0x800  }
0x495: {  	s24 =	sld [smem:$0x7DE]  }
0x496: {  	[sflag:s7] =	ssyncset.done $0x0  }
0x497: {  	s0 =	simm.s32 $0x6800;
	s31 =	sld [smem:$0x7DF];
	[sflag:s7] =	ssyncadd.s32 $0xFFFFF800  }
0x498: {  	[tilespmem:s0], [sflag:$0x1] =	stream.indirect.gather [hbm4b:s5+s6], $0x10, s24, s6, $0xb8;
	[tilespmem:$0x16800] =	vst v63  }
0x499: {  	s8 =	simm.s32 $0x7000;
	s23 =	sld [smem:$0x7E0]  }
0x49a: {  	[tilespmem:s8], [sflag:$0x1] =	stream.indirect.gather [hbm4b:s5+s6], $0x10, s31, s6, $0xb8;
	[tilespmem:$0x16800] =	vst v63  }
0x49b: {  	s1 =	simm.s32 $0x7800;
	s24 =	sld [smem:$0x7E1]  }
0x49c: {  	[tilespmem:s1], [sflag:$0x1] =	stream.indirect.gather [hbm4b:s5+s6], $0x10, s23, s6, $0xb8;
	[tilespmem:$0x16800] =	vst v63  }
0x49d: {  	s9 =	simm.s32 $0x8000;
	s31 =	sld [smem:$0x7E2]  }
0x49e: {  	[tilespmem:s9], [sflag:$0x1] =	stream.indirect.gather [hbm4b:s5+s6], $0x10, s24, s6, $0xb8;
	[tilespmem:$0x16800] =	vst v63  }
0x49f: {  	s4 =	simm.s32 $0x8800;
	s1 =	sld [smem:$0x7E3]  }
0x4a0: {  	[tilespmem:s4], [sflag:$0x1] =	stream.indirect.gather [hbm4b:s5+s6], $0x10, s31, s6, $0xb8;
	[tilespmem:$0x16800] =	vst v63  }
0x4a1: {  	s14 =	simm.s32 $0x9000;
	s9 =	sld [smem:$0x7E4]  }
0x4a2: {  	[tilespmem:s14], [sflag:$0x1] =	stream.indirect.gather [hbm4b:s5+s6], $0x10, s1, s6, $0xb8;
	[tilespmem:$0x16800] =	vst v63  }
0x4a3: {  	s16 =	sld [smem:$0x7E5];
	s23 =	simm.s32 $0x9800  }
0x4a4: {  	[tilespmem:s23], [sflag:$0x1] =	stream.indirect.gather [hbm4b:s5+s6], $0x10, s9, s6, $0xb8;
	[tilespmem:$0x16800] =	vst v63  }
0x4a5: {  	s24 =	simm.s32 $0xA000  }
0x4a6: {  	[tilespmem:s24], [sflag:$0x1] =	stream.indirect.gather [hbm4b:s5+s6], $0x10, s16, s6, $0xb8;
	[tilespmem:$0x16800] =	vst v63  }
0x4a7: {  	_ =	swait.ge [sflag:s7], $0x800  }
0x4a8: {  	[sflag:s7] =	ssyncset.done $0x0  }
0x4a9: {  	[sflag:s7] =	ssyncadd.s32 $0xFFFFF800  }
0x4aa: {  	_ =	swait.ge [sflag:s7], $0x800  }
0x4ab: {  	[sflag:s7] =	ssyncset.done $0x0  }
0x4ac: {  	[sflag:s7] =	ssyncadd.s32 $0xFFFFF800  }
0x4ad: {  	_ =	swait.ge [sflag:s7], $0x800  }
0x4ae: {  	[sflag:s7] =	ssyncset.done $0x0  }
0x4af: {  	[sflag:s7] =	ssyncadd.s32 $0xFFFFF800  }
0x4b0: {  	_ =	swait.ge [sflag:s7], $0x800  }
0x4b1: {  	[sflag:s7] =	ssyncset.done $0x0  }
0x4b2: {  	[sflag:s7] =	ssyncadd.s32 $0xFFFFF800  }
0x4b3: {  	_ =	swait.ge [sflag:s7], $0x800  }
0x4b4: {  	[sflag:s7] =	ssyncset.done $0x0  }
0x4b5: {  	[sflag:s7] =	ssyncadd.s32 $0xFFFFF800  }
0x4b6: {  	_ =	swait.ge [sflag:s7], $0x800  }
0x4b7: {  	[sflag:s7] =	ssyncset.done $0x0  }
0x4b8: {  	[sflag:s7] =	ssyncadd.s32 $0xFFFFF800  }
0x4b9: {  	_ =	swait.ge [sflag:s7], $0x800  }
0x4ba: {  	[sflag:s7] =	ssyncset.done $0x0  }
0x4bb: {  	[sflag:s7] =	ssyncadd.s32 $0xFFFFF800  }
0x4bc: {  	_ =	swait.ge [sflag:s7], $0x800  }
0x4bd: {  	s31 =	sld [smem:$0x7E6]  }
0x4be: {  	[sflag:s7] =	ssyncset.done $0x0  }
0x4bf: {  	s11 =	simm.s32 $0xA800;
	s1 =	sld [smem:$0x7E7];
	[sflag:s7] =	ssyncadd.s32 $0xFFFFF800  }
0x4c0: {  	[tilespmem:s11], [sflag:$0x1] =	stream.indirect.gather [hbm4b:s5+s6], $0x10, s31, s6, $0xb8;
	[tilespmem:$0x16800] =	vst v63  }
0x4c1: {  	s12 =	simm.s32 $0xB000;
	s4 =	sld [smem:$0x7E8]  }
0x4c2: {  	[tilespmem:s12], [sflag:$0x1] =	stream.indirect.gather [hbm4b:s5+s6], $0x10, s1, s6, $0xb8;
	[tilespmem:$0x16800] =	vst v63  }
0x4c3: {  	s22 =	simm.s32 $0xB800;
	s9 =	sld [smem:$0x7E9]  }
0x4c4: {  	[tilespmem:s22], [sflag:$0x1] =	stream.indirect.gather [hbm4b:s5+s6], $0x10, s4, s6, $0xb8;
	[tilespmem:$0x16800] =	vst v63  }
0x4c5: {  	s21 =	simm.s32 $0xC000;
	s11 =	sld [smem:$0x7EA]  }
0x4c6: {  	[tilespmem:s21], [sflag:$0x1] =	stream.indirect.gather [hbm4b:s5+s6], $0x10, s9, s6, $0xb8;
	[tilespmem:$0x16800] =	vst v63  }
0x4c7: {  	s20 =	simm.s32 $0xC800;
	s12 =	sld [smem:$0x7EB]  }
0x4c8: {  	[tilespmem:s20], [sflag:$0x1] =	stream.indirect.gather [hbm4b:s5+s6], $0x10, s11, s6, $0xb8;
	[tilespmem:$0x16800] =	vst v63  }
0x4c9: {  	s19 =	simm.s32 $0xD000;
	s14 =	sld [smem:$0x7EC]  }
0x4ca: {  	[tilespmem:s19], [sflag:$0x1] =	stream.indirect.gather [hbm4b:s5+s6], $0x10, s12, s6, $0xb8;
	[tilespmem:$0x16800] =	vst v63  }
0x4cb: {  	s17 =	simm.s32 $0xD800;
	s16 =	sld [smem:$0x7ED]  }
0x4cc: {  	[tilespmem:s17], [sflag:$0x1] =	stream.indirect.gather [hbm4b:s5+s6], $0x10, s14, s6, $0xb8;
	[tilespmem:$0x16800] =	vst v63  }
0x4cd: {  	s18 =	simm.s32 $0xE000  }
0x4ce: {  	[tilespmem:s18], [sflag:$0x1] =	stream.indirect.gather [hbm4b:s5+s6], $0x10, s16, s6, $0xb8;
	[tilespmem:$0x16800] =	vst v63  }
0x4cf: {  	_ =	swait.ge [sflag:s7], $0x800  }
0x4d0: {  	[sflag:s7] =	ssyncset.done $0x0  }
0x4d1: {  	[sflag:s7] =	ssyncadd.s32 $0xFFFFF800  }
0x4d2: {  	_ =	swait.ge [sflag:s7], $0x800  }
0x4d3: {  	[sflag:s7] =	ssyncset.done $0x0  }
0x4d4: {  	[sflag:s7] =	ssyncadd.s32 $0xFFFFF800  }
0x4d5: {  	_ =	swait.ge [sflag:s7], $0x800  }
0x4d6: {  	[sflag:s7] =	ssyncset.done $0x0  }
0x4d7: {  	[sflag:s7] =	ssyncadd.s32 $0xFFFFF800  }
0x4d8: {  	_ =	swait.ge [sflag:s7], $0x800  }
0x4d9: {  	[sflag:s7] =	ssyncset.done $0x0  }
0x4da: {  	[sflag:s7] =	ssyncadd.s32 $0xFFFFF800  }
0x4db: {  	_ =	swait.ge [sflag:s7], $0x800  }
0x4dc: {  	[sflag:s7] =	ssyncset.done $0x0  }
0x4dd: {  	[sflag:s7] =	ssyncadd.s32 $0xFFFFF800  }
0x4de: {  	_ =	swait.ge [sflag:s7], $0x800  }
0x4df: {  	[sflag:s7] =	ssyncset.done $0x0  }
0x4e0: {  	[sflag:s7] =	ssyncadd.s32 $0xFFFFF800  }
0x4e1: {  	_ =	swait.ge [sflag:s7], $0x800  }
0x4e2: {  	[sflag:s7] =	ssyncset.done $0x0  }
0x4e3: {  	[sflag:s7] =	ssyncadd.s32 $0xFFFFF800  }
0x4e4: {  	_ =	swait.ge [sflag:s7], $0x800  }
0x4e5: {  	s18 =	sld [smem:$0x7EE]  }
0x4e6: {  	[sflag:s7] =	ssyncset.done $0x0  }
0x4e7: {  	s15 =	simm.s32 $0xE800;
	s19 =	sld [smem:$0x7EF];
	[sflag:s7] =	ssyncadd.s32 $0xFFFFF800  }
0x4e8: {  	[tilespmem:s15], [sflag:$0x1] =	stream.indirect.gather [hbm4b:s5+s6], $0x10, s18, s6, $0xb8;
	[tilespmem:$0x16800] =	vst v63  }
0x4e9: {  	s21 =	simm.s32 $0xF000;
	s20 =	sld [smem:$0x7F0]  }
0x4ea: {  	[tilespmem:s21], [sflag:$0x1] =	stream.indirect.gather [hbm4b:s5+s6], $0x10, s19, s6, $0xb8;
	[tilespmem:$0x16800] =	vst v63  }
0x4eb: {  	s23 =	simm.s32 $0xF800;
	s22 =	sld [smem:$0x7F1]  }
0x4ec: {  	[tilespmem:s23], [sflag:$0x1] =	stream.indirect.gather [hbm4b:s5+s6], $0x10, s20, s6, $0xb8;
	[tilespmem:$0x16800] =	vst v63  }
0x4ed: {  	s31 =	simm.s32 $0x10000;
	s24 =	sld [smem:$0x7F2]  }
0x4ee: {  	[tilespmem:s31], [sflag:$0x1] =	stream.indirect.gather [hbm4b:s5+s6], $0x10, s22, s6, $0xb8;
	[tilespmem:$0x16800] =	vst v63  }
0x4ef: {  	s9 =	simm.s32 $0x10800;
	s8 =	sld [smem:$0x7F3]  }
0x4f0: {  	[tilespmem:s9], [sflag:$0x1] =	stream.indirect.gather [hbm4b:s5+s6], $0x10, s24, s6, $0xb8;
	[tilespmem:$0x16800] =	vst v63  }
0x4f1: {  	s12 =	simm.s32 $0x11000;
	s11 =	sld [smem:$0x7F4]  }
0x4f2: {  	[tilespmem:s12], [sflag:$0x1] =	stream.indirect.gather [hbm4b:s5+s6], $0x10, s8, s6, $0xb8;
	[tilespmem:$0x16800] =	vst v63  }
0x4f3: {  	s14 =	sld [smem:$0x7F5];
	s15 =	simm.s32 $0x11800  }
0x4f4: {  	[tilespmem:s15], [sflag:$0x1] =	stream.indirect.gather [hbm4b:s5+s6], $0x10, s11, s6, $0xb8;
	[tilespmem:$0x16800] =	vst v63  }
0x4f5: {  	s16 =	simm.s32 $0x12000  }
0x4f6: {  	[tilespmem:s16], [sflag:$0x1] =	stream.indirect.gather [hbm4b:s5+s6], $0x10, s14, s6, $0xb8;
	[tilespmem:$0x16800] =	vst v63  }
0x4f7: {  	_ =	swait.ge [sflag:s7], $0x800  }
0x4f8: {  	[sflag:s7] =	ssyncset.done $0x0  }
0x4f9: {  	[sflag:s7] =	ssyncadd.s32 $0xFFFFF800  }
0x4fa: {  	_ =	swait.ge [sflag:s7], $0x800  }
0x4fb: {  	[sflag:s7] =	ssyncset.done $0x0  }
0x4fc: {  	[sflag:s7] =	ssyncadd.s32 $0xFFFFF800  }
0x4fd: {  	_ =	swait.ge [sflag:s7], $0x800  }
0x4fe: {  	[sflag:s7] =	ssyncset.done $0x0  }
0x4ff: {  	[sflag:s7] =	ssyncadd.s32 $0xFFFFF800  }
0x500: {  	_ =	swait.ge [sflag:s7], $0x800  }
0x501: {  	[sflag:s7] =	ssyncset.done $0x0  }
0x502: {  	[sflag:s7] =	ssyncadd.s32 $0xFFFFF800  }
0x503: {  	_ =	swait.ge [sflag:s7], $0x800  }
0x504: {  	[sflag:s7] =	ssyncset.done $0x0  }
0x505: {  	[sflag:s7] =	ssyncadd.s32 $0xFFFFF800  }
0x506: {  	_ =	swait.ge [sflag:s7], $0x800  }
0x507: {  	[sflag:s7] =	ssyncset.done $0x0  }
0x508: {  	[sflag:s7] =	ssyncadd.s32 $0xFFFFF800  }
0x509: {  	_ =	swait.ge [sflag:s7], $0x800  }
0x50a: {  	[sflag:s7] =	ssyncset.done $0x0  }
0x50b: {  	[sflag:s7] =	ssyncadd.s32 $0xFFFFF800  }
0x50c: {  	_ =	swait.ge [sflag:s7], $0x800  }
0x50d: {  	s17 =	sld [smem:$0x7F6]  }
0x50e: {  	[sflag:s7] =	ssyncset.done $0x0  }
0x50f: {  	s19 =	simm.s32 $0x12800;
	s18 =	sld [smem:$0x7F7];
	[sflag:s7] =	ssyncadd.s32 $0xFFFFF800  }
0x510: {  	[tilespmem:s19], [sflag:$0x1] =	stream.indirect.gather [hbm4b:s5+s6], $0x10, s17, s6, $0xb8;
	[tilespmem:$0x16800] =	vst v63  }
0x511: {  	s21 =	simm.s32 $0x13000;
	s20 =	sld [smem:$0x7F8]  }
0x512: {  	[tilespmem:s21], [sflag:$0x1] =	stream.indirect.gather [hbm4b:s5+s6], $0x10, s18, s6, $0xb8;
	[tilespmem:$0x16800] =	vst v63  }
0x513: {  	s22 =	sld [smem:$0x7F9]  }
0x514: {  	[tilespmem:s25], [sflag:$0x1] =	stream.indirect.gather [hbm4b:s5+s6], $0x10, s20, s6, $0xb8;
	[tilespmem:$0x16800] =	vst v63  }
0x515: {  	s23 =	sld [smem:$0x7FA]  }
0x516: {  	[tilespmem:s13], [sflag:$0x1] =	stream.indirect.gather [hbm4b:s5+s6], $0x10, s22, s6, $0xb8;
	[tilespmem:$0x16800] =	vst v63  }
0x517: {  	s24 =	sld [smem:$0x7FB]  }
0x518: {  	[tilespmem:s30], [sflag:$0x1] =	stream.indirect.gather [hbm4b:s5+s6], $0x10, s23, s6, $0xb8;
	[tilespmem:$0x16800] =	vst v63  }
0x519: {  	s25 =	sld [smem:$0x7FC]  }
0x51a: {  	[tilespmem:s29], [sflag:$0x1] =	stream.indirect.gather [hbm4b:s5+s6], $0x10, s24, s6, $0xb8;
	[tilespmem:$0x16800] =	vst v63  }
0x51b: {  	s29 =	sld [smem:$0x7FD]  }
0x51c: {  	[tilespmem:s26], [sflag:$0x1] =	stream.indirect.gather [hbm4b:s5+s6], $0x10, s25, s6, $0xb8;
	[tilespmem:$0x16800] =	vst v63  }
0x51d: {  	_ = 	snop  }
0x51e: {  	[tilespmem:s28], [sflag:$0x1] =	stream.indirect.gather [hbm4b:s5+s6], $0x10, s29, s6, $0xb8;
	[tilespmem:$0x16800] =	vst v63  }
0x51f: {  	_ =	swait.ge [sflag:s7], $0x800  }
0x520: {  	[sflag:s7] =	ssyncset.done $0x0  }
0x521: {  	[sflag:s7] =	ssyncadd.s32 $0xFFFFF800  }
0x522: {  	_ =	swait.ge [sflag:s7], $0x800  }
0x523: {  	[sflag:s7] =	ssyncset.done $0x0  }
0x524: {  	[sflag:s7] =	ssyncadd.s32 $0xFFFFF800  }
0x525: {  	_ =	swait.ge [sflag:s7], $0x800  }
0x526: {  	[sflag:s7] =	ssyncset.done $0x0  }
0x527: {  	[sflag:s7] =	ssyncadd.s32 $0xFFFFF800  }
0x528: {  	_ =	swait.ge [sflag:s7], $0x800  }
0x529: {  	[sflag:s7] =	ssyncset.done $0x0  }
0x52a: {  	[sflag:s7] =	ssyncadd.s32 $0xFFFFF800  }
0x52b: {  	_ =	swait.ge [sflag:s7], $0x800  }
0x52c: {  	[sflag:s7] =	ssyncset.done $0x0  }
0x52d: {  	[sflag:s7] =	ssyncadd.s32 $0xFFFFF800  }
0x52e: {  	_ =	swait.ge [sflag:s7], $0x800  }
0x52f: {  	[sflag:s7] =	ssyncset.done $0x0  }
0x530: {  	[sflag:s7] =	ssyncadd.s32 $0xFFFFF800  }
0x531: {  	_ =	swait.ge [sflag:s7], $0x800  }
0x532: {  	[sflag:s7] =	ssyncset.done $0x0  }
0x533: {  	[sflag:s7] =	ssyncadd.s32 $0xFFFFF800  }
0x534: {  	_ =	swait.ge [sflag:s7], $0x800  }
0x535: {  	[sflag:s7] =	ssyncset.done $0x0  }
0x536: {  	s30 =	rddreg [dreg:$0x5];
	[sflag:s7] =	ssyncadd.s32 $0xFFFFF800  }
0x537: {  	[hbm4b:s30+s2] =	stream.linear.scatter [tilespmem:s10], [sflag:$0x2], $0x14000, $0x38;
	[tilespmem:$0x16800] =	vst v63  }
0x538: {  	_ =	swait.ge [sflag:s3], $0x14000  }
0x539: {  	[sflag:s3] =	ssyncset.done $0x0  }
0x53a: {  	[sflag:s3] =	ssyncadd.s32 $0xFFFEC000  }
0x53b: {  	_ =	sfence.sel $0x180000  }
0x53c: {  	[bflag:$0x0] =	sbarrier.arrive $0xFFFF  }
0x53d: {  	_ =	strace $0x90000047  }
0x53e: {  	s31 =	stileid.u32;
	[bflag:$0x2] =	sbarrier.arrive $0xFFFF  }
0x53f: {  	p0 =	sne.s32 s31, $0x0;
	s0 =	rddreg [dreg:$0x1]  }
0x540: {  	s0 =	sadd.s32 @!p0 $0x100000, s0  }
0x541: {  	[sflag:s0] =	ssyncadd.tile.s32 @!p0 $0x1;
	_ =	shalt  }
.LBB2_6:
0x542: {  	s0 =	simm.s32 $0x13000  }
0x543: {  	s8 =	simm.s32 $0x12800;
	s9 =	simm.s32 $0x11800;
	s10 =	simm.s32 $0x12000  }
0x544: {  	s11 =	simm.s32 $0x11000;
	s12 =	simm.s32 $0x10800;
	s13 =	simm.s32 $0x10000  }
0x545: {  	s14 =	simm.s32 $0xF800;
	s15 =	simm.s32 $0xF000;
	s16 =	simm.s32 $0xE800  }
.Ltmp3:
0x546: {  	s17 =	simm.s32 $0xD800;
	s18 =	simm.s32 $0xE000;
	(pc) =	sbr.rel .LBB2_5-.Ltmp3, $4  }
0x547: {  	s19 =	simm.s32 $0xD000;
	s20 =	simm.s32 $0xC800;
	s21 =	simm.s32 $0xA800  }
0x548: {  	s22 =	simm.s32 $0xC000;
	s1 =	simm.s32 $0xB800;
	s25 =	simm.s32 $0xB000  }
0x549: {  	s26 =	simm.s32 $0x6800;
	s29 =	simm.s32 $0x7000;
	s30 =	simm.s32 $0x7800  }
0x54a: {  	s28 =	simm.s32 $0x8000;
	s4 =	simm.s32 $0x8800;
	s31 =	simm.s32 $0x2800  }
.Lfunc_end2:
_tile_overlayer_lowered:
.L_overlay_start_2:
0x54b: {  	(tag) =	ssettag $0x2  }
0x54c: {  	s0 =	rddreg [dreg:$0x0];
	s2 =	stileid.u32  }
0x54d: {  	s1 =	rddreg [dreg:$0x1];
	p0 =	sne.s32 s2, $0x0  }
0x54e: {  	s3 =	rddreg [dreg:$0x2];
	[bflag:$0x3] =	sbarrier.arrive $0xFFFF;
	s2 =	simm.s32 @!p0 $0x1C02  }
0x54f: {  	[timem:s3], [sflag:s2] =	dma.local @!p0 [hbm:s0], s1  }
0x550: {  	s0 =	simm.s32 @!p0 $0x2  }
0x551: {  	_ =	swait.ge @!p0 [sflag:s0], s1  }
0x552: {  	s1 =	ssub.s32 @!p0 $0x0, s1;
	[sflag:s0] =	ssyncset.done @!p0 $0x0  }
0x553: {  	[sflag:s0] =	ssyncadd.s32 @!p0 s1  }
0x554: {  	[bflag:$0x3] =	sbarrier.arrive $0xFFFF  }
0x555: {  	_ =	shalt  }

// kernel: kernel.9.cloned.1.call-start
scs
__scs_entry_jumppad:
0x0: {  	(pc) =	sbr.rel $0x88, $3  }
0x1: {  	(tag) =	ssettag $0x0;
	lr =	simm.s32 $0x1  }
0x2: {  	[smem:$0x3F90] =	sst lr;
	_ =	strace $0xD0000000  }
0x3: {  	_ = 	snop  }
0x4: {  	_ = 	snop  }
0x5: {  	_ = 	snop  }
0x6: {  	_ = 	snop  }
0x7: {  	_ = 	snop  }
__scs_overlays_trampoline_lowered:
0x8: {  	[smem:$0x3F9F] =	sst s0  }
0x9: {  	[smem:$0x3FA0] =	sst s1  }
0xa: {  	[smem:$0x3FA1] =	sst s2  }
0xb: {  	[smem:$0x3FA2] =	sst s3  }
0xc: {  	[smem:$0x3FA3] =	sst s4  }
0xd: {  	[smem:$0x3FA4] =	sst s5  }
0xe: {  	[smem:$0x3FA5] =	sst s6  }
0xf: {  	[smem:$0x3FA6] =	sst s7  }
0x10: {  	[smem:$0x3FA7] =	sst s8  }
0x11: {  	[smem:$0x3FA8] =	sst s9;
	s0 =	simm.s32 @!p0 $0x0  }
0x12: {  	s1 =	sld [smem:$0x3F8E];
	s0 =	simm.s32 @p0 $0x1  }
0x13: {  	[smem:$0x3FA9] =	sst s0;
	s0 =	simm.s32 @!p1 $0x0  }
0x14: {  	s2 =	sld [smem:$0x3F8D];
	s0 =	simm.s32 @p1 $0x1  }
0x15: {  	[smem:$0x3FAA] =	sst s0;
	s0 =	simm.s32 @!p2 $0x0  }
0x16: {  	s3 =	sld [smem:$0x3FDB];
	s0 =	simm.s32 @p2 $0x1  }
0x17: {  	s4 =	simm.s32 $0x1BF5;
	[smem:$0x3FAC] =	sst s0  }
0x18: {  	s0 =	sld [smem:$0x3F8F];
	_ =	swait.ge [sflag:s4], $0x0  }
0x19: {  	s7 =	sld [smem:$0x3F90]  }
0x1a: {  	s8 =	sadd.s32 $0xFFFFE003, lr  }
0x1b: {  	s9 =	sadd.s32 $0xFFFFFEF7, lr;
	s5 =	simm.s32 $0xFFFFFFFF;
	p2 =	slt.u32 s8, $0xFFFFF086  }
0x1c: {  	p1 =	slt.u32 s9, $0xF7A;
	s5 =	simm.s32 @!p2 $0x0  }
0x1d: {  	s5 =	simm.s32 @p1 $0x1;
	p0 =	seq.s32 s7, s2  }
0x1e: {  	s7 =	smul.u32 @!p0 $0xF7A, s2;
	p2 =	seq.s32 @!p0 s5, $0x0  }
0x1f: {  	s9 =	smul.u32 $0xF7A, s1;
	s8 =	simm.s32 @!p0 $0x1BF5;
	p2 =	por !p2, p0  }
0x20: {  	[sflag:s8] =	ssyncset.s32 @!p0 $0xFFFFF086;
	s6 =	sadd.s32 @!p0 s3, s7;
	s7 =	simm.s32 @!p0 $0x108  }
0x21: {  	s3 =	sadd.s32 s3, s9;
	s6 =	sadd.s32 @!p0 $0x88, s6;
	s7 =	simm.s32 @p2 $0x1082  }
0x22: {  	[simem:s7], [sflag:s8] =	dma.local @!p0 [hbm:s6], $0xF7A  }
0x23: {  	s9 =	sor.u32 $0xD0000000, s2;
	s6 =	simm.s32 $0x108;
	_ =	swait.ge @!p0 [sflag:s8], $0x0  }
0x24: {  	s3 =	sadd.s32 $0x88, s3;
	s6 =	simm.s32 @!p1 $0x1082;
	[sflag:s4] =	ssyncset.s32 $0xFFFFF086  }
0x25: {  	[simem:s6], [sflag:s4] =	dma.local [hbm:s3], $0xF7A  }
0x26: {  	[smem:$0x3F90] =	sst s1;
	(tag) =	ssettag s2;
	_ =	strace s9  }
0x27: {  	s1 =	sld [smem:$0x3FA0]  }
0x28: {  	s2 =	sld [smem:$0x3FA1]  }
0x29: {  	s4 =	sld [smem:$0x3FA3]  }
0x2a: {  	p0 =	seq.s32 s5, $0x0;
	s5 =	sld [smem:$0x3FA4]  }
0x2b: {  	s6 =	sld [smem:$0x3FA5]  }
0x2c: {  	s7 =	sld [smem:$0x3FA6]  }
0x2d: {  	s3 =	simm.s32 $0x108;
	s8 =	sld [smem:$0x3FA7]  }
0x2e: {  	s3 =	simm.s32 @!p0 $0x1082;
	s9 =	sld [smem:$0x3FA8]  }
0x2f: {  	lr =	sadd.s32 s0, s3;
	s0 =	sld [smem:$0x3F9F]  }
0x30: {  	s3 =	sld [smem:$0x3FA2]  }
0x31: {  	[smem:$0x3FAB] =	sst s10  }
0x32: {  	s10 =	sld [smem:$0x3FA9];
	_ =	sdelay $0x3  }
0x33: {  	p0 =	seq.s32 s10, $0x1;
	s10 =	sld [smem:$0x3FAB];
	_ =	sdelay $0x3  }
0x34: {  	[smem:$0x3FAB] =	sst s10  }
0x35: {  	s10 =	sld [smem:$0x3FAA];
	_ =	sdelay $0x3  }
0x36: {  	p1 =	seq.s32 s10, $0x1;
	s10 =	sld [smem:$0x3FAB];
	_ =	sdelay $0x3  }
0x37: {  	[smem:$0x3FAB] =	sst s10  }
0x38: {  	s10 =	sld [smem:$0x3FAC]  }
0x39: {  	_ = 	snop;
	(pc) =	sbr.ind lr, $3  }
0x3a: {  	_ = 	snop  }
0x3b: {  	_ = 	snop  }
0x3c: {  	p2 =	seq.s32 s10, $0x1;
	s10 =	sld [smem:$0x3FAB]  }
0x3d: {  	_ =	shalt  }
0x3e: {  	_ =	shalt  }
0x3f: {  	_ =	shalt  }
0x40: {  	_ =	shalt  }
0x41: {  	_ =	shalt  }
0x42: {  	_ =	shalt  }
0x43: {  	_ =	shalt  }
0x44: {  	_ =	shalt  }
0x45: {  	_ =	shalt  }
0x46: {  	_ =	shalt  }
0x47: {  	_ =	shalt  }
0x48: {  	_ =	shalt  }
0x49: {  	_ =	shalt  }
0x4a: {  	_ =	shalt  }
0x4b: {  	_ =	shalt  }
0x4c: {  	_ =	shalt  }
0x4d: {  	_ =	shalt  }
0x4e: {  	_ =	shalt  }
0x4f: {  	_ =	shalt  }
0x50: {  	_ =	shalt  }
0x51: {  	_ =	shalt  }
0x52: {  	_ =	shalt  }
0x53: {  	_ =	shalt  }
0x54: {  	_ =	shalt  }
0x55: {  	_ =	shalt  }
0x56: {  	_ =	shalt  }
0x57: {  	_ =	shalt  }
0x58: {  	_ =	shalt  }
0x59: {  	_ =	shalt  }
0x5a: {  	_ =	shalt  }
0x5b: {  	_ =	shalt  }
0x5c: {  	_ =	shalt  }
0x5d: {  	_ =	shalt  }
0x5e: {  	_ =	shalt  }
0x5f: {  	_ =	shalt  }
0x60: {  	_ =	shalt  }
0x61: {  	_ =	shalt  }
0x62: {  	_ =	shalt  }
0x63: {  	_ =	shalt  }
0x64: {  	_ =	shalt  }
0x65: {  	_ =	shalt  }
0x66: {  	_ =	shalt  }
0x67: {  	_ =	shalt  }
0x68: {  	_ =	shalt  }
0x69: {  	_ =	shalt  }
0x6a: {  	_ =	shalt  }
0x6b: {  	_ =	shalt  }
0x6c: {  	_ =	shalt  }
0x6d: {  	_ =	shalt  }
0x6e: {  	_ =	shalt  }
0x6f: {  	_ =	shalt  }
0x70: {  	_ =	shalt  }
0x71: {  	_ =	shalt  }
0x72: {  	_ =	shalt  }
0x73: {  	_ =	shalt  }
0x74: {  	_ =	shalt  }
0x75: {  	_ =	shalt  }
0x76: {  	_ =	shalt  }
0x77: {  	_ =	shalt  }
0x78: {  	_ =	shalt  }
0x79: {  	_ =	shalt  }
0x7a: {  	_ =	shalt  }
0x7b: {  	_ =	shalt  }
0x7c: {  	_ =	shalt  }
0x7d: {  	_ =	shalt  }
0x7e: {  	_ =	shalt  }
0x7f: {  	_ =	shalt  }
0x80: {  	_ =	shalt  }
0x81: {  	_ =	shalt  }
0x82: {  	_ =	shalt  }
0x83: {  	_ =	shalt  }
0x84: {  	_ =	shalt  }
0x85: {  	_ =	shalt  }
0x86: {  	_ =	shalt  }
0x87: {  	_ =	shalt  }
.Lfunc_end0:
.L_simem_size_0:
called_computation.1_lowered:
.L_overlay_start_0:
0x88: {  	s2 =	sld [smem:$0x3FD9]  }
0x89: {  	s3 =	sld [smem:$0x3FFE];
	_ =	sdelay $0x1  }
0x8a: {  	s1 =	srdreg.scid  }
0x8b: {  	s0 =	sand.u32 $0x1, s1  }
0x8c: {  	s16 =	sshll.u32 s0, $0xA;
	s2 =	sadd.s32 s3, s2  }
0x8d: {  	s2 =	sadd.s32 s2, s16  }
0x8e: {  	[smem:$0x3FB7] =	sst s2  }
0x8f: {  	_ = 	snop  }
0x90: {  	(tm) =	ssettm $0x1  }
0x91: {  	s17 =	sld [smem:$0x3FFB];
	_ =	sdelay $0x3  }
0x92: {  	_ =	strace s17  }
0x93: {  	s2 =	sld [smem:$0x3FFC];
	_ =	sdelay $0x3  }
0x94: {  	_ =	strace s2  }
0x95: {  	s2 =	sld [smem:$0x3FFD];
	_ =	sdelay $0x3  }
0x96: {  	_ =	strace s2  }
0x97: {  	_ =	strace $0x8FFFFFFF  }
0x98: {  	s18 =	sld [smem:$0x3FDB];
	_ =	sdelay $0x1  }
0x99: {  	s19 =	simm.s32 $_scs_section_size  }
0x9a: {  	s4 =	simm.s32 $_size__tile_overlayer_lowered;
	s5 =	simm.s32 $_tile_overlayer_lowered  }
0x9b: {  	s22 =	simm.s32 $0x1BFF;
	s21 =	sshll.u32 s5, $0x1;
	s2 =	sadd.s32 s19, s18  }
0x9c: {  	s6 =	simm.s32 $0x0;
	s20 =	sshll.u32 s4, $0x1;
	s4 =	sadd.s32 s21, s2  }
0x9d: {  	[timem:s6], [sflag:s22] =	dma.local [hbm:s4], s20  }
0x9e: {  	_ =	swait.ge [sflag:s22], s20  }
0x9f: {  	s3 =	ssub.s32 $0x0, s20;
	[sflag:s22] =	ssyncset.done $0x0  }
0xa0: {  	[sflag:s22] =	ssyncadd.s32 s3;
	_ =	sdelay $0x1  }
0xa1: {  	s23 =	simm.s32 $0x1B8B  }
0xa2: {  	_ =	swait.ge [sflag:s23], $0x1  }
0xa3: {  	[sflag:s23] =	ssyncset.done $0x0  }
0xa4: {  	s25 =	simm.s32 $0x1B8E;
	s24 =	sld [smem:$0x3FFE];
	[sflag:s23] =	ssyncadd.s32 $0xFFFFFFFF  }
0xa5: {  	s26 =	simm.s32 $execute0_lowered;
	[smem:$0x3FD2] =	sst s25  }
0xa6: {  	s4 =	sshll.u32 s26, $0x1;
	_ =	strace $0x80000049;
	[dreg:$0x1] =	wrdreg $0xFFFFFFFF  }
0xa7: {  	s28 =	simm.s32 $_size_execute0_lowered;
	s2 =	sadd.s32 s2, s4;
	[dreg:$0x0] =	wrdreg $0x0  }
0xa8: {  	s4 =	sshll.u32 s28, $0x1;
	[dreg:$0x2] =	wrdreg s2  }
0xa9: {  	[dreg:$0x3] =	wrdreg s4  }
0xaa: {  	[dreg:$0x4] =	wrdreg $0xC0  }
0xab: {  	_ =	task [dreg:s6], $0x5FFFF  }
0xac: {  	[dreg:$0x1] =	wrdreg $0xFFFFFFFF  }
0xad: {  	[dreg:$0x0] =	wrdreg $0x60  }
0xae: {  	[dreg:$0x2] =	wrdreg s24  }
0xaf: {  	[dreg:$0x3] =	wrdreg $0xE4000  }
0xb0: {  	[dreg:$0x4] =	wrdreg $0x9  }
0xb1: {  	_ =	task.clear_ibuf [dreg:s6], $0x5FFFF;
	_ =	strace $0x90000049  }
0xb2: {  	s29 =	simm.s32 $0x9;
	_ =	strace $0x8000004B  }
0xb3: {  	_ =	swait.ge [sflag:s29], $0x1  }
0xb4: {  	[sflag:s29] =	ssyncadd.s32 $0xFFFFFFFF  }
0xb5: {  	_ =	strace $0x9000004B  }
0xb6: {  	_ =	sfence  }
0xb7: {  	s30 =	sld [smem:$0x0];
	_ =	sdelay $0x2  }
0xb8: {  	s31 =	sshll.u32 s1, $0xD;
	s1 =	sshrl.u32 s1, $0x2  }
0xb9: {  	s3 =	sand.u32 $0x4000, s31;
	s1 =	sadd.s32 s1, s30  }
0xba: {  	s0 =	sor.u32 s3, s0;
	s1 =	sshll.u32 s1, $0x11  }
0xbb: {  	s0 =	sor.u32 s1, s0  }
0xbc: {  	s0 =	sadd.s32 $0x8F2B, s0  }
0xbd: {  	[sflag:s0] =	ssyncadd.remote.s32 $0x1  }
0xbe: {  	_ =	sfence.sel $0xFFFF  }
0xbf: {  	[dreg:$0x0] =	wrdreg $0xFFFFFFFF;
	(pc) =	sbr.abs _section_cstart, $3  }
0xc0: {  	[dreg:$0x1] =	wrdreg $0xFFFFFFFF  }
0xc1: {  	_ =	task.clear_ibuf [dreg:s6], $0x2FFFF;
	_ =	strace $0x9FFFFFFF  }
0xc2: {  	(tm) =	ssettm $0x7FFFFFFF  }
0xc3: {  	_ =	shalt  }
tec
execute0_lowered:
.L_overlay_start_1:
0x0: {  	(tag) =	ssettag $0x1  }
0x1: {  	s4 =	rddreg [dreg:$0x0];
	s1 =	srdreg.scid  }
0x2: {  	s0 =	stileid.u32;
	s2 =	rddreg [dreg:$0x1];
	s13 =	simm.s32 $0x1400  }
0x3: {  	s14 =	simm.s32 $0x80;
	s15 =	simm.s32 $0x2400;
	s16 =	simm.s32 $0x3400  }
0x4: {  	s17 =	simm.s32 $0x4400;
	s18 =	simm.s32 $0x5400;
	s19 =	simm.s32 $0x6400  }
0x5: {  	s20 =	simm.s32 $0x7400;
	s21 =	simm.s32 $0x8400;
	s6 =	smul.u32 $0x50000, s0  }
0x6: {  	s22 =	simm.s32 $0x1;
	s23 =	simm.s32 $0x9400;
	s28 =	smul.u32 $0x5000, s0  }
0x7: {  	s24 =	simm.s32 $0x0;
	s5 =	sand.u32 $0x1, s1;
	s9 =	smul.u32 $0xA00, s0  }
0x8: {  	s26 =	sshll.u32 s0, $0x1;
	s1 =	rddreg [dreg:$0x2];
	s7 =	smul.u32 $0x28000, s5  }
0x9: {  	s31 =	sshll.u32 s0, $0x6;
	s3 =	sor.u32 s5, s26;
	s29 =	smul.u32 $0xA000, s5  }
0xa: {  	s5 =	ssub.s32 $0x2, s5;
	s8 =	smul.u32 $0x280, s3;
	s3 =	simm.s32 $0x0  }
0xb: {  	s11 =	sshrl.u32 s28, $0x3;
	s30 =	sshrl.u32 s5, $0x1;
	s6 =	sadd.s32 s7, s6  }
0xc: {  	[smem:$0x7FF] =	sst s3;
	s11 =	sadd.s32 s11, s4;
	s6 =	sshrl.u32 s6, $0x3  }
0xd: {  	_ =	strace $0x8000004A;
	s8 =	sadd.s32 s8, s4;
	s10 =	sadd.s32 s6, s4  }
0xe: {  	s6 =	sadd.s32 s9, s29;
	s9 =	ssub.s32 s5, s30;
	s5 =	sadd.s32 $0xD6000, s11  }
0xf: {  	s7 =	sadd.s32 $0x31000, s8;
	s12 =	sadd.s32 s6, s4;
	s4 =	sadd.s32 s28, s2  }
0x10: {  	s6 =	sor.u32 $0x1C02, s31;
	s9 =	smax.u32 s9, $0x1;
	s10 =	sadd.s32 $0x36000, s10  }
0x11: {  	s8 =	sadd.s32 $0xE0000, s12;
	s11 =	sshrl.u32 s4, $0x3;
	s12 =	simm.s32 $0x2  }
.LBB2_1:
0x12: {  	[spmem:s11], [sflag:s6] =	dma.local [hbm:s5], $0xA00  }
0x13: {  	_ =	swait.ge [sflag:s12], $0xA00  }
0x14: {  	[sflag:s12] =	ssyncset.done $0x0  }
0x15: {  	[sflag:s12] =	ssyncadd.s32 $0xFFFFF600  }
0x16: {  	[bflag:$0x0] =	sbarrier.arrive $0xFFFF  }
0x17: {  	[tilespmem:s3], [sflag:$0x2] =	stream.linear.gather [hbm4b:s7+s3], $0x1400, $0x38;
	[tilespmem:$0x13400] =	vst v63  }
0x18: {  	_ =	swait.ge [sflag:s12], $0x1400  }
0x19: {  	[sflag:s12] =	ssyncset.done $0x0  }
0x1a: {  	s25 =	sadd.s32 $0x0, s10;
	[sflag:s12] =	ssyncadd.s32 $0xFFFFEC00  }
0x1b: {  	[tilespmem:s13], [sflag:$0x2] =	stream.linear.gather [hbm4b:s25+s3], $0x8000, $0x38;
	[tilespmem:$0x13400] =	vst v63  }
0x1c: {  	_ =	swait.ge [sflag:s12], $0x8000  }
0x1d: {  	[sflag:s12] =	ssyncset.done $0x0  }
0x1e: {  	s26 =	simm.s32 $0x0;
	[sflag:s12] =	ssyncadd.s32 $0xFFFF8000  }
0x1f: {  	[spmem:s2] =	stream.indirect.scatter.add.f32 [tilespmem:s13], [sflag:$0x1], $0x20, s26, s14, $0xb8;
	[tilespmem:$0x13400] =	vst v63  }
0x20: {  	s29 =	simm.s32 $0x80  }
0x21: {  	[spmem:s2] =	stream.indirect.scatter.add.f32 [tilespmem:s15], [sflag:$0x1], $0x20, s29, s14, $0xb8;
	[tilespmem:$0x13400] =	vst v63  }
0x22: {  	s30 =	simm.s32 $0x100  }
0x23: {  	[spmem:s2] =	stream.indirect.scatter.add.f32 [tilespmem:s16], [sflag:$0x1], $0x20, s30, s14, $0xb8;
	[tilespmem:$0x13400] =	vst v63  }
0x24: {  	s31 =	simm.s32 $0x180  }
0x25: {  	[spmem:s2] =	stream.indirect.scatter.add.f32 [tilespmem:s17], [sflag:$0x1], $0x20, s31, s14, $0xb8;
	[tilespmem:$0x13400] =	vst v63  }
0x26: {  	s26 =	simm.s32 $0x200  }
0x27: {  	[spmem:s2] =	stream.indirect.scatter.add.f32 [tilespmem:s18], [sflag:$0x1], $0x20, s26, s14, $0xb8;
	[tilespmem:$0x13400] =	vst v63  }
0x28: {  	s29 =	simm.s32 $0x280  }
0x29: {  	[spmem:s2] =	stream.indirect.scatter.add.f32 [tilespmem:s19], [sflag:$0x1], $0x20, s29, s14, $0xb8;
	[tilespmem:$0x13400] =	vst v63  }
0x2a: {  	s30 =	simm.s32 $0x300  }
0x2b: {  	[spmem:s2] =	stream.indirect.scatter.add.f32 [tilespmem:s20], [sflag:$0x1], $0x20, s30, s14, $0xb8;
	[tilespmem:$0x13400] =	vst v63  }
0x2c: {  	s31 =	simm.s32 $0x380  }
0x2d: {  	[spmem:s2] =	stream.indirect.scatter.add.f32 [tilespmem:s21], [sflag:$0x1], $0x20, s31, s14, $0xb8;
	[tilespmem:$0x13400] =	vst v63  }
0x2e: {  	_ =	swait.ge [sflag:s22], $0x1000  }
0x2f: {  	[sflag:s22] =	ssyncset.done $0x0  }
0x30: {  	[sflag:s22] =	ssyncadd.s32 $0xFFFFF000  }
0x31: {  	_ =	swait.ge [sflag:s22], $0x1000  }
0x32: {  	[sflag:s22] =	ssyncset.done $0x0  }
0x33: {  	[sflag:s22] =	ssyncadd.s32 $0xFFFFF000  }
0x34: {  	_ =	swait.ge [sflag:s22], $0x1000  }
0x35: {  	[sflag:s22] =	ssyncset.done $0x0  }
0x36: {  	[sflag:s22] =	ssyncadd.s32 $0xFFFFF000  }
0x37: {  	_ =	swait.ge [sflag:s22], $0x1000  }
0x38: {  	[sflag:s22] =	ssyncset.done $0x0  }
0x39: {  	[sflag:s22] =	ssyncadd.s32 $0xFFFFF000  }
0x3a: {  	_ =	swait.ge [sflag:s22], $0x1000  }
0x3b: {  	[sflag:s22] =	ssyncset.done $0x0  }
0x3c: {  	[sflag:s22] =	ssyncadd.s32 $0xFFFFF000  }
0x3d: {  	_ =	swait.ge [sflag:s22], $0x1000  }
0x3e: {  	[sflag:s22] =	ssyncset.done $0x0  }
0x3f: {  	[sflag:s22] =	ssyncadd.s32 $0xFFFFF000  }
0x40: {  	_ =	swait.ge [sflag:s22], $0x1000  }
0x41: {  	[sflag:s22] =	ssyncset.done $0x0  }
0x42: {  	[sflag:s22] =	ssyncadd.s32 $0xFFFFF000  }
0x43: {  	_ =	swait.ge [sflag:s22], $0x1000  }
0x44: {  	s28 =	simm.s32 $0x2000;
	s25 =	simm.s32 $0x1000;
	[sflag:s22] =	ssyncset.done $0x0  }
.LBB2_2:
0x45: {  	s29 =	sadd.s32 s25, s10  }
0x46: {  	[sflag:s22] =	ssyncadd.s32 $0xFFFFF000;
	s30 =	smov.u32 s28;
	s26 =	sadd.s32 $0x1000, s28  }
0x47: {  	[tilespmem:s13], [sflag:$0x2] =	stream.linear.gather [hbm4b:s29+s3], $0x8000, $0x38;
	[tilespmem:$0x13400] =	vst v63  }
0x48: {  	p0 =	sne.s32 s28, $0x4000;
	_ =	swait.ge [sflag:s12], $0x8000  }
0x49: {  	[sflag:s12] =	ssyncset.done $0x0  }
0x4a: {  	s28 =	sshra.s32 s25, $0x2;
	s25 =	smov.u32 s30;
	[sflag:s12] =	ssyncadd.s32 $0xFFFF8000  }
0x4b: {  	[spmem:s2] =	stream.indirect.scatter.add.f32 [tilespmem:s13], [sflag:$0x1], $0x20, s28, s14, $0xb8;
	[tilespmem:$0x13400] =	vst v63  }
0x4c: {  	s29 =	sadd.s32 $0x80, s28  }
0x4d: {  	[spmem:s2] =	stream.indirect.scatter.add.f32 [tilespmem:s15], [sflag:$0x1], $0x20, s29, s14, $0xb8;
	[tilespmem:$0x13400] =	vst v63  }
0x4e: {  	s29 =	sadd.s32 $0x100, s28  }
0x4f: {  	[spmem:s2] =	stream.indirect.scatter.add.f32 [tilespmem:s16], [sflag:$0x1], $0x20, s29, s14, $0xb8;
	[tilespmem:$0x13400] =	vst v63  }
0x50: {  	s29 =	sadd.s32 $0x180, s28  }
0x51: {  	[spmem:s2] =	stream.indirect.scatter.add.f32 [tilespmem:s17], [sflag:$0x1], $0x20, s29, s14, $0xb8;
	[tilespmem:$0x13400] =	vst v63  }
0x52: {  	s29 =	sadd.s32 $0x200, s28  }
0x53: {  	[spmem:s2] =	stream.indirect.scatter.add.f32 [tilespmem:s18], [sflag:$0x1], $0x20, s29, s14, $0xb8;
	[tilespmem:$0x13400] =	vst v63  }
0x54: {  	s29 =	sadd.s32 $0x280, s28  }
0x55: {  	[spmem:s2] =	stream.indirect.scatter.add.f32 [tilespmem:s19], [sflag:$0x1], $0x20, s29, s14, $0xb8;
	[tilespmem:$0x13400] =	vst v63  }
0x56: {  	s29 =	sadd.s32 $0x300, s28  }
0x57: {  	[spmem:s2] =	stream.indirect.scatter.add.f32 [tilespmem:s20], [sflag:$0x1], $0x20, s29, s14, $0xb8;
	[tilespmem:$0x13400] =	vst v63  }
0x58: {  	s28 =	sadd.s32 $0x380, s28  }
0x59: {  	[spmem:s2] =	stream.indirect.scatter.add.f32 [tilespmem:s21], [sflag:$0x1], $0x20, s28, s14, $0xb8;
	[tilespmem:$0x13400] =	vst v63  }
0x5a: {  	_ =	swait.ge [sflag:s22], $0x1000  }
0x5b: {  	[sflag:s22] =	ssyncset.done $0x0  }
0x5c: {  	[sflag:s22] =	ssyncadd.s32 $0xFFFFF000  }
0x5d: {  	_ =	swait.ge [sflag:s22], $0x1000  }
0x5e: {  	[sflag:s22] =	ssyncset.done $0x0  }
0x5f: {  	[sflag:s22] =	ssyncadd.s32 $0xFFFFF000  }
0x60: {  	_ =	swait.ge [sflag:s22], $0x1000  }
0x61: {  	[sflag:s22] =	ssyncset.done $0x0  }
0x62: {  	[sflag:s22] =	ssyncadd.s32 $0xFFFFF000  }
0x63: {  	_ =	swait.ge [sflag:s22], $0x1000  }
0x64: {  	[sflag:s22] =	ssyncset.done $0x0  }
0x65: {  	[sflag:s22] =	ssyncadd.s32 $0xFFFFF000  }
0x66: {  	_ =	swait.ge [sflag:s22], $0x1000  }
0x67: {  	[sflag:s22] =	ssyncset.done $0x0  }
0x68: {  	[sflag:s22] =	ssyncadd.s32 $0xFFFFF000  }
0x69: {  	_ =	swait.ge [sflag:s22], $0x1000  }
0x6a: {  	[sflag:s22] =	ssyncset.done $0x0  }
0x6b: {  	[sflag:s22] =	ssyncadd.s32 $0xFFFFF000  }
.Ltmp0:
0x6c: {  	_ =	swait.ge [sflag:s22], $0x1000;
	(pc) =	sbr.rel @p0 .LBB2_2-.Ltmp0, $4  }
0x6d: {  	[sflag:s22] =	ssyncset.done $0x0  }
0x6e: {  	[sflag:s22] =	ssyncadd.s32 $0xFFFFF000  }
0x6f: {  	_ =	swait.ge [sflag:s22], $0x1000  }
0x70: {  	s28 =	smov.u32 s26;
	[sflag:s22] =	ssyncset.done $0x0  }
0x71: {  	s26 =	sadd.s32 s25, s10;
	[sflag:s22] =	ssyncadd.s32 $0xFFFFF000  }
0x72: {  	[tilespmem:s13], [sflag:$0x2] =	stream.linear.gather [hbm4b:s26+s3], $0x8000, $0x38;
	[tilespmem:$0x13400] =	vst v63  }
0x73: {  	_ =	swait.ge [sflag:s12], $0x8000  }
0x74: {  	[sflag:s12] =	ssyncset.done $0x0  }
0x75: {  	s25 =	sshra.s32 s25, $0x2;
	[sflag:s12] =	ssyncadd.s32 $0xFFFF8000  }
0x76: {  	[spmem:s2] =	stream.indirect.scatter.add.f32 [tilespmem:s13], [sflag:$0x1], $0x20, s25, s14, $0xb8;
	[tilespmem:$0x13400] =	vst v63  }
0x77: {  	s30 =	sadd.s32 $0x80, s25  }
0x78: {  	[spmem:s2] =	stream.indirect.scatter.add.f32 [tilespmem:s15], [sflag:$0x1], $0x20, s30, s14, $0xb8;
	[tilespmem:$0x13400] =	vst v63  }
0x79: {  	s31 =	sadd.s32 $0x100, s25  }
0x7a: {  	[spmem:s2] =	stream.indirect.scatter.add.f32 [tilespmem:s16], [sflag:$0x1], $0x20, s31, s14, $0xb8;
	[tilespmem:$0x13400] =	vst v63  }
0x7b: {  	s28 =	sadd.s32 $0x180, s25  }
0x7c: {  	[spmem:s2] =	stream.indirect.scatter.add.f32 [tilespmem:s17], [sflag:$0x1], $0x20, s28, s14, $0xb8;
	[tilespmem:$0x13400] =	vst v63  }
0x7d: {  	s29 =	sadd.s32 $0x200, s25  }
0x7e: {  	[spmem:s2] =	stream.indirect.scatter.add.f32 [tilespmem:s18], [sflag:$0x1], $0x20, s29, s14, $0xb8;
	[tilespmem:$0x13400] =	vst v63  }
0x7f: {  	s30 =	sadd.s32 $0x280, s25  }
0x80: {  	[spmem:s2] =	stream.indirect.scatter.add.f32 [tilespmem:s19], [sflag:$0x1], $0x20, s30, s14, $0xb8;
	[tilespmem:$0x13400] =	vst v63  }
0x81: {  	s31 =	sadd.s32 $0x300, s25  }
0x82: {  	[spmem:s2] =	stream.indirect.scatter.add.f32 [tilespmem:s20], [sflag:$0x1], $0x20, s31, s14, $0xb8;
	[tilespmem:$0x13400] =	vst v63  }
0x83: {  	s25 =	sadd.s32 $0x380, s25  }
0x84: {  	[spmem:s2] =	stream.indirect.scatter.add.f32 [tilespmem:s21], [sflag:$0x1], $0x20, s25, s14, $0xb8;
	[tilespmem:$0x13400] =	vst v63  }
0x85: {  	_ =	swait.ge [sflag:s22], $0x1000  }
0x86: {  	[sflag:s22] =	ssyncset.done $0x0  }
0x87: {  	[sflag:s22] =	ssyncadd.s32 $0xFFFFF000  }
0x88: {  	_ =	swait.ge [sflag:s22], $0x1000  }
0x89: {  	[sflag:s22] =	ssyncset.done $0x0  }
0x8a: {  	[sflag:s22] =	ssyncadd.s32 $0xFFFFF000  }
0x8b: {  	_ =	swait.ge [sflag:s22], $0x1000  }
0x8c: {  	[sflag:s22] =	ssyncset.done $0x0  }
0x8d: {  	[sflag:s22] =	ssyncadd.s32 $0xFFFFF000  }
0x8e: {  	_ =	swait.ge [sflag:s22], $0x1000  }
0x8f: {  	[sflag:s22] =	ssyncset.done $0x0  }
0x90: {  	[sflag:s22] =	ssyncadd.s32 $0xFFFFF000  }
0x91: {  	_ =	swait.ge [sflag:s22], $0x1000  }
0x92: {  	[sflag:s22] =	ssyncset.done $0x0  }
0x93: {  	[sflag:s22] =	ssyncadd.s32 $0xFFFFF000  }
0x94: {  	_ =	swait.ge [sflag:s22], $0x1000  }
0x95: {  	[sflag:s22] =	ssyncset.done $0x0  }
0x96: {  	[sflag:s22] =	ssyncadd.s32 $0xFFFFF000  }
0x97: {  	_ =	swait.ge [sflag:s22], $0x1000  }
0x98: {  	[sflag:s22] =	ssyncset.done $0x0  }
0x99: {  	[sflag:s22] =	ssyncadd.s32 $0xFFFFF000  }
0x9a: {  	_ =	swait.ge [sflag:s22], $0x1000  }
0x9b: {  	[sflag:s22] =	ssyncset.done $0x0  }
0x9c: {  	[sflag:s22] =	ssyncadd.s32 $0xFFFFF000  }
0x9d: {  	[bflag:$0x0] =	sbarrier.arrive $0xFFFF  }
0x9e: {  	[tilespmem:s23], [sflag:$0x2] =	stream.linear.gather [spmem:s4], $0x5000, $0x38;
	[tilespmem:$0x13400] =	vst v63  }
0x9f: {  	s24 =	sadd.s32 $0x1, s24;
	_ =	swait.ge [sflag:s12], $0x5000  }
0xa0: {  	p0 =	sne.s32 s24, s9;
	[sflag:s12] =	ssyncset.done $0x0  }
.Ltmp1:
0xa1: {  	[sflag:s12] =	ssyncadd.s32 $0xFFFFB000;
	(pc) =	sbr.rel @p0 .LBB2_1-.Ltmp1, $4  }
0xa2: {  	[hbm4b:s8+s3] =	stream.linear.scatter [tilespmem:s23], [sflag:$0x2], $0x5000, $0x38;
	[tilespmem:$0x13400] =	vst v63  }
0xa3: {  	_ =	swait.ge [sflag:s12], $0x5000  }
0xa4: {  	[sflag:s12] =	ssyncset.done $0x0  }
0xa5: {  	[sflag:s12] =	ssyncadd.s32 $0xFFFFB000  }
0xa6: {  	_ =	sfence.sel $0x180000  }
0xa7: {  	[bflag:$0x0] =	sbarrier.arrive $0xFFFF  }
0xa8: {  	p0 =	sne.s32 s0, $0x0;
	_ =	strace $0x9000004A  }
0xa9: {  	s0 =	sadd.s32 @!p0 $0x100000, s1;
	[bflag:$0x2] =	sbarrier.arrive $0xFFFF  }
0xaa: {  	[sflag:s0] =	ssyncadd.tile.s32 @!p0 $0x1;
	_ =	shalt  }
.Lfunc_end2:
_tile_overlayer_lowered:
.L_overlay_start_2:
0xab: {  	(tag) =	ssettag $0x2  }
0xac: {  	s0 =	rddreg [dreg:$0x0];
	s2 =	stileid.u32  }
0xad: {  	s1 =	rddreg [dreg:$0x1];
	p0 =	sne.s32 s2, $0x0  }
0xae: {  	s3 =	rddreg [dreg:$0x2];
	[bflag:$0x3] =	sbarrier.arrive $0xFFFF;
	s2 =	simm.s32 @!p0 $0x1C02  }
0xaf: {  	[timem:s3], [sflag:s2] =	dma.local @!p0 [hbm:s0], s1  }
0xb0: {  	s0 =	simm.s32 @!p0 $0x2  }
0xb1: {  	_ =	swait.ge @!p0 [sflag:s0], s1  }
0xb2: {  	s1 =	ssub.s32 @!p0 $0x0, s1;
	[sflag:s0] =	ssyncset.done @!p0 $0x0  }
0xb3: {  	[sflag:s0] =	ssyncadd.s32 @!p0 s1  }
0xb4: {  	[bflag:$0x3] =	sbarrier.arrive $0xFFFF  }
0xb5: {  	_ =	shalt  }

</sc_bundles>
